<compile_context>
chip_gen: v7x
topology: tpu7x:2x2x1
jax: 0.10.2.dev20260603
libtpu: 0.0.44.dev20260713+nightly
codegen_flags: <defaults>
</compile_context>

<pallas_src>
import functools

import jax
import jax.numpy as jnp
import numpy as np
from jax import lax
from jax.experimental import pallas as pl
from jax.experimental.pallas import tpu as pltpu
from jax.experimental.pallas import tpu_sc as plsc

N = 10000
E = 320000
D = 128
ED = 16
DD = 16
T = 128
H = 8
C = 16

NC = 2
NS = 16
NW = NC * NS
CH = 128
KCH = 79
E_pad = NW * CH * KCH

BN = 2000
BE = 2048
GN = N // BN
GE = E_pad // BE
LAST_IN_BLK = (E + BE - 1) // BE - 1

_f32 = jnp.float32


def _silu(x):
    return x * jax.nn.sigmoid(x)


def _ln(x, eps=1e-6):
    m = jnp.mean(x, axis=-1, keepdims=True)
    v = jnp.var(x, axis=-1, keepdims=True)
    return (x - m) / jnp.sqrt(v + eps)


def _full(shape):
    return pl.BlockSpec(shape, lambda i: tuple(0 for _ in shape))


def _rb(b, w):
    return pl.BlockSpec((b, w), lambda i: (i, 0))


def _rbc(b, w, maxi):
    return pl.BlockSpec((b, w), lambda i: (jnp.minimum(i, maxi), 0))



def _node1_body(h_ref, nte_ref, pos16_ref, wntm_ref, bntm_ref, wq_ref, bq_ref,
                wk_ref, bk_ref, wv_ref, bv_ref,
                qp_ref, kp_ref, v_ref, nrest_ref):
    h = h_ref[...]
    nmod = _silu(nte_ref[...]) @ wntm_ref[...] + bntm_ref[...]
    sh, sc = nmod[:, 0:D], nmod[:, D:2 * D]
    hm = _ln(h) * (1.0 + sc) + sh
    q = hm @ wq_ref[...] + bq_ref[...]
    k = hm @ wk_ref[...] + bk_ref[...]
    v = hm @ wv_ref[...] + bv_ref[...]
    p16 = pos16_ref[...]
    pad = jnp.zeros((BN, 2 * D - (D + 16)), _f32)
    qp_ref[...] = jnp.concatenate([q, p16, pad], axis=1)
    kp_ref[...] = jnp.concatenate([k, p16, pad], axis=1)
    v_ref[...] = v
    nrest_ref[...] = nmod[:, 2 * D:]


def _edge1_body(qpd_ref, kps_ref, ea_ref, ete_ref, wee_ref, bee_ref,
                wetm_ref, betm_ref, we0_ref, we1_ref, gm_ref, gs_ref, csc_ref,
                ex16_ref, e1_ref, dc_ref, erest_ref):
    blk = pl.program_id(0)
    rows = blk * BE + lax.broadcasted_iota(jnp.int32, (BE, 1), 0)
    valid = (rows < E).astype(_f32)

    qpd = qpd_ref[...]
    kps = kps_ref[...]
    cd0 = kps[:, D:D + 16] - qpd[:, D:D + 16]
    radial = jnp.sum(cd0 * cd0, axis=1, keepdims=True)
    gm = gm_ref[...]
    gs = gs_ref[...]
    a = (2.0 * 3.14159) ** 0.5
    gauss = jnp.exp(-0.5 * ((radial - gm) / gs) ** 2) / (a * gs)
    col0 = lax.broadcasted_iota(jnp.int32, (BE, 16), 1) == 0
    distance = jnp.where(col0, radial, gauss)
    nrm = jnp.sqrt(radial)
    cdn = cd0 / jnp.maximum(nrm, 1e-8) * csc_ref[0, 0]
    dc_ref[...] = jnp.concatenate([distance, cdn], axis=1) * valid

    ea2 = jnp.concatenate([distance, ea_ref[...]], axis=1) @ wee_ref[...] + bee_ref[...]
    emod = _silu(ete_ref[...]) @ wetm_ref[...] + betm_ref[...]
    em = _ln(ea2) * (1.0 + emod[:, ED:2 * ED]) + emod[:, 0:ED]
    e0 = jnp.tanh(em @ we0_ref[...])
    e1 = jnp.tanh(em @ we1_ref[...])
    e1_ref[...] = e1
    erest_ref[...] = emod[:, 2 * ED:]

    t = qpd[:, :D] * kps[:, :D] * e0
    hsel = (lax.broadcasted_iota(jnp.int32, (D, H), 0) // C
            == lax.broadcasted_iota(jnp.int32, (D, H), 1)).astype(_f32)
    alpha = (t @ hsel) * (1.0 / np.sqrt(C).astype(np.float32))
    ex = jnp.exp(alpha) * valid
    ex16_ref[...] = jnp.concatenate([ex, jnp.zeros((BE, 8), _f32)], axis=1)


def _edge2_body(vs_ref, e1_ref, ex16_ref, msg_ref):
    rep = (lax.broadcasted_iota(jnp.int32, (16, D), 1) // C
           == lax.broadcasted_iota(jnp.int32, (16, D), 0)).astype(_f32)
    msg_ref[...] = vs_ref[...] * e1_ref[...] * (ex16_ref[...] @ rep)


def _node2_body(m0_ref, m1_ref, d0_ref, d1_ref, h_ref, nrest_ref,
                wproj_ref, bproj_ref,
                wff1_ref, bff1_ref, wff2_ref, bff2_ref, hout_ref, tbl_ref):
    invd = 1.0 / (d0_ref[...] + d1_ref[...] + 1e-16)
    rep = (lax.broadcasted_iota(jnp.int32, (16, D), 1) // C
           == lax.broadcasted_iota(jnp.int32, (16, D), 0)).astype(_f32)
    agg = (m0_ref[...] + m1_ref[...]) * (invd @ rep)
    hp = agg @ wproj_ref[...] + bproj_ref[...]
    nrest = nrest_ref[...]
    h_node = h_ref[...] + nrest[:, 0:D] * hp
    x = _ln(h_node) * (1.0 + nrest[:, 2 * D:3 * D]) + nrest[:, D:2 * D]
    ffn = _silu(x @ wff1_ref[...] + bff1_ref[...]) @ wff2_ref[...] + bff2_ref[...]
    h_out = h_node + nrest[:, 3 * D:] * ffn
    hout_ref[...] = h_out
    tbl_ref[...] = jnp.concatenate([hp, h_out], axis=1)


def _edge3_body(tbls_ref, tbld_ref, ea_ref, ete_ref, erest_ref, dc_ref,
                wn2e_ref, bn2e_ref, wff3_ref, bff3_ref, wff4_ref, bff4_ref,
                wtm_ref, btm_ref, wi1_ref, wi2_ref, wi3_ref, wi4_ref, binp_ref,
                wcm1_ref, bcm1_ref, wcm2_ref,
                heout_ref, trans_ref):
    tbls = tbls_ref[...]
    tbld = tbld_ref[...]
    erest = erest_ref[...]
    e_g_msa = erest[:, 0:ED]
    e_sh_mlp = erest[:, ED:2 * ED]
    e_sc_mlp = erest[:, 2 * ED:3 * ED]
    e_g_mlp = erest[:, 3 * ED:4 * ED]

    h_edgeM = (tbls[:, :D] + tbld[:, :D]) @ wn2e_ref[...] + bn2e_ref[...]
    h_edge = ea_ref[...] + e_g_msa * h_edgeM
    e_out = _ln(h_edge) * (1.0 + e_sc_mlp) + e_sh_mlp
    ffe = _silu(e_out @ wff3_ref[...] + bff3_ref[...]) @ wff4_ref[...] + bff4_ref[...]
    h_edge_out = h_edge + e_g_mlp * ffe
    heout_ref[...] = h_edge_out

    tm = _silu(ete_ref[...]) @ wtm_ref[...] + btm_ref[...]
    dc = dc_ref[...]
    hin = (tbls[:, D:] @ wi1_ref[...] + tbld[:, D:] @ wi2_ref[...]
           + h_edge_out @ wi3_ref[...] + dc[:, :16] @ wi4_ref[...] + binp_ref[...])
    inv = _ln(hin) * (1.0 + tm[:, D:]) + tm[:, 0:D]
    inv = jnp.tanh(_silu(inv @ wcm1_ref[...] + bcm1_ref[...]) @ wcm2_ref[...])
    trans_ref[...] = dc[:, 16:32] * inv


def _pos_body(pos16_ref, t0_ref, t1_ref, out_ref):
    out_ref[...] = pos16_ref[...] + t0_ref[...] + t1_ref[...]



_MESH = plsc.VectorSubcoreMesh(core_axis_name="c", subcore_axis_name="s",
                               num_cores=NC, num_subcores=NS)


def _make_gather2(wa, wb):

    @functools.partial(
        pl.kernel,
        out_type=(jax.ShapeDtypeStruct((E_pad, wa), _f32),
                  jax.ShapeDtypeStruct((E_pad, wb), _f32)),
        mesh=_MESH,
        scratch_types=[
            pltpu.VMEM((CH,), jnp.int32),
            pltpu.VMEM((CH,), jnp.int32),
            pltpu.VMEM((CH, wa), _f32),
            pltpu.VMEM((CH, wb), _f32),
            pltpu.SemaphoreType.DMA,
            pltpu.SemaphoreType.DMA,
        ],
    )
    def gather2(taba, tabb, idxa, idxb, outa, outb,
                idxa_v, idxb_v, bufa, bufb, sema, semb):
        wid = lax.axis_index("s") * NC + lax.axis_index("c")
        base = wid * KCH

        def chunk(i, carry):
            ebase = (base + i) * CH
            pltpu.sync_copy(idxa.at[pl.ds(ebase, CH)], idxa_v)
            pltpu.sync_copy(idxb.at[pl.ds(ebase, CH)], idxb_v)
            cpa = pltpu.async_copy(taba.at[idxa_v], bufa, sema)
            cpb = pltpu.async_copy(tabb.at[idxb_v], bufb, semb)
            cpa.wait()
            cpb.wait()
            pltpu.sync_copy(bufa, outa.at[pl.ds(ebase, CH)])
            pltpu.sync_copy(bufb, outb.at[pl.ds(ebase, CH)])
            return carry

        lax.fori_loop(0, KCH, chunk, 0)

    return gather2


N_sub = ((N + NS * 8 - 1) // (NS * 8)) * 8
N_pad = NS * N_sub


def _make_gather1(w):

    @functools.partial(
        pl.kernel,
        out_type=jax.ShapeDtypeStruct((E_pad, w), _f32),
        mesh=_MESH,
        scratch_types=[
            pltpu.VMEM((CH,), jnp.int32),
            pltpu.VMEM((CH, w), _f32),
            pltpu.SemaphoreType.DMA,
        ],
    )
    def gather1(tab, idx, out, idx_v, buf, sem):
        wid = lax.axis_index("s") * NC + lax.axis_index("c")
        base = wid * KCH

        def chunk(i, carry):
            ebase = (base + i) * CH
            pltpu.sync_copy(idx.at[pl.ds(ebase, CH)], idx_v)
            pltpu.async_copy(tab.at[idx_v], buf, sem).wait()
            pltpu.sync_copy(buf, out.at[pl.ds(ebase, CH)])
            return carry

        lax.fori_loop(0, KCH, chunk, 0)

    return gather1


_gather_qk = _make_gather2(2 * D, 2 * D)
_gather_v = _make_gather1(D)
_gather_tbl = _make_gather2(2 * D, 2 * D)



N2 = 10240
BES = 512
GES = E_pad // BES


def _seg_body(idx_ref, vals_ref, out_ref):
    i = pl.program_id(0)

    @pl.when(i == 0)
    def _zero():
        out_ref[...] = jnp.zeros_like(out_ref)

    ids = idx_ref[...].reshape(1, BES)
    oh = (lax.broadcasted_iota(jnp.int32, (N2, BES), 0) == ids).astype(_f32)
    out_ref[...] += jnp.dot(oh, vals_ref[...],
                            preferred_element_type=_f32)


def _tc_scatter(vals, idx2):
    w = vals.shape[1]
    out = pl.pallas_call(
        _seg_body,
        grid=(GES,),
        in_specs=[pl.BlockSpec((BES, 1), lambda i: (i, 0)),
                  pl.BlockSpec((BES, w), lambda i: (i, 0))],
        out_specs=pl.BlockSpec((N2, w), lambda i: (0, 0)),
        out_shape=jax.ShapeDtypeStruct((N2, w), _f32),
    )(idx2.reshape(E_pad, 1), vals)
    return jnp.concatenate([out[:N_pad], jnp.zeros((N_pad, w), _f32)])



def kernel(pos, h, edge_attr, edge_index, node_time_emb, edge_time_emb, params):
    g2, g2t, g1, s16, s128 = (_gather_qk, _gather_tbl, _gather_v,
                              _tc_scatter, _tc_scatter)
    p = params
    src = jnp.pad(edge_index[0], (0, E_pad - E))
    dst = jnp.pad(edge_index[1], (0, E_pad - E))
    src2 = src.reshape(-1, CH)
    dst2 = dst.reshape(-1, CH)
    pos16 = jnp.pad(pos, ((0, 0), (0, 13)))

    r2 = lambda b: b.reshape(1, -1)
    wntm_t = p['W_ntm'].T
    wee_t = p['W_edge_emb'].T
    wetm_t = p['W_etm'].T
    wi = p['W_inp']
    csc = p['coors_scale'][0]

    qp_tab, kp_tab, v_tab, nrest = pl.pallas_call(
        _node1_body,
        grid=(GN,),
        in_specs=[_rb(BN, D), _rb(BN, T), _rb(BN, 16),
                  _full((D, 6 * D)), _full((1, 6 * D)),
                  _full((D, D)), _full((1, D)), _full((D, D)), _full((1, D)),
                  _full((D, D)), _full((1, D))],
        out_specs=[_rb(BN, 2 * D), _rb(BN, 2 * D), _rb(BN, D), _rb(BN, 4 * D)],
        out_shape=[jax.ShapeDtypeStruct((N, 2 * D), _f32),
                   jax.ShapeDtypeStruct((N, 2 * D), _f32),
                   jax.ShapeDtypeStruct((N, D), _f32),
                   jax.ShapeDtypeStruct((N, 4 * D), _f32)],
    )(h, node_time_emb, pos16, wntm_t, r2(p['b_ntm']),
      p['Wq'].T, r2(p['bq']), p['Wk'].T, r2(p['bk']), p['Wv'].T, r2(p['bv']))

    qpd, kps = g2(qp_tab, kp_tab, dst, src)

    gm16 = jnp.concatenate([jnp.zeros((1,), _f32), p['g_means']]).reshape(1, 16)
    gs16 = jnp.concatenate([jnp.ones((1,), _f32),
                            jnp.abs(p['g_stds']) + 1e-5]).reshape(1, 16)
    ex16, e1, dist_cdn, erest = pl.pallas_call(
        _edge1_body,
        grid=(GE,),
        in_specs=[_rb(BE, 2 * D), _rb(BE, 2 * D),
                  _rbc(BE, ED, LAST_IN_BLK), _rbc(BE, T, LAST_IN_BLK),
                  _full((DD + ED, ED)), _full((1, ED)),
                  _full((T, 6 * ED)), _full((1, 6 * ED)),
                  _full((ED, D)), _full((ED, D)),
                  _full((1, 16)), _full((1, 16)), _full((1, 1))],
        out_specs=[_rb(BE, 16), _rb(BE, D), _rb(BE, 32), _rb(BE, 4 * ED)],
        out_shape=[jax.ShapeDtypeStruct((E_pad, 16), _f32),
                   jax.ShapeDtypeStruct((E_pad, D), _f32),
                   jax.ShapeDtypeStruct((E_pad, 32), _f32),
                   jax.ShapeDtypeStruct((E_pad, 4 * ED), _f32)],
    )(qpd, kps, edge_attr, edge_time_emb, wee_t, r2(p['b_edge_emb']),
      wetm_t, r2(p['b_etm']), p['We0'].T, p['We1'].T, gm16, gs16,
      csc.reshape(1, 1))

    den_parts = s16(ex16, dst2)

    vs = g1(v_tab, src)

    msg = pl.pallas_call(
        _edge2_body,
        grid=(GE,),
        in_specs=[_rb(BE, D), _rb(BE, D), _rb(BE, 16)],
        out_specs=_rb(BE, D),
        out_shape=jax.ShapeDtypeStruct((E_pad, D), _f32),
    )(vs, e1, ex16)

    msg_parts = s128(msg, dst2)

    h_out, tbl = pl.pallas_call(
        _node2_body,
        grid=(GN,),
        in_specs=[_rb(BN, D), _rb(BN, D), _rb(BN, 16), _rb(BN, 16),
                  _rb(BN, D), _rb(BN, 4 * D),
                  _full((D, D)), _full((1, D)),
                  _full((D, 2 * D)), _full((1, 2 * D)),
                  _full((2 * D, D)), _full((1, D))],
        out_specs=[_rb(BN, D), _rb(BN, 2 * D)],
        out_shape=[jax.ShapeDtypeStruct((N, D), _f32),
                   jax.ShapeDtypeStruct((N, 2 * D), _f32)],
    )(msg_parts[:N_pad], msg_parts[N_pad:], den_parts[:N_pad], den_parts[N_pad:], h, nrest,
      p['Wproj'].T, r2(p['bproj']),
      p['W_ff1'].T, r2(p['b_ff1']), p['W_ff2'].T, r2(p['b_ff2']))

    tbls, tbld = g2t(tbl, tbl, src, dst)

    h_edge_out, trans16 = pl.pallas_call(
        _edge3_body,
        grid=(GE,),
        in_specs=[_rb(BE, 2 * D), _rb(BE, 2 * D),
                  _rbc(BE, ED, LAST_IN_BLK), _rbc(BE, T, LAST_IN_BLK),
                  _rb(BE, 4 * ED), _rb(BE, 32),
                  _full((D, ED)), _full((1, ED)),
                  _full((ED, 2 * ED)), _full((1, 2 * ED)),
                  _full((2 * ED, ED)), _full((1, ED)),
                  _full((T, 2 * D)), _full((1, 2 * D)),
                  _full((D, D)), _full((D, D)), _full((ED, D)), _full((ED, D)),
                  _full((1, D)),
                  _full((D, D)), _full((1, D)), _full((D, 1))],
        out_specs=[_rb(BE, ED), _rb(BE, 16)],
        out_shape=[jax.ShapeDtypeStruct((E_pad, ED), _f32),
                   jax.ShapeDtypeStruct((E_pad, 16), _f32)],
    )(tbls, tbld, edge_attr, edge_time_emb, erest, dist_cdn,
      p['W_n2e'].T, r2(p['b_n2e']),
      p['W_ff3'].T, r2(p['b_ff3']), p['W_ff4'].T, r2(p['b_ff4']),
      p['W_tmlp'].T, r2(p['b_tmlp']),
      wi[:, :D].T, wi[:, D:2 * D].T, wi[:, 2 * D:2 * D + ED].T,
      wi[:, 2 * D + ED:].T, r2(p['b_inp']),
      p['W_cm1'].T, r2(p['b_cm1']), p['W_cm2'].T)

    trans_parts = s16(trans16, src2)

    pos16_out = pl.pallas_call(
        _pos_body,
        grid=(GN,),
        in_specs=[_rb(BN, 16), _rb(BN, 16), _rb(BN, 16)],
        out_specs=_rb(BN, 16),
        out_shape=jax.ShapeDtypeStruct((N, 16), _f32),
    )(pos16, trans_parts[:N_pad], trans_parts[N_pad:])

    return h_out, h_edge_out[:E], pos16_out[:, :3]

# --- scband reference (transcript-rebuilt; emitter-appended) ---
"""Pipeline reference for scband-equivariant-block-17179869184408 (READ-ONLY COPY).

The authoritative reference and input builder live on the scoring server;
editing this copy changes nothing except your own understanding.
"""

import jax, jax.numpy as jnp
import numpy as np

N = 10000
E = 320000
D = 128
ED = 16
DD = 16
T = 128
H = 8
C = 16

def silu(x):
    return x * jax.nn.sigmoid(x)

def layer_norm(x, eps=1e-6):
    m = jnp.mean(x, axis=-1, keepdims=True)
    v = jnp.var(x, axis=-1, keepdims=True)
    return (x - m) / jnp.sqrt(v + eps)

def modulate(x, shift, scale):
    return x * (1 + scale) + shift

def gaussian(x, mean, std):
    a = (2 * 3.14159) ** 0.5
    return jnp.exp(-0.5 * ((x - mean) / std) ** 2) / (a * std)

def segment_softmax(alpha, index, num_segments):
    amax = jax.ops.segment_max(alpha, index, num_segments=num_segments)
    amax = jnp.where(jnp.isfinite(amax), amax, 0.0)
    ex = jnp.exp(alpha - amax[index])
    den = jax.ops.segment_sum(ex, index, num_segments=num_segments)
    return ex / (den[index] + 1e-16)

def make_params(key):
    ks = jax.random.split(key, 32)
    def lin(k, o, i, s=0.02):
        return jax.random.normal(k, (o, i), jnp.float32) * s
    z = lambda d: jnp.zeros((d,), jnp.float32)
    p = {}
    p['W_edge_emb'] = lin(ks[0], ED, ED + DD); p['b_edge_emb'] = z(ED)
    p['W_n2e'] = lin(ks[1], ED, D); p['b_n2e'] = z(ED)
    p['Wq'] = lin(ks[2], H * C, D); p['bq'] = z(H * C)
    p['Wk'] = lin(ks[3], H * C, D); p['bk'] = z(H * C)
    p['Wv'] = lin(ks[4], H * C, D); p['bv'] = z(H * C)
    p['We0'] = lin(ks[5], H * C, ED)
    p['We1'] = lin(ks[6], H * C, ED)
    p['Wproj'] = lin(ks[7], H * C, H * C); p['bproj'] = z(H * C)
    p['W_ff1'] = lin(ks[8], 2 * D, D); p['b_ff1'] = z(2 * D)
    p['W_ff2'] = lin(ks[9], D, 2 * D); p['b_ff2'] = z(D)
    p['W_ff3'] = lin(ks[10], 2 * ED, ED); p['b_ff3'] = z(2 * ED)
    p['W_ff4'] = lin(ks[11], ED, 2 * ED); p['b_ff4'] = z(ED)
    p['coors_scale'] = jnp.full((1,), 0.01, jnp.float32)
    p['W_tmlp'] = lin(ks[12], 2 * D, T); p['b_tmlp'] = z(2 * D)
    p['W_inp'] = lin(ks[13], D, 2 * D + ED + DD); p['b_inp'] = z(D)
    p['W_cm1'] = lin(ks[14], D, D); p['b_cm1'] = z(D)
    p['W_cm2'] = lin(ks[15], 1, D)
    p['W_ntm'] = lin(ks[16], 6 * D, T); p['b_ntm'] = z(6 * D)
    p['W_etm'] = lin(ks[17], 6 * ED, T); p['b_etm'] = z(6 * ED)
    p['g_means'] = jax.random.uniform(ks[18], (DD - 1,), jnp.float32, 0.0, 3.0)
    p['g_stds'] = jax.random.uniform(ks[19], (DD - 1,), jnp.float32, 0.0, 3.0)
    return p

def setup_inputs(seed: int = 0):
    key = jax.random.key(seed)
    k = jax.random.split(key, 8)
    return {
        'pos': jax.random.normal(k[0], (N, 3), jnp.float32),
        'h': jax.random.normal(k[1], (N, D), jnp.float32),
        'edge_attr': jax.random.normal(k[2], (E, ED), jnp.float32),
        'edge_index': jax.random.randint(k[3], (2, E), 0, N, jnp.int32),
        'node_time_emb': jax.random.normal(k[4], (N, T), jnp.float32),
        'edge_time_emb': jax.random.normal(k[5], (E, T), jnp.float32),
        'params': make_params(k[6]),
    }

def _forward(pos, h, edge_attr, node_time_emb, edge_time_emb, params, edge_index):
    p = params
    src = edge_index[0]
    dst = edge_index[1]
    h_in_node = h
    h_in_edge = edge_attr
    # distance feature (coord2dist + GaussianLayer)
    cd0 = pos[src] - pos[dst]
    radial = jnp.sum(cd0 ** 2, axis=1, keepdims=True)
    std = jnp.abs(p['g_stds']) + 1e-5
    distance = jnp.concatenate([radial, gaussian(radial, p['g_means'], std)], axis=-1)
    ea = jnp.concatenate([distance, edge_attr], axis=-1) @ p['W_edge_emb'].T + p['b_edge_emb']
    # time conditioning (adaLN style)
    nmod = silu(node_time_emb) @ p['W_ntm'].T + p['b_ntm']
    n_sh_msa, n_sc_msa, n_g_msa, n_sh_mlp, n_sc_mlp, n_g_mlp = jnp.split(nmod, 6, axis=1)
    emod = silu(edge_time_emb) @ p['W_etm'].T + p['b_etm']
    e_sh_msa, e_sc_msa, e_g_msa, e_sh_mlp, e_sc_mlp, e_g_mlp = jnp.split(emod, 6, axis=1)
    hm = modulate(layer_norm(h), n_sh_msa, n_sc_msa)
    em = modulate(layer_norm(ea), e_sh_msa, e_sc_msa)
    # TransLayer (graph relational transformer message passing)
    q = (hm @ p['Wq'].T + p['bq']).reshape(N, H, C)
    k = (hm @ p['Wk'].T + p['bk']).reshape(N, H, C)
    v = (hm @ p['Wv'].T + p['bv']).reshape(N, H, C)
    e0 = jnp.tanh(em @ p['We0'].T).reshape(E, H, C)
    e1 = jnp.tanh(em @ p['We1'].T).reshape(E, H, C)
    alpha = jnp.sum(q[dst] * k[src] * e0, axis=-1) / np.sqrt(C).astype(np.float32)
    alpha = segment_softmax(alpha, dst, N)
    msg = v[src] * e1 * alpha[:, :, None]
    h_node = jax.ops.segment_sum(msg, dst, num_segments=N).reshape(N, H * C)
    h_node = h_node @ p['Wproj'].T + p['bproj']
    # node -> edge
    h_edge = h_node[src] + h_node[dst]
    h_edge = h_edge @ p['W_n2e'].T + p['b_n2e']
    h_node = h_in_node + n_g_msa * h_node
    h_edge = h_in_edge + e_g_msa * h_edge
    # node FFN
    h_out = modulate(layer_norm(h_node), n_sh_mlp, n_sc_mlp)
    ffn = silu(h_out @ p['W_ff1'].T + p['b_ff1']) @ p['W_ff2'].T + p['b_ff2']
    h_out = h_node + n_g_mlp * ffn
    # edge FFN
    e_out = modulate(layer_norm(h_edge), e_sh_mlp, e_sc_mlp)
    ffe = silu(e_out @ p['W_ff3'].T + p['b_ff3']) @ p['W_ff4'].T + p['b_ff4']
    h_edge_out = h_edge + e_g_mlp * ffe
    # CondEquiUpdate (equivariant coordinate update)
    cd = pos[src] - pos[dst]
    nrm = jnp.linalg.norm(cd, axis=-1, keepdims=True)
    cdn = cd / jnp.maximum(nrm, 1e-8) * p['coors_scale']
    tm = silu(edge_time_emb) @ p['W_tmlp'].T + p['b_tmlp']
    shift, scale = jnp.split(tm, 2, axis=1)
    h_input = jnp.concatenate([h_out[src], h_out[dst], h_edge_out, distance], axis=1)
    inv = modulate(layer_norm(h_input @ p['W_inp'].T + p['b_inp']), shift, scale)
    inv = jnp.tanh(silu(inv @ p['W_cm1'].T + p['b_cm1']) @ p['W_cm2'].T)
    trans = cdn * inv
    agg = jax.ops.segment_sum(trans, src, num_segments=N)
    pos_out = pos + agg
    return h_out, h_edge_out, pos_out

def reference(pos, h, edge_attr, edge_index, node_time_emb, edge_time_emb, params):
    return _forward(pos, h, edge_attr, node_time_emb, edge_time_emb, params, edge_index)

if __name__ == "__main__":
    import jax
    _d = setup_inputs()
    print(jax.jit(kernel)(*tuple(_d.values())))

</pallas_src>

<mosaic_0001>
#map = affine_map<(d0, d1) -> (0, 0)>
#map1 = affine_map<(d0, d1) -> (0)>
module attributes {stable_mosaic.version = 14 : i64} {
  func.func @gather2(%arg0: i32, %arg1: i32, %arg2: memref<10000x256xf32, #tpu.memory_space<hbm>>, %arg3: memref<10000x256xf32, #tpu.memory_space<hbm>>, %arg4: memref<323584xi32, #tpu.memory_space<hbm>>, %arg5: memref<323584xi32, #tpu.memory_space<hbm>>, %arg6: memref<323584x256xf32, #tpu.memory_space<hbm>>, %arg7: memref<323584x256xf32, #tpu.memory_space<hbm>>, %arg8: memref<128xi32, #tpu.memory_space<vmem>>, %arg9: memref<128xi32, #tpu.memory_space<vmem>>, %arg10: memref<128x256xf32, #tpu.memory_space<vmem>>, %arg11: memref<128x256xf32, #tpu.memory_space<vmem>>, %arg12: memref<!tpu.dma_semaphore, #tpu.memory_space<semaphore_mem>>, %arg13: memref<!tpu.dma_semaphore, #tpu.memory_space<semaphore_mem>>) attributes {dimension_semantics = [#tpu.dimension_semantics<core_parallel>, #tpu.dimension_semantics<subcore_parallel>], iteration_bounds = array<i64: 2, 16>, scalar_prefetch = 0 : i64, scratch_operands = 6 : i64, tpu.core_type = #tpu.core_type<sc_vector_subcore>, window_params = [{transform_indices = #map}, {transform_indices = #map}, {transform_indices = #map1}, {transform_indices = #map1}, {transform_indices = #map}, {transform_indices = #map}]} {
    %mul3A = arith.constant 2 : i32
    %mul3A_0 = arith.muli %arg1, %mul3A : i32
    %add3A = arith.addi %mul3A_0, %arg0 : i32
    %mul3A_1 = arith.constant 79 : i32
    %mul3A_2 = arith.muli %add3A, %mul3A_1 : i32
    %scan3A = arith.constant 0 : i32
    %scan3A_3 = arith.constant 0 : i32
    %scan3A_4 = arith.constant 79 : i32
    %scan3A_5 = arith.addi %scan3A_3, %scan3A_4 : i32
    %scan3A_6 = arith.constant 1 : i32
    scf.for %scan3A_8 = %scan3A_3 to %scan3A_5 step %scan3A_6  : i32 {
      %add3A_9 = arith.addi %mul3A_2, %scan3A_8 : i32
      %mul3A_10 = arith.constant 128 : i32
      %mul3A_11 = arith.muli %add3A_9, %mul3A_10 : i32
      "tpu.region"() ({
        %run_scoped3A = tpu.sem_alloc : memref<!tpu.dma_semaphore, #tpu.memory_space<semaphore_mem>>
        %dma_start3A_22 = tpu.memref_slice %arg4[%mul3A_11] : memref<323584xi32, #tpu.memory_space<hbm>> -> memref<128xi32, #tpu.memory_space<hbm>>
        %dma_start3A_23 = tpu.memref_slice %arg4[%mul3A_11] : memref<323584xi32, #tpu.memory_space<hbm>> -> memref<128xi32, #tpu.memory_space<hbm>>
        tpu.enqueue_dma source(%dma_start3A_23 : memref<128xi32, #tpu.memory_space<hbm>>) target(%arg8 : memref<128xi32, #tpu.memory_space<vmem>>) target_semaphore(%run_scoped3A : memref<!tpu.dma_semaphore, #tpu.memory_space<semaphore_mem>>)
        %dma_wait3A_24 = tpu.memref_slice %arg4[%mul3A_11] : memref<323584xi32, #tpu.memory_space<hbm>> -> memref<128xi32, #tpu.memory_space<hbm>>
        %dma_wait3A_25 = tpu.memref_slice %arg4[%mul3A_11] : memref<323584xi32, #tpu.memory_space<hbm>> -> memref<128xi32, #tpu.memory_space<hbm>>
        tpu.wait_dma2 semaphore(%run_scoped3A : memref<!tpu.dma_semaphore, #tpu.memory_space<semaphore_mem>>) src(%dma_wait3A_25 : memref<128xi32, #tpu.memory_space<hbm>>) dst(%arg8 : memref<128xi32, #tpu.memory_space<vmem>>)
        tpu.yield
      }) : () -> ()
      "tpu.region"() ({
        %run_scoped3A = tpu.sem_alloc : memref<!tpu.dma_semaphore, #tpu.memory_space<semaphore_mem>>
        %dma_start3A_22 = tpu.memref_slice %arg5[%mul3A_11] : memref<323584xi32, #tpu.memory_space<hbm>> -> memref<128xi32, #tpu.memory_space<hbm>>
        %dma_start3A_23 = tpu.memref_slice %arg5[%mul3A_11] : memref<323584xi32, #tpu.memory_space<hbm>> -> memref<128xi32, #tpu.memory_space<hbm>>
        tpu.enqueue_dma source(%dma_start3A_23 : memref<128xi32, #tpu.memory_space<hbm>>) target(%arg9 : memref<128xi32, #tpu.memory_space<vmem>>) target_semaphore(%run_scoped3A : memref<!tpu.dma_semaphore, #tpu.memory_space<semaphore_mem>>)
        %dma_wait3A_24 = tpu.memref_slice %arg5[%mul3A_11] : memref<323584xi32, #tpu.memory_space<hbm>> -> memref<128xi32, #tpu.memory_space<hbm>>
        %dma_wait3A_25 = tpu.memref_slice %arg5[%mul3A_11] : memref<323584xi32, #tpu.memory_space<hbm>> -> memref<128xi32, #tpu.memory_space<hbm>>
        tpu.wait_dma2 semaphore(%run_scoped3A : memref<!tpu.dma_semaphore, #tpu.memory_space<semaphore_mem>>) src(%dma_wait3A_25 : memref<128xi32, #tpu.memory_space<hbm>>) dst(%arg9 : memref<128xi32, #tpu.memory_space<vmem>>)
        tpu.yield
      }) : () -> ()
      %dma_start3A = arith.constant 0 : i32
      %dma_start3A_12 = arith.constant 0 : i32
      %dma_start3A_13 = tpu.memref_slice %arg2[%dma_start3A, %dma_start3A_12] : memref<10000x256xf32, #tpu.memory_space<hbm>> -> memref<10000x256xf32, #tpu.memory_space<hbm>>
      tpu.enqueue_indirect_dma source(%dma_start3A_13 : memref<10000x256xf32, #tpu.memory_space<hbm>>) target(%arg10 : memref<128x256xf32, #tpu.memory_space<vmem>>) offsets(%arg8 : memref<128xi32, #tpu.memory_space<vmem>>) semaphore(%arg12 : memref<!tpu.dma_semaphore, #tpu.memory_space<semaphore_mem>>)
      %dma_start3A_14 = arith.constant 0 : i32
      %dma_start3A_15 = arith.constant 0 : i32
      %dma_start3A_16 = tpu.memref_slice %arg3[%dma_start3A_14, %dma_start3A_15] : memref<10000x256xf32, #tpu.memory_space<hbm>> -> memref<10000x256xf32, #tpu.memory_space<hbm>>
      tpu.enqueue_indirect_dma source(%dma_start3A_16 : memref<10000x256xf32, #tpu.memory_space<hbm>>) target(%arg11 : memref<128x256xf32, #tpu.memory_space<vmem>>) offsets(%arg9 : memref<128xi32, #tpu.memory_space<vmem>>) semaphore(%arg13 : memref<!tpu.dma_semaphore, #tpu.memory_space<semaphore_mem>>)
      %dma_wait3A = arith.constant 0 : i32
      %dma_wait3A_17 = arith.constant 0 : i32
      %dma_wait3A_18 = tpu.memref_slice %arg2[%dma_wait3A, %dma_wait3A_17] : memref<10000x256xf32, #tpu.memory_space<hbm>> -> memref<10000x256xf32, #tpu.memory_space<hbm>>
      tpu.wait_indirect_dma semaphore(%arg12 : memref<!tpu.dma_semaphore, #tpu.memory_space<semaphore_mem>>) src(%dma_wait3A_18 : memref<10000x256xf32, #tpu.memory_space<hbm>>) dst(%arg10 : memref<128x256xf32, #tpu.memory_space<vmem>>)
      %dma_wait3A_19 = arith.constant 0 : i32
      %dma_wait3A_20 = arith.constant 0 : i32
      %dma_wait3A_21 = tpu.memref_slice %arg3[%dma_wait3A_19, %dma_wait3A_20] : memref<10000x256xf32, #tpu.memory_space<hbm>> -> memref<10000x256xf32, #tpu.memory_space<hbm>>
      tpu.wait_indirect_dma semaphore(%arg13 : memref<!tpu.dma_semaphore, #tpu.memory_space<semaphore_mem>>) src(%dma_wait3A_21 : memref<10000x256xf32, #tpu.memory_space<hbm>>) dst(%arg11 : memref<128x256xf32, #tpu.memory_space<vmem>>)
      "tpu.region"() ({
        %run_scoped3A = tpu.sem_alloc : memref<!tpu.dma_semaphore, #tpu.memory_space<semaphore_mem>>
        %dma_start3A_22 = arith.constant 0 : i32
        %dma_start3A_23 = tpu.memref_slice %arg6[%mul3A_11, %dma_start3A_22] : memref<323584x256xf32, #tpu.memory_space<hbm>> -> memref<128x256xf32, #tpu.memory_space<hbm>>
        %dma_start3A_24 = arith.constant 0 : i32
        %dma_start3A_25 = tpu.memref_slice %arg6[%mul3A_11, %dma_start3A_24] : memref<323584x256xf32, #tpu.memory_space<hbm>> -> memref<128x256xf32, #tpu.memory_space<hbm>>
        tpu.enqueue_dma source(%arg10 : memref<128x256xf32, #tpu.memory_space<vmem>>) target(%dma_start3A_25 : memref<128x256xf32, #tpu.memory_space<hbm>>) target_semaphore(%run_scoped3A : memref<!tpu.dma_semaphore, #tpu.memory_space<semaphore_mem>>)
        %dma_wait3A_26 = arith.constant 0 : i32
        %dma_wait3A_27 = tpu.memref_slice %arg6[%mul3A_11, %dma_wait3A_26] : memref<323584x256xf32, #tpu.memory_space<hbm>> -> memref<128x256xf32, #tpu.memory_space<hbm>>
        %dma_wait3A_28 = arith.constant 0 : i32
        %dma_wait3A_29 = tpu.memref_slice %arg6[%mul3A_11, %dma_wait3A_28] : memref<323584x256xf32, #tpu.memory_space<hbm>> -> memref<128x256xf32, #tpu.memory_space<hbm>>
        tpu.wait_dma2 semaphore(%run_scoped3A : memref<!tpu.dma_semaphore, #tpu.memory_space<semaphore_mem>>) src(%arg10 : memref<128x256xf32, #tpu.memory_space<vmem>>) dst(%dma_wait3A_29 : memref<128x256xf32, #tpu.memory_space<hbm>>)
        tpu.yield
      }) : () -> ()
      "tpu.region"() ({
        %run_scoped3A = tpu.sem_alloc : memref<!tpu.dma_semaphore, #tpu.memory_space<semaphore_mem>>
        %dma_start3A_22 = arith.constant 0 : i32
        %dma_start3A_23 = tpu.memref_slice %arg7[%mul3A_11, %dma_start3A_22] : memref<323584x256xf32, #tpu.memory_space<hbm>> -> memref<128x256xf32, #tpu.memory_space<hbm>>
        %dma_start3A_24 = arith.constant 0 : i32
        %dma_start3A_25 = tpu.memref_slice %arg7[%mul3A_11, %dma_start3A_24] : memref<323584x256xf32, #tpu.memory_space<hbm>> -> memref<128x256xf32, #tpu.memory_space<hbm>>
        tpu.enqueue_dma source(%arg11 : memref<128x256xf32, #tpu.memory_space<vmem>>) target(%dma_start3A_25 : memref<128x256xf32, #tpu.memory_space<hbm>>) target_semaphore(%run_scoped3A : memref<!tpu.dma_semaphore, #tpu.memory_space<semaphore_mem>>)
        %dma_wait3A_26 = arith.constant 0 : i32
        %dma_wait3A_27 = tpu.memref_slice %arg7[%mul3A_11, %dma_wait3A_26] : memref<323584x256xf32, #tpu.memory_space<hbm>> -> memref<128x256xf32, #tpu.memory_space<hbm>>
        %dma_wait3A_28 = arith.constant 0 : i32
        %dma_wait3A_29 = tpu.memref_slice %arg7[%mul3A_11, %dma_wait3A_28] : memref<323584x256xf32, #tpu.memory_space<hbm>> -> memref<128x256xf32, #tpu.memory_space<hbm>>
        tpu.wait_dma2 semaphore(%run_scoped3A : memref<!tpu.dma_semaphore, #tpu.memory_space<semaphore_mem>>) src(%arg11 : memref<128x256xf32, #tpu.memory_space<vmem>>) dst(%dma_wait3A_29 : memref<128x256xf32, #tpu.memory_space<hbm>>)
        tpu.yield
      }) : () -> ()
    }
    %scan3A_7 = arith.constant 79 : i32
    return
  }
}

#map = affine_map<(d0, d1) -> (0, 0)>
#map1 = affine_map<(d0, d1) -> (0)>
module attributes {stable_mosaic.version = 14 : i64} {
  func.func @gather1(%arg0: i32, %arg1: i32, %arg2: memref<10000x128xf32, #tpu.memory_space<hbm>>, %arg3: memref<323584xi32, #tpu.memory_space<hbm>>, %arg4: memref<323584x128xf32, #tpu.memory_space<hbm>>, %arg5: memref<128xi32, #tpu.memory_space<vmem>>, %arg6: memref<128x128xf32, #tpu.memory_space<vmem>>, %arg7: memref<!tpu.dma_semaphore, #tpu.memory_space<semaphore_mem>>) attributes {dimension_semantics = [#tpu.dimension_semantics<core_parallel>, #tpu.dimension_semantics<subcore_parallel>], iteration_bounds = array<i64: 2, 16>, scalar_prefetch = 0 : i64, scratch_operands = 3 : i64, tpu.core_type = #tpu.core_type<sc_vector_subcore>, window_params = [{transform_indices = #map}, {transform_indices = #map1}, {transform_indices = #map}]} {
    %mul3A = arith.constant 2 : i32
    %mul3A_0 = arith.muli %arg1, %mul3A : i32
    %add3A = arith.addi %mul3A_0, %arg0 : i32
    %mul3A_1 = arith.constant 79 : i32
    %mul3A_2 = arith.muli %add3A, %mul3A_1 : i32
    %scan3A = arith.constant 0 : i32
    %scan3A_3 = arith.constant 0 : i32
    %scan3A_4 = arith.constant 79 : i32
    %scan3A_5 = arith.addi %scan3A_3, %scan3A_4 : i32
    %scan3A_6 = arith.constant 1 : i32
    scf.for %scan3A_8 = %scan3A_3 to %scan3A_5 step %scan3A_6  : i32 {
      %add3A_9 = arith.addi %mul3A_2, %scan3A_8 : i32
      %mul3A_10 = arith.constant 128 : i32
      %mul3A_11 = arith.muli %add3A_9, %mul3A_10 : i32
      "tpu.region"() ({
        %run_scoped3A = tpu.sem_alloc : memref<!tpu.dma_semaphore, #tpu.memory_space<semaphore_mem>>
        %dma_start3A_16 = tpu.memref_slice %arg3[%mul3A_11] : memref<323584xi32, #tpu.memory_space<hbm>> -> memref<128xi32, #tpu.memory_space<hbm>>
        %dma_start3A_17 = tpu.memref_slice %arg3[%mul3A_11] : memref<323584xi32, #tpu.memory_space<hbm>> -> memref<128xi32, #tpu.memory_space<hbm>>
        tpu.enqueue_dma source(%dma_start3A_17 : memref<128xi32, #tpu.memory_space<hbm>>) target(%arg5 : memref<128xi32, #tpu.memory_space<vmem>>) target_semaphore(%run_scoped3A : memref<!tpu.dma_semaphore, #tpu.memory_space<semaphore_mem>>)
        %dma_wait3A_18 = tpu.memref_slice %arg3[%mul3A_11] : memref<323584xi32, #tpu.memory_space<hbm>> -> memref<128xi32, #tpu.memory_space<hbm>>
        %dma_wait3A_19 = tpu.memref_slice %arg3[%mul3A_11] : memref<323584xi32, #tpu.memory_space<hbm>> -> memref<128xi32, #tpu.memory_space<hbm>>
        tpu.wait_dma2 semaphore(%run_scoped3A : memref<!tpu.dma_semaphore, #tpu.memory_space<semaphore_mem>>) src(%dma_wait3A_19 : memref<128xi32, #tpu.memory_space<hbm>>) dst(%arg5 : memref<128xi32, #tpu.memory_space<vmem>>)
        tpu.yield
      }) : () -> ()
      %dma_start3A = arith.constant 0 : i32
      %dma_start3A_12 = arith.constant 0 : i32
      %dma_start3A_13 = tpu.memref_slice %arg2[%dma_start3A, %dma_start3A_12] : memref<10000x128xf32, #tpu.memory_space<hbm>> -> memref<10000x128xf32, #tpu.memory_space<hbm>>
      tpu.enqueue_indirect_dma source(%dma_start3A_13 : memref<10000x128xf32, #tpu.memory_space<hbm>>) target(%arg6 : memref<128x128xf32, #tpu.memory_space<vmem>>) offsets(%arg5 : memref<128xi32, #tpu.memory_space<vmem>>) semaphore(%arg7 : memref<!tpu.dma_semaphore, #tpu.memory_space<semaphore_mem>>)
      %dma_wait3A = arith.constant 0 : i32
      %dma_wait3A_14 = arith.constant 0 : i32
      %dma_wait3A_15 = tpu.memref_slice %arg2[%dma_wait3A, %dma_wait3A_14] : memref<10000x128xf32, #tpu.memory_space<hbm>> -> memref<10000x128xf32, #tpu.memory_space<hbm>>
      tpu.wait_indirect_dma semaphore(%arg7 : memref<!tpu.dma_semaphore, #tpu.memory_space<semaphore_mem>>) src(%dma_wait3A_15 : memref<10000x128xf32, #tpu.memory_space<hbm>>) dst(%arg6 : memref<128x128xf32, #tpu.memory_space<vmem>>)
      "tpu.region"() ({
        %run_scoped3A = tpu.sem_alloc : memref<!tpu.dma_semaphore, #tpu.memory_space<semaphore_mem>>
        %dma_start3A_16 = arith.constant 0 : i32
        %dma_start3A_17 = tpu.memref_slice %arg4[%mul3A_11, %dma_start3A_16] : memref<323584x128xf32, #tpu.memory_space<hbm>> -> memref<128x128xf32, #tpu.memory_space<hbm>>
        %dma_start3A_18 = arith.constant 0 : i32
        %dma_start3A_19 = tpu.memref_slice %arg4[%mul3A_11, %dma_start3A_18] : memref<323584x128xf32, #tpu.memory_space<hbm>> -> memref<128x128xf32, #tpu.memory_space<hbm>>
        tpu.enqueue_dma source(%arg6 : memref<128x128xf32, #tpu.memory_space<vmem>>) target(%dma_start3A_19 : memref<128x128xf32, #tpu.memory_space<hbm>>) target_semaphore(%run_scoped3A : memref<!tpu.dma_semaphore, #tpu.memory_space<semaphore_mem>>)
        %dma_wait3A_20 = arith.constant 0 : i32
        %dma_wait3A_21 = tpu.memref_slice %arg4[%mul3A_11, %dma_wait3A_20] : memref<323584x128xf32, #tpu.memory_space<hbm>> -> memref<128x128xf32, #tpu.memory_space<hbm>>
        %dma_wait3A_22 = arith.constant 0 : i32
        %dma_wait3A_23 = tpu.memref_slice %arg4[%mul3A_11, %dma_wait3A_22] : memref<323584x128xf32, #tpu.memory_space<hbm>> -> memref<128x128xf32, #tpu.memory_space<hbm>>
        tpu.wait_dma2 semaphore(%run_scoped3A : memref<!tpu.dma_semaphore, #tpu.memory_space<semaphore_mem>>) src(%arg6 : memref<128x128xf32, #tpu.memory_space<vmem>>) dst(%dma_wait3A_23 : memref<128x128xf32, #tpu.memory_space<hbm>>)
        tpu.yield
      }) : () -> ()
    }
    %scan3A_7 = arith.constant 79 : i32
    return
  }
}

#map = affine_map<(d0, d1) -> (0, 0)>
#map1 = affine_map<(d0, d1) -> (0)>
module attributes {stable_mosaic.version = 14 : i64} {
  func.func @gather2(%arg0: i32, %arg1: i32, %arg2: memref<10000x256xf32, #tpu.memory_space<hbm>>, %arg3: memref<10000x256xf32, #tpu.memory_space<hbm>>, %arg4: memref<323584xi32, #tpu.memory_space<hbm>>, %arg5: memref<323584xi32, #tpu.memory_space<hbm>>, %arg6: memref<323584x256xf32, #tpu.memory_space<hbm>>, %arg7: memref<323584x256xf32, #tpu.memory_space<hbm>>, %arg8: memref<128xi32, #tpu.memory_space<vmem>>, %arg9: memref<128xi32, #tpu.memory_space<vmem>>, %arg10: memref<128x256xf32, #tpu.memory_space<vmem>>, %arg11: memref<128x256xf32, #tpu.memory_space<vmem>>, %arg12: memref<!tpu.dma_semaphore, #tpu.memory_space<semaphore_mem>>, %arg13: memref<!tpu.dma_semaphore, #tpu.memory_space<semaphore_mem>>) attributes {dimension_semantics = [#tpu.dimension_semantics<core_parallel>, #tpu.dimension_semantics<subcore_parallel>], iteration_bounds = array<i64: 2, 16>, scalar_prefetch = 0 : i64, scratch_operands = 6 : i64, tpu.core_type = #tpu.core_type<sc_vector_subcore>, window_params = [{transform_indices = #map}, {transform_indices = #map}, {transform_indices = #map1}, {transform_indices = #map1}, {transform_indices = #map}, {transform_indices = #map}]} {
    %mul3A = arith.constant 2 : i32
    %mul3A_0 = arith.muli %arg1, %mul3A : i32
    %add3A = arith.addi %mul3A_0, %arg0 : i32
    %mul3A_1 = arith.constant 79 : i32
    %mul3A_2 = arith.muli %add3A, %mul3A_1 : i32
    %scan3A = arith.constant 0 : i32
    %scan3A_3 = arith.constant 0 : i32
    %scan3A_4 = arith.constant 79 : i32
    %scan3A_5 = arith.addi %scan3A_3, %scan3A_4 : i32
    %scan3A_6 = arith.constant 1 : i32
    scf.for %scan3A_8 = %scan3A_3 to %scan3A_5 step %scan3A_6  : i32 {
      %add3A_9 = arith.addi %mul3A_2, %scan3A_8 : i32
      %mul3A_10 = arith.constant 128 : i32
      %mul3A_11 = arith.muli %add3A_9, %mul3A_10 : i32
      "tpu.region"() ({
        %run_scoped3A = tpu.sem_alloc : memref<!tpu.dma_semaphore, #tpu.memory_space<semaphore_mem>>
        %dma_start3A_22 = tpu.memref_slice %arg4[%mul3A_11] : memref<323584xi32, #tpu.memory_space<hbm>> -> memref<128xi32, #tpu.memory_space<hbm>>
        %dma_start3A_23 = tpu.memref_slice %arg4[%mul3A_11] : memref<323584xi32, #tpu.memory_space<hbm>> -> memref<128xi32, #tpu.memory_space<hbm>>
        tpu.enqueue_dma source(%dma_start3A_23 : memref<128xi32, #tpu.memory_space<hbm>>) target(%arg8 : memref<128xi32, #tpu.memory_space<vmem>>) target_semaphore(%run_scoped3A : memref<!tpu.dma_semaphore, #tpu.memory_space<semaphore_mem>>)
        %dma_wait3A_24 = tpu.memref_slice %arg4[%mul3A_11] : memref<323584xi32, #tpu.memory_space<hbm>> -> memref<128xi32, #tpu.memory_space<hbm>>
        %dma_wait3A_25 = tpu.memref_slice %arg4[%mul3A_11] : memref<323584xi32, #tpu.memory_space<hbm>> -> memref<128xi32, #tpu.memory_space<hbm>>
        tpu.wait_dma2 semaphore(%run_scoped3A : memref<!tpu.dma_semaphore, #tpu.memory_space<semaphore_mem>>) src(%dma_wait3A_25 : memref<128xi32, #tpu.memory_space<hbm>>) dst(%arg8 : memref<128xi32, #tpu.memory_space<vmem>>)
        tpu.yield
      }) : () -> ()
      "tpu.region"() ({
        %run_scoped3A = tpu.sem_alloc : memref<!tpu.dma_semaphore, #tpu.memory_space<semaphore_mem>>
        %dma_start3A_22 = tpu.memref_slice %arg5[%mul3A_11] : memref<323584xi32, #tpu.memory_space<hbm>> -> memref<128xi32, #tpu.memory_space<hbm>>
        %dma_start3A_23 = tpu.memref_slice %arg5[%mul3A_11] : memref<323584xi32, #tpu.memory_space<hbm>> -> memref<128xi32, #tpu.memory_space<hbm>>
        tpu.enqueue_dma source(%dma_start3A_23 : memref<128xi32, #tpu.memory_space<hbm>>) target(%arg9 : memref<128xi32, #tpu.memory_space<vmem>>) target_semaphore(%run_scoped3A : memref<!tpu.dma_semaphore, #tpu.memory_space<semaphore_mem>>)
        %dma_wait3A_24 = tpu.memref_slice %arg5[%mul3A_11] : memref<323584xi32, #tpu.memory_space<hbm>> -> memref<128xi32, #tpu.memory_space<hbm>>
        %dma_wait3A_25 = tpu.memref_slice %arg5[%mul3A_11] : memref<323584xi32, #tpu.memory_space<hbm>> -> memref<128xi32, #tpu.memory_space<hbm>>
        tpu.wait_dma2 semaphore(%run_scoped3A : memref<!tpu.dma_semaphore, #tpu.memory_space<semaphore_mem>>) src(%dma_wait3A_25 : memref<128xi32, #tpu.memory_space<hbm>>) dst(%arg9 : memref<128xi32, #tpu.memory_space<vmem>>)
        tpu.yield
      }) : () -> ()
      %dma_start3A = arith.constant 0 : i32
      %dma_start3A_12 = arith.constant 0 : i32
      %dma_start3A_13 = tpu.memref_slice %arg2[%dma_start3A, %dma_start3A_12] : memref<10000x256xf32, #tpu.memory_space<hbm>> -> memref<10000x256xf32, #tpu.memory_space<hbm>>
      tpu.enqueue_indirect_dma source(%dma_start3A_13 : memref<10000x256xf32, #tpu.memory_space<hbm>>) target(%arg10 : memref<128x256xf32, #tpu.memory_space<vmem>>) offsets(%arg8 : memref<128xi32, #tpu.memory_space<vmem>>) semaphore(%arg12 : memref<!tpu.dma_semaphore, #tpu.memory_space<semaphore_mem>>)
      %dma_start3A_14 = arith.constant 0 : i32
      %dma_start3A_15 = arith.constant 0 : i32
      %dma_start3A_16 = tpu.memref_slice %arg3[%dma_start3A_14, %dma_start3A_15] : memref<10000x256xf32, #tpu.memory_space<hbm>> -> memref<10000x256xf32, #tpu.memory_space<hbm>>
      tpu.enqueue_indirect_dma source(%dma_start3A_16 : memref<10000x256xf32, #tpu.memory_space<hbm>>) target(%arg11 : memref<128x256xf32, #tpu.memory_space<vmem>>) offsets(%arg9 : memref<128xi32, #tpu.memory_space<vmem>>) semaphore(%arg13 : memref<!tpu.dma_semaphore, #tpu.memory_space<semaphore_mem>>)
      %dma_wait3A = arith.constant 0 : i32
      %dma_wait3A_17 = arith.constant 0 : i32
      %dma_wait3A_18 = tpu.memref_slice %arg2[%dma_wait3A, %dma_wait3A_17] : memref<10000x256xf32, #tpu.memory_space<hbm>> -> memref<10000x256xf32, #tpu.memory_space<hbm>>
      tpu.wait_indirect_dma semaphore(%arg12 : memref<!tpu.dma_semaphore, #tpu.memory_space<semaphore_mem>>) src(%dma_wait3A_18 : memref<10000x256xf32, #tpu.memory_space<hbm>>) dst(%arg10 : memref<128x256xf32, #tpu.memory_space<vmem>>)
      %dma_wait3A_19 = arith.constant 0 : i32
      %dma_wait3A_20 = arith.constant 0 : i32
      %dma_wait3A_21 = tpu.memref_slice %arg3[%dma_wait3A_19, %dma_wait3A_20] : memref<10000x256xf32, #tpu.memory_space<hbm>> -> memref<10000x256xf32, #tpu.memory_space<hbm>>
      tpu.wait_indirect_dma semaphore(%arg13 : memref<!tpu.dma_semaphore, #tpu.memory_space<semaphore_mem>>) src(%dma_wait3A_21 : memref<10000x256xf32, #tpu.memory_space<hbm>>) dst(%arg11 : memref<128x256xf32, #tpu.memory_space<vmem>>)
      "tpu.region"() ({
        %run_scoped3A = tpu.sem_alloc : memref<!tpu.dma_semaphore, #tpu.memory_space<semaphore_mem>>
        %dma_start3A_22 = arith.constant 0 : i32
        %dma_start3A_23 = tpu.memref_slice %arg6[%mul3A_11, %dma_start3A_22] : memref<323584x256xf32, #tpu.memory_space<hbm>> -> memref<128x256xf32, #tpu.memory_space<hbm>>
        %dma_start3A_24 = arith.constant 0 : i32
        %dma_start3A_25 = tpu.memref_slice %arg6[%mul3A_11, %dma_start3A_24] : memref<323584x256xf32, #tpu.memory_space<hbm>> -> memref<128x256xf32, #tpu.memory_space<hbm>>
        tpu.enqueue_dma source(%arg10 : memref<128x256xf32, #tpu.memory_space<vmem>>) target(%dma_start3A_25 : memref<128x256xf32, #tpu.memory_space<hbm>>) target_semaphore(%run_scoped3A : memref<!tpu.dma_semaphore, #tpu.memory_space<semaphore_mem>>)
        %dma_wait3A_26 = arith.constant 0 : i32
        %dma_wait3A_27 = tpu.memref_slice %arg6[%mul3A_11, %dma_wait3A_26] : memref<323584x256xf32, #tpu.memory_space<hbm>> -> memref<128x256xf32, #tpu.memory_space<hbm>>
        %dma_wait3A_28 = arith.constant 0 : i32
        %dma_wait3A_29 = tpu.memref_slice %arg6[%mul3A_11, %dma_wait3A_28] : memref<323584x256xf32, #tpu.memory_space<hbm>> -> memref<128x256xf32, #tpu.memory_space<hbm>>
        tpu.wait_dma2 semaphore(%run_scoped3A : memref<!tpu.dma_semaphore, #tpu.memory_space<semaphore_mem>>) src(%arg10 : memref<128x256xf32, #tpu.memory_space<vmem>>) dst(%dma_wait3A_29 : memref<128x256xf32, #tpu.memory_space<hbm>>)
        tpu.yield
      }) : () -> ()
      "tpu.region"() ({
        %run_scoped3A = tpu.sem_alloc : memref<!tpu.dma_semaphore, #tpu.memory_space<semaphore_mem>>
        %dma_start3A_22 = arith.constant 0 : i32
        %dma_start3A_23 = tpu.memref_slice %arg7[%mul3A_11, %dma_start3A_22] : memref<323584x256xf32, #tpu.memory_space<hbm>> -> memref<128x256xf32, #tpu.memory_space<hbm>>
        %dma_start3A_24 = arith.constant 0 : i32
        %dma_start3A_25 = tpu.memref_slice %arg7[%mul3A_11, %dma_start3A_24] : memref<323584x256xf32, #tpu.memory_space<hbm>> -> memref<128x256xf32, #tpu.memory_space<hbm>>
        tpu.enqueue_dma source(%arg11 : memref<128x256xf32, #tpu.memory_space<vmem>>) target(%dma_start3A_25 : memref<128x256xf32, #tpu.memory_space<hbm>>) target_semaphore(%run_scoped3A : memref<!tpu.dma_semaphore, #tpu.memory_space<semaphore_mem>>)
        %dma_wait3A_26 = arith.constant 0 : i32
        %dma_wait3A_27 = tpu.memref_slice %arg7[%mul3A_11, %dma_wait3A_26] : memref<323584x256xf32, #tpu.memory_space<hbm>> -> memref<128x256xf32, #tpu.memory_space<hbm>>
        %dma_wait3A_28 = arith.constant 0 : i32
        %dma_wait3A_29 = tpu.memref_slice %arg7[%mul3A_11, %dma_wait3A_28] : memref<323584x256xf32, #tpu.memory_space<hbm>> -> memref<128x256xf32, #tpu.memory_space<hbm>>
        tpu.wait_dma2 semaphore(%run_scoped3A : memref<!tpu.dma_semaphore, #tpu.memory_space<semaphore_mem>>) src(%arg11 : memref<128x256xf32, #tpu.memory_space<vmem>>) dst(%dma_wait3A_29 : memref<128x256xf32, #tpu.memory_space<hbm>>)
        tpu.yield
      }) : () -> ()
    }
    %scan3A_7 = arith.constant 79 : i32
    return
  }
}

module attributes {stable_mosaic.version = 14 : i64} {
  func.func @_node1_body(%arg0: i32, %arg1: memref<2000x128xf32, #tpu.memory_space<vmem>>, %arg2: memref<2000x128xf32, #tpu.memory_space<vmem>>, %arg3: memref<2000x16xf32, #tpu.memory_space<vmem>>, %arg4: memref<128x768xf32, #tpu.memory_space<vmem>>, %arg5: memref<1x768xf32, #tpu.memory_space<vmem>>, %arg6: memref<128x128xf32, #tpu.memory_space<vmem>>, %arg7: memref<1x128xf32, #tpu.memory_space<vmem>>, %arg8: memref<128x128xf32, #tpu.memory_space<vmem>>, %arg9: memref<1x128xf32, #tpu.memory_space<vmem>>, %arg10: memref<128x128xf32, #tpu.memory_space<vmem>>, %arg11: memref<1x128xf32, #tpu.memory_space<vmem>>, %arg12: memref<2000x256xf32, #tpu.memory_space<vmem>>, %arg13: memref<2000x256xf32, #tpu.memory_space<vmem>>, %arg14: memref<2000x128xf32, #tpu.memory_space<vmem>>, %arg15: memref<2000x512xf32, #tpu.memory_space<vmem>>) attributes {dimension_semantics = [#tpu.dimension_semantics<arbitrary>], iteration_bounds = array<i64: 5>, scalar_prefetch = 0 : i64, scratch_operands = 0 : i64, tpu.core_type = #tpu.core_type<tc>, window_params = [{transform_indices = @transform_0, window_bounds = array<i64: 2000, 128>}, {transform_indices = @transform_1, window_bounds = array<i64: 2000, 128>}, {transform_indices = @transform_2, window_bounds = array<i64: 2000, 16>}, {pipeline_mode = #tpu.pipeline_mode<synchronous>, transform_indices = @transform_3, window_bounds = array<i64: 128, 768>}, {pipeline_mode = #tpu.pipeline_mode<synchronous>, transform_indices = @transform_4, window_bounds = array<i64: 1, 768>}, {pipeline_mode = #tpu.pipeline_mode<synchronous>, transform_indices = @transform_5, window_bounds = array<i64: 128, 128>}, {pipeline_mode = #tpu.pipeline_mode<synchronous>, transform_indices = @transform_6, window_bounds = array<i64: 1, 128>}, {pipeline_mode = #tpu.pipeline_mode<synchronous>, transform_indices = @transform_7, window_bounds = array<i64: 128, 128>}, {pipeline_mode = #tpu.pipeline_mode<synchronous>, transform_indices = @transform_8, window_bounds = array<i64: 1, 128>}, {pipeline_mode = #tpu.pipeline_mode<synchronous>, transform_indices = @transform_9, window_bounds = array<i64: 128, 128>}, {pipeline_mode = #tpu.pipeline_mode<synchronous>, transform_indices = @transform_10, window_bounds = array<i64: 1, 128>}, {transform_indices = @transform_11, window_bounds = array<i64: 2000, 256>}, {transform_indices = @transform_12, window_bounds = array<i64: 2000, 256>}, {transform_indices = @transform_13, window_bounds = array<i64: 2000, 128>}, {transform_indices = @transform_14, window_bounds = array<i64: 2000, 512>}]} {
    %get3A = arith.constant 0 : index
    %get3A_0 = arith.constant 0 : index
    %get3A_1 = vector.load %arg1[%get3A, %get3A_0] : memref<2000x128xf32, #tpu.memory_space<vmem>>, vector<2000x128xf32>
    %get3A_2 = arith.constant 0 : index
    %get3A_3 = arith.constant 0 : index
    %get3A_4 = vector.load %arg2[%get3A_2, %get3A_3] : memref<2000x128xf32, #tpu.memory_space<vmem>>, vector<2000x128xf32>
    %logistic3A = arith.negf %get3A_4 : vector<2000x128xf32>
    %logistic3A_5 = math.exp %logistic3A : vector<2000x128xf32>
    %logistic3A_6 = arith.constant 1.000000e+00 : f32
    %logistic3A_7 = vector.broadcast %logistic3A_6 : f32 to vector<2000x128xf32>
    %logistic3A_8 = arith.addf %logistic3A_7, %logistic3A_5 : vector<2000x128xf32>
    %logistic3A_9 = arith.divf %logistic3A_7, %logistic3A_8 : vector<2000x128xf32>
    %mul3A = arith.mulf %get3A_4, %logistic3A_9 : vector<2000x128xf32>
    %get3A_10 = arith.constant 0 : index
    %get3A_11 = arith.constant 0 : index
    %get3A_12 = vector.load %arg4[%get3A_10, %get3A_11] : memref<128x768xf32, #tpu.memory_space<vmem>>, vector<128x768xf32>
    %dot_general3A = arith.constant dense<0.000000e+00> : vector<2000x768xf32>
    %dot_general3A_13 = tpu.matmul %mul3A, %get3A_12, %dot_general3A {dimension_numbers = #tpu.dot_dimension_numbers<[1], [0], [0], [1], [0, 0, 1, 1], [], []>, transpose_lhs_hint = false} : vector<2000x128xf32>, vector<128x768xf32>, vector<2000x768xf32> -> vector<2000x768xf32>
    %get3A_14 = arith.constant 0 : index
    %get3A_15 = arith.constant 0 : index
    %get3A_16 = vector.load %arg5[%get3A_14, %get3A_15] : memref<1x768xf32, #tpu.memory_space<vmem>>, vector<1x768xf32>
    %add3A = vector.broadcast %get3A_16 : vector<1x768xf32> to vector<2000x768xf32>
    %add3A_17 = arith.addf %dot_general3A_13, %add3A : vector<2000x768xf32>
    %slice3A = vector.extract_strided_slice %add3A_17 {offsets = [0, 0], sizes = [2000, 128], strides = [1, 1]} : vector<2000x768xf32> to vector<2000x128xf32>
    %slice3A_18 = vector.extract_strided_slice %add3A_17 {offsets = [0, 128], sizes = [2000, 128], strides = [1, 1]} : vector<2000x768xf32> to vector<2000x128xf32>
    %reduce_sum3A = arith.constant dense<0.000000e+00> : vector<2000xf32>
    %reduce_sum3A_19 = vector.multi_reduction <add>, %get3A_1, %reduce_sum3A [1] : vector<2000x128xf32> to vector<2000xf32>
    %broadcast_in_dim3A = vector.shape_cast %reduce_sum3A_19 : vector<2000xf32> to vector<2000x1xf32>
    %div3A = arith.constant 1.280000e+02 : f32
    %div3A_20 = vector.broadcast %div3A : f32 to vector<2000x1xf32>
    %div3A_21 = arith.divf %broadcast_in_dim3A, %div3A_20 : vector<2000x1xf32>
    %jit3A = arith.constant 0 : i32
    %reduce_sum3A_22 = arith.constant dense<0.000000e+00> : vector<2000xf32>
    %reduce_sum3A_23 = vector.multi_reduction <add>, %get3A_1, %reduce_sum3A_22 [1] : vector<2000x128xf32> to vector<2000xf32>
    %broadcast_in_dim3A_24 = vector.shape_cast %reduce_sum3A_23 : vector<2000xf32> to vector<2000x1xf32>
    %div3A_25 = arith.constant 1.280000e+02 : f32
    %div3A_26 = vector.broadcast %div3A_25 : f32 to vector<2000x1xf32>
    %div3A_27 = arith.divf %broadcast_in_dim3A_24, %div3A_26 : vector<2000x1xf32>
    %sub3A = vector.broadcast %div3A_27 : vector<2000x1xf32> to vector<2000x128xf32>
    %sub3A_28 = arith.subf %get3A_1, %sub3A : vector<2000x128xf32>
    %square3A = arith.mulf %sub3A_28, %sub3A_28 : vector<2000x128xf32>
    %convert_element_type3A = arith.sitofp %jit3A : i32 to f32
    %sub3A_29 = arith.constant 1.280000e+02 : f32
    %sub3A_30 = arith.subf %sub3A_29, %convert_element_type3A : f32
    %reduce_sum3A_31 = arith.constant dense<0.000000e+00> : vector<2000xf32>
    %reduce_sum3A_32 = vector.multi_reduction <add>, %square3A, %reduce_sum3A_31 [1] : vector<2000x128xf32> to vector<2000xf32>
    %broadcast_in_dim3A_33 = vector.shape_cast %reduce_sum3A_32 : vector<2000xf32> to vector<2000x1xf32>
    %div3A_34 = vector.broadcast %sub3A_30 : f32 to vector<2000x1xf32>
    %div3A_35 = arith.divf %broadcast_in_dim3A_33, %div3A_34 : vector<2000x1xf32>
    %gt3A = arith.constant 0.000000e+00 : f32
    %gt3A_36 = arith.cmpf ogt, %sub3A_30, %gt3A : f32
    %jit3A_37 = arith.constant 0x7FC00000 : f32
    %broadcast_in_dim3A_38 = vector.broadcast %jit3A_37 : f32 to vector<2000x1xf32>
    %select_n3A = arith.select %gt3A_36, %div3A_35, %broadcast_in_dim3A_38 : vector<2000x1xf32>
    %sub3A_39 = vector.broadcast %div3A_21 : vector<2000x1xf32> to vector<2000x128xf32>
    %sub3A_40 = arith.subf %get3A_1, %sub3A_39 : vector<2000x128xf32>
    %add3A_41 = arith.constant 9.99999997E-7 : f32
    %add3A_42 = vector.broadcast %add3A_41 : f32 to vector<2000x1xf32>
    %add3A_43 = arith.addf %select_n3A, %add3A_42 : vector<2000x1xf32>
    %sqrt3A = math.sqrt %add3A_43 : vector<2000x1xf32>
    %div3A_44 = vector.broadcast %sqrt3A : vector<2000x1xf32> to vector<2000x128xf32>
    %div3A_45 = arith.divf %sub3A_40, %div3A_44 : vector<2000x128xf32>
    %add3A_46 = arith.constant 1.000000e+00 : f32
    %add3A_47 = vector.broadcast %add3A_46 : f32 to vector<2000x128xf32>
    %add3A_48 = arith.addf %add3A_47, %slice3A_18 : vector<2000x128xf32>
    %mul3A_49 = arith.mulf %div3A_45, %add3A_48 : vector<2000x128xf32>
    %add3A_50 = arith.addf %mul3A_49, %slice3A : vector<2000x128xf32>
    %get3A_51 = arith.constant 0 : index
    %get3A_52 = arith.constant 0 : index
    %get3A_53 = vector.load %arg6[%get3A_51, %get3A_52] : memref<128x128xf32, #tpu.memory_space<vmem>>, vector<128x128xf32>
    %dot_general3A_54 = arith.constant dense<0.000000e+00> : vector<2000x128xf32>
    %dot_general3A_55 = tpu.matmul %add3A_50, %get3A_53, %dot_general3A_54 {dimension_numbers = #tpu.dot_dimension_numbers<[1], [0], [0], [1], [0, 0, 1, 1], [], []>, transpose_lhs_hint = false} : vector<2000x128xf32>, vector<128x128xf32>, vector<2000x128xf32> -> vector<2000x128xf32>
    %get3A_56 = arith.constant 0 : index
    %get3A_57 = arith.constant 0 : index
    %get3A_58 = vector.load %arg7[%get3A_56, %get3A_57] : memref<1x128xf32, #tpu.memory_space<vmem>>, vector<1x128xf32>
    %add3A_59 = vector.broadcast %get3A_58 : vector<1x128xf32> to vector<2000x128xf32>
    %add3A_60 = arith.addf %dot_general3A_55, %add3A_59 : vector<2000x128xf32>
    %get3A_61 = arith.constant 0 : index
    %get3A_62 = arith.constant 0 : index
    %get3A_63 = vector.load %arg8[%get3A_61, %get3A_62] : memref<128x128xf32, #tpu.memory_space<vmem>>, vector<128x128xf32>
    %dot_general3A_64 = arith.constant dense<0.000000e+00> : vector<2000x128xf32>
    %dot_general3A_65 = tpu.matmul %add3A_50, %get3A_63, %dot_general3A_64 {dimension_numbers = #tpu.dot_dimension_numbers<[1], [0], [0], [1], [0, 0, 1, 1], [], []>, transpose_lhs_hint = false} : vector<2000x128xf32>, vector<128x128xf32>, vector<2000x128xf32> -> vector<2000x128xf32>
    %get3A_66 = arith.constant 0 : index
    %get3A_67 = arith.constant 0 : index
    %get3A_68 = vector.load %arg9[%get3A_66, %get3A_67] : memref<1x128xf32, #tpu.memory_space<vmem>>, vector<1x128xf32>
    %add3A_69 = vector.broadcast %get3A_68 : vector<1x128xf32> to vector<2000x128xf32>
    %add3A_70 = arith.addf %dot_general3A_65, %add3A_69 : vector<2000x128xf32>
    %get3A_71 = arith.constant 0 : index
    %get3A_72 = arith.constant 0 : index
    %get3A_73 = vector.load %arg10[%get3A_71, %get3A_72] : memref<128x128xf32, #tpu.memory_space<vmem>>, vector<128x128xf32>
    %dot_general3A_74 = arith.constant dense<0.000000e+00> : vector<2000x128xf32>
    %dot_general3A_75 = tpu.matmul %add3A_50, %get3A_73, %dot_general3A_74 {dimension_numbers = #tpu.dot_dimension_numbers<[1], [0], [0], [1], [0, 0, 1, 1], [], []>, transpose_lhs_hint = false} : vector<2000x128xf32>, vector<128x128xf32>, vector<2000x128xf32> -> vector<2000x128xf32>
    %get3A_76 = arith.constant 0 : index
    %get3A_77 = arith.constant 0 : index
    %get3A_78 = vector.load %arg11[%get3A_76, %get3A_77] : memref<1x128xf32, #tpu.memory_space<vmem>>, vector<1x128xf32>
    %add3A_79 = vector.broadcast %get3A_78 : vector<1x128xf32> to vector<2000x128xf32>
    %add3A_80 = arith.addf %dot_general3A_75, %add3A_79 : vector<2000x128xf32>
    %get3A_81 = arith.constant 0 : index
    %get3A_82 = arith.constant 0 : index
    %get3A_83 = vector.load %arg3[%get3A_81, %get3A_82] : memref<2000x16xf32, #tpu.memory_space<vmem>>, vector<2000x16xf32>
    %broadcast_in_dim3A_84 = arith.constant 0.000000e+00 : f32
    %broadcast_in_dim3A_85 = vector.broadcast %broadcast_in_dim3A_84 : f32 to vector<2000x112xf32>
    %concatenate3A = tpu.concatenate %add3A_60, %get3A_83, %broadcast_in_dim3A_85 in 1 : vector<2000x128xf32>, vector<2000x16xf32>, vector<2000x112xf32> -> vector<2000x256xf32>
    %swap3A = arith.constant 0 : index
    %swap3A_86 = arith.constant 0 : index
    %swap3A_87 = vector.load %arg12[%swap3A, %swap3A_86] : memref<2000x256xf32, #tpu.memory_space<vmem>>, vector<2000x256xf32>
    tpu.vector_store %arg12[%swap3A, %swap3A_86], %concatenate3A {strides = array<i32>} : memref<2000x256xf32, #tpu.memory_space<vmem>>, vector<2000x256xf32>,
    %concatenate3A_88 = tpu.concatenate %add3A_70, %get3A_83, %broadcast_in_dim3A_85 in 1 : vector<2000x128xf32>, vector<2000x16xf32>, vector<2000x112xf32> -> vector<2000x256xf32>
    %swap3A_89 = arith.constant 0 : index
    %swap3A_90 = arith.constant 0 : index
    %swap3A_91 = vector.load %arg13[%swap3A_89, %swap3A_90] : memref<2000x256xf32, #tpu.memory_space<vmem>>, vector<2000x256xf32>
    tpu.vector_store %arg13[%swap3A_89, %swap3A_90], %concatenate3A_88 {strides = array<i32>} : memref<2000x256xf32, #tpu.memory_space<vmem>>, vector<2000x256xf32>,
    %swap3A_92 = arith.constant 0 : index
    %swap3A_93 = arith.constant 0 : index
    %swap3A_94 = vector.load %arg14[%swap3A_92, %swap3A_93] : memref<2000x128xf32, #tpu.memory_space<vmem>>, vector<2000x128xf32>
    tpu.vector_store %arg14[%swap3A_92, %swap3A_93], %add3A_80 {strides = array<i32>} : memref<2000x128xf32, #tpu.memory_space<vmem>>, vector<2000x128xf32>,
    %slice3A_95 = vector.extract_strided_slice %add3A_17 {offsets = [0, 256], sizes = [2000, 512], strides = [1, 1]} : vector<2000x768xf32> to vector<2000x512xf32>
    %swap3A_96 = arith.constant 0 : index
    %swap3A_97 = arith.constant 0 : index
    %swap3A_98 = vector.load %arg15[%swap3A_96, %swap3A_97] : memref<2000x512xf32, #tpu.memory_space<vmem>>, vector<2000x512xf32>
    tpu.vector_store %arg15[%swap3A_96, %swap3A_97], %slice3A_95 {strides = array<i32>} : memref<2000x512xf32, #tpu.memory_space<vmem>>, vector<2000x512xf32>,
    return
  }
  func.func @transform_0(%arg0: i32) -> (i32, i32) {
    %c0_i32 = arith.constant 0 : i32
    %c0_i32_0 = arith.constant 0 : i32
    return %arg0, %c0_i32 : i32, i32
  }
  func.func @transform_1(%arg0: i32) -> (i32, i32) {
    %c0_i32 = arith.constant 0 : i32
    %c0_i32_0 = arith.constant 0 : i32
    return %arg0, %c0_i32 : i32, i32
  }
  func.func @transform_2(%arg0: i32) -> (i32, i32) {
    %c0_i32 = arith.constant 0 : i32
    %c0_i32_0 = arith.constant 0 : i32
    return %arg0, %c0_i32 : i32, i32
  }
  func.func @transform_3(%arg0: i32) -> (i32, i32) {
    %c0_i32 = arith.constant 0 : i32
    %c0_i32_0 = arith.constant 0 : i32
    %c0_i32_1 = arith.constant 0 : i32
    return %c0_i32, %c0_i32_0 : i32, i32
  }
  func.func @transform_4(%arg0: i32) -> (i32, i32) {
    %c0_i32 = arith.constant 0 : i32
    %c0_i32_0 = arith.constant 0 : i32
    %c0_i32_1 = arith.constant 0 : i32
    return %c0_i32, %c0_i32_0 : i32, i32
  }
  func.func @transform_5(%arg0: i32) -> (i32, i32) {
    %c0_i32 = arith.constant 0 : i32
    %c0_i32_0 = arith.constant 0 : i32
    %c0_i32_1 = arith.constant 0 : i32
    return %c0_i32, %c0_i32_0 : i32, i32
  }
  func.func @transform_6(%arg0: i32) -> (i32, i32) {
    %c0_i32 = arith.constant 0 : i32
    %c0_i32_0 = arith.constant 0 : i32
    %c0_i32_1 = arith.constant 0 : i32
    return %c0_i32, %c0_i32_0 : i32, i32
  }
  func.func @transform_7(%arg0: i32) -> (i32, i32) {
    %c0_i32 = arith.constant 0 : i32
    %c0_i32_0 = arith.constant 0 : i32
    %c0_i32_1 = arith.constant 0 : i32
    return %c0_i32, %c0_i32_0 : i32, i32
  }
  func.func @transform_8(%arg0: i32) -> (i32, i32) {
    %c0_i32 = arith.constant 0 : i32
    %c0_i32_0 = arith.constant 0 : i32
    %c0_i32_1 = arith.constant 0 : i32
    return %c0_i32, %c0_i32_0 : i32, i32
  }
  func.func @transform_9(%arg0: i32) -> (i32, i32) {
    %c0_i32 = arith.constant 0 : i32
    %c0_i32_0 = arith.constant 0 : i32
    %c0_i32_1 = arith.constant 0 : i32
    return %c0_i32, %c0_i32_0 : i32, i32
  }
  func.func @transform_10(%arg0: i32) -> (i32, i32) {
    %c0_i32 = arith.constant 0 : i32
    %c0_i32_0 = arith.constant 0 : i32
    %c0_i32_1 = arith.constant 0 : i32
    return %c0_i32, %c0_i32_0 : i32, i32
  }
  func.func @transform_11(%arg0: i32) -> (i32, i32) {
    %c0_i32 = arith.constant 0 : i32
    %c0_i32_0 = arith.constant 0 : i32
    return %arg0, %c0_i32 : i32, i32
  }
  func.func @transform_12(%arg0: i32) -> (i32, i32) {
    %c0_i32 = arith.constant 0 : i32
    %c0_i32_0 = arith.constant 0 : i32
    return %arg0, %c0_i32 : i32, i32
  }
  func.func @transform_13(%arg0: i32) -> (i32, i32) {
    %c0_i32 = arith.constant 0 : i32
    %c0_i32_0 = arith.constant 0 : i32
    return %arg0, %c0_i32 : i32, i32
  }
  func.func @transform_14(%arg0: i32) -> (i32, i32) {
    %c0_i32 = arith.constant 0 : i32
    %c0_i32_0 = arith.constant 0 : i32
    return %arg0, %c0_i32 : i32, i32
  }
}

module attributes {stable_mosaic.version = 14 : i64} {
  func.func @_edge1_body(%arg0: i32, %arg1: memref<2048x256xf32, #tpu.memory_space<vmem>>, %arg2: memref<2048x256xf32, #tpu.memory_space<vmem>>, %arg3: memref<2048x16xf32, #tpu.memory_space<vmem>>, %arg4: memref<2048x128xf32, #tpu.memory_space<vmem>>, %arg5: memref<32x16xf32, #tpu.memory_space<vmem>>, %arg6: memref<1x16xf32, #tpu.memory_space<vmem>>, %arg7: memref<128x96xf32, #tpu.memory_space<vmem>>, %arg8: memref<1x96xf32, #tpu.memory_space<vmem>>, %arg9: memref<16x128xf32, #tpu.memory_space<vmem>>, %arg10: memref<16x128xf32, #tpu.memory_space<vmem>>, %arg11: memref<1x16xf32, #tpu.memory_space<vmem>>, %arg12: memref<1x16xf32, #tpu.memory_space<vmem>>, %arg13: memref<1x1xf32, #tpu.memory_space<vmem>>, %arg14: memref<2048x16xf32, #tpu.memory_space<vmem>>, %arg15: memref<2048x128xf32, #tpu.memory_space<vmem>>, %arg16: memref<2048x32xf32, #tpu.memory_space<vmem>>, %arg17: memref<2048x64xf32, #tpu.memory_space<vmem>>) attributes {dimension_semantics = [#tpu.dimension_semantics<arbitrary>], iteration_bounds = array<i64: 158>, scalar_prefetch = 0 : i64, scratch_operands = 0 : i64, tpu.core_type = #tpu.core_type<tc>, window_params = [{transform_indices = @transform_0, window_bounds = array<i64: 2048, 256>}, {transform_indices = @transform_1, window_bounds = array<i64: 2048, 256>}, {transform_indices = @transform_2, window_bounds = array<i64: 2048, 16>}, {transform_indices = @transform_3, window_bounds = array<i64: 2048, 128>}, {pipeline_mode = #tpu.pipeline_mode<synchronous>, transform_indices = @transform_4, window_bounds = array<i64: 32, 16>}, {pipeline_mode = #tpu.pipeline_mode<synchronous>, transform_indices = @transform_5, window_bounds = array<i64: 1, 16>}, {pipeline_mode = #tpu.pipeline_mode<synchronous>, transform_indices = @transform_6, window_bounds = array<i64: 128, 96>}, {pipeline_mode = #tpu.pipeline_mode<synchronous>, transform_indices = @transform_7, window_bounds = array<i64: 1, 96>}, {pipeline_mode = #tpu.pipeline_mode<synchronous>, transform_indices = @transform_8, window_bounds = array<i64: 16, 128>}, {pipeline_mode = #tpu.pipeline_mode<synchronous>, transform_indices = @transform_9, window_bounds = array<i64: 16, 128>}, {pipeline_mode = #tpu.pipeline_mode<synchronous>, transform_indices = @transform_10, window_bounds = array<i64: 1, 16>}, {pipeline_mode = #tpu.pipeline_mode<synchronous>, transform_indices = @transform_11, window_bounds = array<i64: 1, 16>}, {pipeline_mode = #tpu.pipeline_mode<synchronous>, transform_indices = @transform_12, window_bounds = array<i64: 1, 1>}, {transform_indices = @transform_13, window_bounds = array<i64: 2048, 16>}, {transform_indices = @transform_14, window_bounds = array<i64: 2048, 128>}, {transform_indices = @transform_15, window_bounds = array<i64: 2048, 32>}, {transform_indices = @transform_16, window_bounds = array<i64: 2048, 64>}]} {
    %mul3A = arith.constant 2048 : i32
    %mul3A_0 = arith.muli %arg0, %mul3A : i32
    %iota3A = tpu.iota {dimensions = array<i32: 0>} : vector<2048x1xi32>
    %add3A = vector.broadcast %mul3A_0 : i32 to vector<2048x1xi32>
    %add3A_1 = arith.addi %add3A, %iota3A : vector<2048x1xi32>
    %lt3A = arith.constant 320000 : i32
    %lt3A_2 = vector.broadcast %lt3A : i32 to vector<2048x1xi32>
    %lt3A_3 = arith.cmpi slt, %add3A_1, %lt3A_2 : vector<2048x1xi32>
    %convert_element_type3A = arith.extui %lt3A_3 : vector<2048x1xi1> to vector<2048x1xi32>
    %convert_element_type3A_4 = arith.sitofp %convert_element_type3A : vector<2048x1xi32> to vector<2048x1xf32>
    %get3A = arith.constant 0 : index
    %get3A_5 = arith.constant 0 : index
    %get3A_6 = vector.load %arg1[%get3A, %get3A_5] : memref<2048x256xf32, #tpu.memory_space<vmem>>, vector<2048x256xf32>
    %get3A_7 = arith.constant 0 : index
    %get3A_8 = arith.constant 0 : index
    %get3A_9 = vector.load %arg2[%get3A_7, %get3A_8] : memref<2048x256xf32, #tpu.memory_space<vmem>>, vector<2048x256xf32>
    %slice3A = vector.extract_strided_slice %get3A_9 {offsets = [0, 128], sizes = [2048, 16], strides = [1, 1]} : vector<2048x256xf32> to vector<2048x16xf32>
    %slice3A_10 = vector.extract_strided_slice %get3A_6 {offsets = [0, 128], sizes = [2048, 16], strides = [1, 1]} : vector<2048x256xf32> to vector<2048x16xf32>
    %sub3A = arith.subf %slice3A, %slice3A_10 : vector<2048x16xf32>
    %mul3A_11 = arith.mulf %sub3A, %sub3A : vector<2048x16xf32>
    %reduce_sum3A = arith.constant dense<0.000000e+00> : vector<2048xf32>
    %reduce_sum3A_12 = vector.multi_reduction <add>, %mul3A_11, %reduce_sum3A [1] : vector<2048x16xf32> to vector<2048xf32>
    %broadcast_in_dim3A = vector.shape_cast %reduce_sum3A_12 : vector<2048xf32> to vector<2048x1xf32>
    %get3A_13 = arith.constant 0 : index
    %get3A_14 = arith.constant 0 : index
    %get3A_15 = vector.load %arg11[%get3A_13, %get3A_14] : memref<1x16xf32, #tpu.memory_space<vmem>>, vector<1x16xf32>
    %get3A_16 = arith.constant 0 : index
    %get3A_17 = arith.constant 0 : index
    %get3A_18 = vector.load %arg12[%get3A_16, %get3A_17] : memref<1x16xf32, #tpu.memory_space<vmem>>, vector<1x16xf32>
    %sub3A_19 = vector.broadcast %broadcast_in_dim3A : vector<2048x1xf32> to vector<2048x16xf32>
    %sub3A_20 = vector.broadcast %get3A_15 : vector<1x16xf32> to vector<2048x16xf32>
    %sub3A_21 = arith.subf %sub3A_19, %sub3A_20 : vector<2048x16xf32>
    %div3A = vector.broadcast %get3A_18 : vector<1x16xf32> to vector<2048x16xf32>
    %div3A_22 = arith.divf %sub3A_21, %div3A : vector<2048x16xf32>
    %integer_pow3A = arith.mulf %div3A_22, %div3A_22 : vector<2048x16xf32>
    %mul3A_23 = arith.constant -5.000000e-01 : f32
    %mul3A_24 = vector.broadcast %mul3A_23 : f32 to vector<2048x16xf32>
    %mul3A_25 = arith.mulf %mul3A_24, %integer_pow3A : vector<2048x16xf32>
    %exp3A = math.exp %mul3A_25 : vector<2048x16xf32>
    %mul3A_26 = arith.constant 2.50662732 : f32
    %mul3A_27 = vector.broadcast %mul3A_26 : f32 to vector<1x16xf32>
    %mul3A_28 = arith.mulf %mul3A_27, %get3A_18 : vector<1x16xf32>
    %div3A_29 = vector.broadcast %mul3A_28 : vector<1x16xf32> to vector<2048x16xf32>
    %div3A_30 = arith.divf %exp3A, %div3A_29 : vector<2048x16xf32>
    %iota3A_31 = tpu.iota {dimensions = array<i32: 1>} : vector<2048x16xi32>
    %eq3A = arith.constant 0 : i32
    %eq3A_32 = vector.broadcast %eq3A : i32 to vector<2048x16xi32>
    %eq3A_33 = arith.cmpi eq, %iota3A_31, %eq3A_32 : vector<2048x16xi32>
    %broadcast_in_dim3A_34 = vector.shape_cast %broadcast_in_dim3A : vector<2048x1xf32> to vector<2048x1xf32>
    %broadcast_in_dim3A_35 = vector.broadcast %broadcast_in_dim3A_34 : vector<2048x1xf32> to vector<2048x16xf32>
    %select_n3A = arith.select %eq3A_33, %broadcast_in_dim3A_35, %div3A_30 : vector<2048x16xi1>, vector<2048x16xf32>
    %sqrt3A = math.sqrt %broadcast_in_dim3A : vector<2048x1xf32>
    %max3A = arith.constant 9.99999993E-9 : f32
    %max3A_36 = vector.broadcast %max3A : f32 to vector<2048x1xf32>
    %max3A_37 = arith.maximumf %sqrt3A, %max3A_36 : vector<2048x1xf32>
    %div3A_38 = vector.broadcast %max3A_37 : vector<2048x1xf32> to vector<2048x16xf32>
    %div3A_39 = arith.divf %sub3A, %div3A_38 : vector<2048x16xf32>
    %get3A_40 = arith.constant 0 : index
    %get3A_41 = arith.constant 0 : index
    %get3A_42 = vector.load %arg13[%get3A_40, %get3A_41] : memref<1x1xf32, #tpu.memory_space<vmem>>, vector<1x1xf32>
    %get3A_43 = vector.extract %get3A_42[0, 0] : f32 from vector<1x1xf32>
    %mul3A_44 = vector.broadcast %get3A_43 : f32 to vector<2048x16xf32>
    %mul3A_45 = arith.mulf %div3A_39, %mul3A_44 : vector<2048x16xf32>
    %concatenate3A = tpu.concatenate %select_n3A, %mul3A_45 in 1 : vector<2048x16xf32>, vector<2048x16xf32> -> vector<2048x32xf32>
    %mul3A_46 = vector.broadcast %convert_element_type3A_4 : vector<2048x1xf32> to vector<2048x32xf32>
    %mul3A_47 = arith.mulf %concatenate3A, %mul3A_46 : vector<2048x32xf32>
    %swap3A = arith.constant 0 : index
    %swap3A_48 = arith.constant 0 : index
    %swap3A_49 = vector.load %arg16[%swap3A, %swap3A_48] : memref<2048x32xf32, #tpu.memory_space<vmem>>, vector<2048x32xf32>
    tpu.vector_store %arg16[%swap3A, %swap3A_48], %mul3A_47 {strides = array<i32>} : memref<2048x32xf32, #tpu.memory_space<vmem>>, vector<2048x32xf32>,
    %get3A_50 = arith.constant 0 : index
    %get3A_51 = arith.constant 0 : index
    %get3A_52 = vector.load %arg3[%get3A_50, %get3A_51] : memref<2048x16xf32, #tpu.memory_space<vmem>>, vector<2048x16xf32>
    %concatenate3A_53 = tpu.concatenate %select_n3A, %get3A_52 in 1 : vector<2048x16xf32>, vector<2048x16xf32> -> vector<2048x32xf32>
    %get3A_54 = arith.constant 0 : index
    %get3A_55 = arith.constant 0 : index
    %get3A_56 = vector.load %arg5[%get3A_54, %get3A_55] : memref<32x16xf32, #tpu.memory_space<vmem>>, vector<32x16xf32>
    %dot_general3A = arith.constant dense<0.000000e+00> : vector<2048x16xf32>
    %dot_general3A_57 = tpu.matmul %concatenate3A_53, %get3A_56, %dot_general3A {dimension_numbers = #tpu.dot_dimension_numbers<[1], [0], [0], [1], [0, 0, 1, 1], [], []>, transpose_lhs_hint = false} : vector<2048x32xf32>, vector<32x16xf32>, vector<2048x16xf32> -> vector<2048x16xf32>
    %get3A_58 = arith.constant 0 : index
    %get3A_59 = arith.constant 0 : index
    %get3A_60 = vector.load %arg6[%get3A_58, %get3A_59] : memref<1x16xf32, #tpu.memory_space<vmem>>, vector<1x16xf32>
    %add3A_61 = vector.broadcast %get3A_60 : vector<1x16xf32> to vector<2048x16xf32>
    %add3A_62 = arith.addf %dot_general3A_57, %add3A_61 : vector<2048x16xf32>
    %get3A_63 = arith.constant 0 : index
    %get3A_64 = arith.constant 0 : index
    %get3A_65 = vector.load %arg4[%get3A_63, %get3A_64] : memref<2048x128xf32, #tpu.memory_space<vmem>>, vector<2048x128xf32>
    %logistic3A = arith.negf %get3A_65 : vector<2048x128xf32>
    %logistic3A_66 = math.exp %logistic3A : vector<2048x128xf32>
    %logistic3A_67 = arith.constant 1.000000e+00 : f32
    %logistic3A_68 = vector.broadcast %logistic3A_67 : f32 to vector<2048x128xf32>
    %logistic3A_69 = arith.addf %logistic3A_68, %logistic3A_66 : vector<2048x128xf32>
    %logistic3A_70 = arith.divf %logistic3A_68, %logistic3A_69 : vector<2048x128xf32>
    %mul3A_71 = arith.mulf %get3A_65, %logistic3A_70 : vector<2048x128xf32>
    %get3A_72 = arith.constant 0 : index
    %get3A_73 = arith.constant 0 : index
    %get3A_74 = vector.load %arg7[%get3A_72, %get3A_73] : memref<128x96xf32, #tpu.memory_space<vmem>>, vector<128x96xf32>
    %dot_general3A_75 = arith.constant dense<0.000000e+00> : vector<2048x96xf32>
    %dot_general3A_76 = tpu.matmul %mul3A_71, %get3A_74, %dot_general3A_75 {dimension_numbers = #tpu.dot_dimension_numbers<[1], [0], [0], [1], [0, 0, 1, 1], [], []>, transpose_lhs_hint = false} : vector<2048x128xf32>, vector<128x96xf32>, vector<2048x96xf32> -> vector<2048x96xf32>
    %get3A_77 = arith.constant 0 : index
    %get3A_78 = arith.constant 0 : index
    %get3A_79 = vector.load %arg8[%get3A_77, %get3A_78] : memref<1x96xf32, #tpu.memory_space<vmem>>, vector<1x96xf32>
    %add3A_80 = vector.broadcast %get3A_79 : vector<1x96xf32> to vector<2048x96xf32>
    %add3A_81 = arith.addf %dot_general3A_76, %add3A_80 : vector<2048x96xf32>
    %reduce_sum3A_82 = arith.constant dense<0.000000e+00> : vector<2048xf32>
    %reduce_sum3A_83 = vector.multi_reduction <add>, %add3A_62, %reduce_sum3A_82 [1] : vector<2048x16xf32> to vector<2048xf32>
    %broadcast_in_dim3A_84 = vector.shape_cast %reduce_sum3A_83 : vector<2048xf32> to vector<2048x1xf32>
    %div3A_85 = arith.constant 1.600000e+01 : f32
    %div3A_86 = vector.broadcast %div3A_85 : f32 to vector<2048x1xf32>
    %div3A_87 = arith.divf %broadcast_in_dim3A_84, %div3A_86 : vector<2048x1xf32>
    %jit3A = arith.constant 0 : i32
    %reduce_sum3A_88 = arith.constant dense<0.000000e+00> : vector<2048xf32>
    %reduce_sum3A_89 = vector.multi_reduction <add>, %add3A_62, %reduce_sum3A_88 [1] : vector<2048x16xf32> to vector<2048xf32>
    %broadcast_in_dim3A_90 = vector.shape_cast %reduce_sum3A_89 : vector<2048xf32> to vector<2048x1xf32>
    %div3A_91 = arith.constant 1.600000e+01 : f32
    %div3A_92 = vector.broadcast %div3A_91 : f32 to vector<2048x1xf32>
    %div3A_93 = arith.divf %broadcast_in_dim3A_90, %div3A_92 : vector<2048x1xf32>
    %sub3A_94 = vector.broadcast %div3A_93 : vector<2048x1xf32> to vector<2048x16xf32>
    %sub3A_95 = arith.subf %add3A_62, %sub3A_94 : vector<2048x16xf32>
    %square3A = arith.mulf %sub3A_95, %sub3A_95 : vector<2048x16xf32>
    %convert_element_type3A_96 = arith.sitofp %jit3A : i32 to f32
    %sub3A_97 = arith.constant 1.600000e+01 : f32
    %sub3A_98 = arith.subf %sub3A_97, %convert_element_type3A_96 : f32
    %reduce_sum3A_99 = arith.constant dense<0.000000e+00> : vector<2048xf32>
    %reduce_sum3A_100 = vector.multi_reduction <add>, %square3A, %reduce_sum3A_99 [1] : vector<2048x16xf32> to vector<2048xf32>
    %broadcast_in_dim3A_101 = vector.shape_cast %reduce_sum3A_100 : vector<2048xf32> to vector<2048x1xf32>
    %div3A_102 = vector.broadcast %sub3A_98 : f32 to vector<2048x1xf32>
    %div3A_103 = arith.divf %broadcast_in_dim3A_101, %div3A_102 : vector<2048x1xf32>
    %gt3A = arith.constant 0.000000e+00 : f32
    %gt3A_104 = arith.cmpf ogt, %sub3A_98, %gt3A : f32
    %jit3A_105 = arith.constant 0x7FC00000 : f32
    %broadcast_in_dim3A_106 = vector.broadcast %jit3A_105 : f32 to vector<2048x1xf32>
    %select_n3A_107 = arith.select %gt3A_104, %div3A_103, %broadcast_in_dim3A_106 : vector<2048x1xf32>
    %sub3A_108 = vector.broadcast %div3A_87 : vector<2048x1xf32> to vector<2048x16xf32>
    %sub3A_109 = arith.subf %add3A_62, %sub3A_108 : vector<2048x16xf32>
    %add3A_110 = arith.constant 9.99999997E-7 : f32
    %add3A_111 = vector.broadcast %add3A_110 : f32 to vector<2048x1xf32>
    %add3A_112 = arith.addf %select_n3A_107, %add3A_111 : vector<2048x1xf32>
    %sqrt3A_113 = math.sqrt %add3A_112 : vector<2048x1xf32>
    %div3A_114 = vector.broadcast %sqrt3A_113 : vector<2048x1xf32> to vector<2048x16xf32>
    %div3A_115 = arith.divf %sub3A_109, %div3A_114 : vector<2048x16xf32>
    %slice3A_116 = vector.extract_strided_slice %add3A_81 {offsets = [0, 16], sizes = [2048, 16], strides = [1, 1]} : vector<2048x96xf32> to vector<2048x16xf32>
    %add3A_117 = arith.constant 1.000000e+00 : f32
    %add3A_118 = vector.broadcast %add3A_117 : f32 to vector<2048x16xf32>
    %add3A_119 = arith.addf %add3A_118, %slice3A_116 : vector<2048x16xf32>
    %mul3A_120 = arith.mulf %div3A_115, %add3A_119 : vector<2048x16xf32>
    %slice3A_121 = vector.extract_strided_slice %add3A_81 {offsets = [0, 0], sizes = [2048, 16], strides = [1, 1]} : vector<2048x96xf32> to vector<2048x16xf32>
    %add3A_122 = arith.addf %mul3A_120, %slice3A_121 : vector<2048x16xf32>
    %get3A_123 = arith.constant 0 : index
    %get3A_124 = arith.constant 0 : index
    %get3A_125 = vector.load %arg9[%get3A_123, %get3A_124] : memref<16x128xf32, #tpu.memory_space<vmem>>, vector<16x128xf32>
    %dot_general3A_126 = arith.constant dense<0.000000e+00> : vector<2048x128xf32>
    %dot_general3A_127 = tpu.matmul %add3A_122, %get3A_125, %dot_general3A_126 {dimension_numbers = #tpu.dot_dimension_numbers<[1], [0], [0], [1], [0, 0, 1, 1], [], []>, transpose_lhs_hint = false} : vector<2048x16xf32>, vector<16x128xf32>, vector<2048x128xf32> -> vector<2048x128xf32>
    %tanh3A = math.tanh %dot_general3A_127 : vector<2048x128xf32>
    %get3A_128 = arith.constant 0 : index
    %get3A_129 = arith.constant 0 : index
    %get3A_130 = vector.load %arg10[%get3A_128, %get3A_129] : memref<16x128xf32, #tpu.memory_space<vmem>>, vector<16x128xf32>
    %dot_general3A_131 = arith.constant dense<0.000000e+00> : vector<2048x128xf32>
    %dot_general3A_132 = tpu.matmul %add3A_122, %get3A_130, %dot_general3A_131 {dimension_numbers = #tpu.dot_dimension_numbers<[1], [0], [0], [1], [0, 0, 1, 1], [], []>, transpose_lhs_hint = false} : vector<2048x16xf32>, vector<16x128xf32>, vector<2048x128xf32> -> vector<2048x128xf32>
    %tanh3A_133 = math.tanh %dot_general3A_132 : vector<2048x128xf32>
    %swap3A_134 = arith.constant 0 : index
    %swap3A_135 = arith.constant 0 : index
    %swap3A_136 = vector.load %arg15[%swap3A_134, %swap3A_135] : memref<2048x128xf32, #tpu.memory_space<vmem>>, vector<2048x128xf32>
    tpu.vector_store %arg15[%swap3A_134, %swap3A_135], %tanh3A_133 {strides = array<i32>} : memref<2048x128xf32, #tpu.memory_space<vmem>>, vector<2048x128xf32>,
    %slice3A_137 = vector.extract_strided_slice %add3A_81 {offsets = [0, 32], sizes = [2048, 64], strides = [1, 1]} : vector<2048x96xf32> to vector<2048x64xf32>
    %swap3A_138 = arith.constant 0 : index
    %swap3A_139 = arith.constant 0 : index
    %swap3A_140 = vector.load %arg17[%swap3A_138, %swap3A_139] : memref<2048x64xf32, #tpu.memory_space<vmem>>, vector<2048x64xf32>
    tpu.vector_store %arg17[%swap3A_138, %swap3A_139], %slice3A_137 {strides = array<i32>} : memref<2048x64xf32, #tpu.memory_space<vmem>>, vector<2048x64xf32>,
    %slice3A_141 = vector.extract_strided_slice %get3A_6 {offsets = [0, 0], sizes = [2048, 128], strides = [1, 1]} : vector<2048x256xf32> to vector<2048x128xf32>
    %slice3A_142 = vector.extract_strided_slice %get3A_9 {offsets = [0, 0], sizes = [2048, 128], strides = [1, 1]} : vector<2048x256xf32> to vector<2048x128xf32>
    %mul3A_143 = arith.mulf %slice3A_141, %slice3A_142 : vector<2048x128xf32>
    %mul3A_144 = arith.mulf %mul3A_143, %tanh3A : vector<2048x128xf32>
    %iota3A_145 = tpu.iota {dimensions = array<i32: 0>} : vector<128x8xi32>
    %jit3A_146 = arith.constant 16 : i32
    %div3A_147 = vector.broadcast %jit3A_146 : i32 to vector<128x8xi32>
    %div3A_148 = arith.divsi %iota3A_145, %div3A_147 : vector<128x8xi32>
    %sign3A = arith.constant 0 : i32
    %sign3A_149 = vector.broadcast %sign3A : i32 to vector<128x8xi32>
    %sign3A_150 = arith.cmpi sgt, %iota3A_145, %sign3A_149 : vector<128x8xi32>
    %sign3A_151 = arith.extui %sign3A_150 : vector<128x8xi1> to vector<128x8xi32>
    %sign3A_152 = arith.constant 0 : i32
    %sign3A_153 = vector.broadcast %sign3A_152 : i32 to vector<128x8xi32>
    %sign3A_154 = arith.cmpi slt, %iota3A_145, %sign3A_153 : vector<128x8xi32>
    %sign3A_155 = arith.extui %sign3A_154 : vector<128x8xi1> to vector<128x8xi32>
    %sign3A_156 = arith.subi %sign3A_151, %sign3A_155 : vector<128x8xi32>
    %sign3A_157 = arith.constant 0 : i32
    %sign3A_158 = arith.cmpi sgt, %jit3A_146, %sign3A_157 : i32
    %sign3A_159 = arith.extui %sign3A_158 : i1 to i32
    %sign3A_160 = arith.constant 0 : i32
    %sign3A_161 = arith.cmpi slt, %jit3A_146, %sign3A_160 : i32
    %sign3A_162 = arith.extui %sign3A_161 : i1 to i32
    %sign3A_163 = arith.subi %sign3A_159, %sign3A_162 : i32
    %ne3A = vector.broadcast %sign3A_163 : i32 to vector<128x8xi32>
    %ne3A_164 = arith.cmpi ne, %sign3A_156, %ne3A : vector<128x8xi32>
    %rem3A = vector.broadcast %jit3A_146 : i32 to vector<128x8xi32>
    %rem3A_165 = arith.remsi %iota3A_145, %rem3A : vector<128x8xi32>
    %ne3A_166 = arith.constant 0 : i32
    %ne3A_167 = vector.broadcast %ne3A_166 : i32 to vector<128x8xi32>
    %ne3A_168 = arith.cmpi ne, %rem3A_165, %ne3A_167 : vector<128x8xi32>
    %and3A = arith.andi %ne3A_164, %ne3A_168 : vector<128x8xi1>
    %sub3A_169 = arith.constant 1 : i32
    %sub3A_170 = vector.broadcast %sub3A_169 : i32 to vector<128x8xi32>
    %sub3A_171 = arith.subi %div3A_148, %sub3A_170 : vector<128x8xi32>
    %select_n3A_172 = arith.select %and3A, %sub3A_171, %div3A_148 : vector<128x8xi1>, vector<128x8xi32>
    %iota3A_173 = tpu.iota {dimensions = array<i32: 1>} : vector<128x8xi32>
    %eq3A_174 = arith.cmpi eq, %select_n3A_172, %iota3A_173 : vector<128x8xi32>
    %convert_element_type3A_175 = arith.extui %eq3A_174 : vector<128x8xi1> to vector<128x8xi32>
    %convert_element_type3A_176 = arith.sitofp %convert_element_type3A_175 : vector<128x8xi32> to vector<128x8xf32>
    %dot_general3A_177 = arith.constant dense<0.000000e+00> : vector<2048x8xf32>
    %dot_general3A_178 = tpu.matmul %mul3A_144, %convert_element_type3A_176, %dot_general3A_177 {dimension_numbers = #tpu.dot_dimension_numbers<[1], [0], [0], [1], [0, 0, 1, 1], [], []>, transpose_lhs_hint = false} : vector<2048x128xf32>, vector<128x8xf32>, vector<2048x8xf32> -> vector<2048x8xf32>
    %mul3A_179 = arith.constant 2.500000e-01 : f32
    %mul3A_180 = vector.broadcast %mul3A_179 : f32 to vector<2048x8xf32>
    %mul3A_181 = arith.mulf %dot_general3A_178, %mul3A_180 : vector<2048x8xf32>
    %exp3A_182 = math.exp %mul3A_181 : vector<2048x8xf32>
    %mul3A_183 = vector.broadcast %convert_element_type3A_4 : vector<2048x1xf32> to vector<2048x8xf32>
    %mul3A_184 = arith.mulf %exp3A_182, %mul3A_183 : vector<2048x8xf32>
    %broadcast_in_dim3A_185 = arith.constant 0.000000e+00 : f32
    %broadcast_in_dim3A_186 = vector.broadcast %broadcast_in_dim3A_185 : f32 to vector<2048x8xf32>
    %concatenate3A_187 = tpu.concatenate %mul3A_184, %broadcast_in_dim3A_186 in 1 : vector<2048x8xf32>, vector<2048x8xf32> -> vector<2048x16xf32>
    %swap3A_188 = arith.constant 0 : index
    %swap3A_189 = arith.constant 0 : index
    %swap3A_190 = vector.load %arg14[%swap3A_188, %swap3A_189] : memref<2048x16xf32, #tpu.memory_space<vmem>>, vector<2048x16xf32>
    tpu.vector_store %arg14[%swap3A_188, %swap3A_189], %concatenate3A_187 {strides = array<i32>} : memref<2048x16xf32, #tpu.memory_space<vmem>>, vector<2048x16xf32>,
    return
  }
  func.func @transform_0(%arg0: i32) -> (i32, i32) {
    %c0_i32 = arith.constant 0 : i32
    %c0_i32_0 = arith.constant 0 : i32
    return %arg0, %c0_i32 : i32, i32
  }
  func.func @transform_1(%arg0: i32) -> (i32, i32) {
    %c0_i32 = arith.constant 0 : i32
    %c0_i32_0 = arith.constant 0 : i32
    return %arg0, %c0_i32 : i32, i32
  }
  func.func @transform_2(%arg0: i32) -> (i32, i32) {
    %min3A = arith.constant 156 : i32
    %min3A_0 = arith.minsi %arg0, %min3A : i32
    %c0_i32 = arith.constant 0 : i32
    %c0_i32_1 = arith.constant 0 : i32
    return %min3A_0, %c0_i32 : i32, i32
  }
  func.func @transform_3(%arg0: i32) -> (i32, i32) {
    %min3A = arith.constant 156 : i32
    %min3A_0 = arith.minsi %arg0, %min3A : i32
    %c0_i32 = arith.constant 0 : i32
    %c0_i32_1 = arith.constant 0 : i32
    return %min3A_0, %c0_i32 : i32, i32
  }
  func.func @transform_4(%arg0: i32) -> (i32, i32) {
    %c0_i32 = arith.constant 0 : i32
    %c0_i32_0 = arith.constant 0 : i32
    %c0_i32_1 = arith.constant 0 : i32
    return %c0_i32, %c0_i32_0 : i32, i32
  }
  func.func @transform_5(%arg0: i32) -> (i32, i32) {
    %c0_i32 = arith.constant 0 : i32
    %c0_i32_0 = arith.constant 0 : i32
    %c0_i32_1 = arith.constant 0 : i32
    return %c0_i32, %c0_i32_0 : i32, i32
  }
  func.func @transform_6(%arg0: i32) -> (i32, i32) {
    %c0_i32 = arith.constant 0 : i32
    %c0_i32_0 = arith.constant 0 : i32
    %c0_i32_1 = arith.constant 0 : i32
    return %c0_i32, %c0_i32_0 : i32, i32
  }
  func.func @transform_7(%arg0: i32) -> (i32, i32) {
    %c0_i32 = arith.constant 0 : i32
    %c0_i32_0 = arith.constant 0 : i32
    %c0_i32_1 = arith.constant 0 : i32
    return %c0_i32, %c0_i32_0 : i32, i32
  }
  func.func @transform_8(%arg0: i32) -> (i32, i32) {
    %c0_i32 = arith.constant 0 : i32
    %c0_i32_0 = arith.constant 0 : i32
    %c0_i32_1 = arith.constant 0 : i32
    return %c0_i32, %c0_i32_0 : i32, i32
  }
  func.func @transform_9(%arg0: i32) -> (i32, i32) {
    %c0_i32 = arith.constant 0 : i32
    %c0_i32_0 = arith.constant 0 : i32
    %c0_i32_1 = arith.constant 0 : i32
    return %c0_i32, %c0_i32_0 : i32, i32
  }
  func.func @transform_10(%arg0: i32) -> (i32, i32) {
    %c0_i32 = arith.constant 0 : i32
    %c0_i32_0 = arith.constant 0 : i32
    %c0_i32_1 = arith.constant 0 : i32
    return %c0_i32, %c0_i32_0 : i32, i32
  }
  func.func @transform_11(%arg0: i32) -> (i32, i32) {
    %c0_i32 = arith.constant 0 : i32
    %c0_i32_0 = arith.constant 0 : i32
    %c0_i32_1 = arith.constant 0 : i32
    return %c0_i32, %c0_i32_0 : i32, i32
  }
  func.func @transform_12(%arg0: i32) -> (i32, i32) {
    %c0_i32 = arith.constant 0 : i32
    %c0_i32_0 = arith.constant 0 : i32
    %c0_i32_1 = arith.constant 0 : i32
    return %c0_i32, %c0_i32_0 : i32, i32
  }
  func.func @transform_13(%arg0: i32) -> (i32, i32) {
    %c0_i32 = arith.constant 0 : i32
    %c0_i32_0 = arith.constant 0 : i32
    return %arg0, %c0_i32 : i32, i32
  }
  func.func @transform_14(%arg0: i32) -> (i32, i32) {
    %c0_i32 = arith.constant 0 : i32
    %c0_i32_0 = arith.constant 0 : i32
    return %arg0, %c0_i32 : i32, i32
  }
  func.func @transform_15(%arg0: i32) -> (i32, i32) {
    %c0_i32 = arith.constant 0 : i32
    %c0_i32_0 = arith.constant 0 : i32
    return %arg0, %c0_i32 : i32, i32
  }
  func.func @transform_16(%arg0: i32) -> (i32, i32) {
    %c0_i32 = arith.constant 0 : i32
    %c0_i32_0 = arith.constant 0 : i32
    return %arg0, %c0_i32 : i32, i32
  }
}

module attributes {stable_mosaic.version = 14 : i64} {
  func.func @_seg_body(%arg0: i32, %arg1: memref<512x1xi32, #tpu.memory_space<vmem>>, %arg2: memref<512x16xf32, #tpu.memory_space<vmem>>, %arg3: memref<10240x16xf32, #tpu.memory_space<vmem>>) attributes {dimension_semantics = [#tpu.dimension_semantics<arbitrary>], iteration_bounds = array<i64: 632>, scalar_prefetch = 0 : i64, scratch_operands = 0 : i64, tpu.core_type = #tpu.core_type<tc>, window_params = [{transform_indices = @transform_0, window_bounds = array<i64: 512, 1>}, {transform_indices = @transform_1, window_bounds = array<i64: 512, 16>}, {pipeline_mode = #tpu.pipeline_mode<synchronous>, transform_indices = @transform_2, window_bounds = array<i64: 10240, 16>}]} {
    %eq3A = arith.constant 0 : i32
    %eq3A_0 = arith.cmpi eq, %arg0, %eq3A : i32
    %convert_element_type3A = arith.extui %eq3A_0 : i1 to i32
    %cond3A = arith.constant 0 : i32
    %cond3A_1 = arith.cmpi ne, %convert_element_type3A, %cond3A : i32
    scf.if %cond3A_1 {
      %broadcast_in_dim3A = arith.constant 0.000000e+00 : f32
      %broadcast_in_dim3A_17 = vector.broadcast %broadcast_in_dim3A : f32 to vector<10240x16xf32>
      %swap3A_18 = arith.constant 0 : index
      %swap3A_19 = arith.constant 0 : index
      %swap3A_20 = vector.load %arg3[%swap3A_18, %swap3A_19] : memref<10240x16xf32, #tpu.memory_space<vmem>>, vector<10240x16xf32>
      tpu.vector_store %arg3[%swap3A_18, %swap3A_19], %broadcast_in_dim3A_17 {strides = array<i32>} : memref<10240x16xf32, #tpu.memory_space<vmem>>, vector<10240x16xf32>,
    } else {
    }
    %get3A = arith.constant 0 : index
    %get3A_2 = arith.constant 0 : index
    %get3A_3 = vector.load %arg1[%get3A, %get3A_2] : memref<512x1xi32, #tpu.memory_space<vmem>>, vector<512x1xi32>
    %reshape3A = vector.shape_cast %get3A_3 : vector<512x1xi32> to vector<1x512xi32>
    %iota3A = tpu.iota {dimensions = array<i32: 0>} : vector<10240x512xi32>
    %eq3A_4 = vector.broadcast %reshape3A : vector<1x512xi32> to vector<10240x512xi32>
    %eq3A_5 = arith.cmpi eq, %iota3A, %eq3A_4 : vector<10240x512xi32>
    %convert_element_type3A_6 = arith.extui %eq3A_5 : vector<10240x512xi1> to vector<10240x512xi32>
    %convert_element_type3A_7 = arith.sitofp %convert_element_type3A_6 : vector<10240x512xi32> to vector<10240x512xf32>
    %get3A_8 = arith.constant 0 : index
    %get3A_9 = arith.constant 0 : index
    %get3A_10 = vector.load %arg3[%get3A_8, %get3A_9] : memref<10240x16xf32, #tpu.memory_space<vmem>>, vector<10240x16xf32>
    %get3A_11 = arith.constant 0 : index
    %get3A_12 = arith.constant 0 : index
    %get3A_13 = vector.load %arg2[%get3A_11, %get3A_12] : memref<512x16xf32, #tpu.memory_space<vmem>>, vector<512x16xf32>
    %dot_general3A = arith.constant dense<0.000000e+00> : vector<10240x16xf32>
    %dot_general3A_14 = tpu.matmul %convert_element_type3A_7, %get3A_13, %dot_general3A {dimension_numbers = #tpu.dot_dimension_numbers<[1], [0], [0], [1], [0, 0, 1, 1], [], []>, transpose_lhs_hint = false} : vector<10240x512xf32>, vector<512x16xf32>, vector<10240x16xf32> -> vector<10240x16xf32>
    %add3A = arith.addf %get3A_10, %dot_general3A_14 : vector<10240x16xf32>
    %swap3A = arith.constant 0 : index
    %swap3A_15 = arith.constant 0 : index
    %swap3A_16 = vector.load %arg3[%swap3A, %swap3A_15] : memref<10240x16xf32, #tpu.memory_space<vmem>>, vector<10240x16xf32>
    tpu.vector_store %arg3[%swap3A, %swap3A_15], %add3A {strides = array<i32>} : memref<10240x16xf32, #tpu.memory_space<vmem>>, vector<10240x16xf32>,
    return
  }
  func.func @transform_0(%arg0: i32) -> (i32, i32) {
    %c0_i32 = arith.constant 0 : i32
    %c0_i32_0 = arith.constant 0 : i32
    return %arg0, %c0_i32 : i32, i32
  }
  func.func @transform_1(%arg0: i32) -> (i32, i32) {
    %c0_i32 = arith.constant 0 : i32
    %c0_i32_0 = arith.constant 0 : i32
    return %arg0, %c0_i32 : i32, i32
  }
  func.func @transform_2(%arg0: i32) -> (i32, i32) {
    %c0_i32 = arith.constant 0 : i32
    %c0_i32_0 = arith.constant 0 : i32
    %c0_i32_1 = arith.constant 0 : i32
    return %c0_i32, %c0_i32_0 : i32, i32
  }
}

module attributes {stable_mosaic.version = 14 : i64} {
  func.func @_edge2_body(%arg0: i32, %arg1: memref<2048x128xf32, #tpu.memory_space<vmem>>, %arg2: memref<2048x128xf32, #tpu.memory_space<vmem>>, %arg3: memref<2048x16xf32, #tpu.memory_space<vmem>>, %arg4: memref<2048x128xf32, #tpu.memory_space<vmem>>) attributes {dimension_semantics = [#tpu.dimension_semantics<arbitrary>], iteration_bounds = array<i64: 158>, scalar_prefetch = 0 : i64, scratch_operands = 0 : i64, tpu.core_type = #tpu.core_type<tc>, window_params = [{transform_indices = @transform_0, window_bounds = array<i64: 2048, 128>}, {transform_indices = @transform_1, window_bounds = array<i64: 2048, 128>}, {transform_indices = @transform_2, window_bounds = array<i64: 2048, 16>}, {transform_indices = @transform_3, window_bounds = array<i64: 2048, 128>}]} {
    %iota3A = tpu.iota {dimensions = array<i32: 1>} : vector<16x128xi32>
    %jit3A = arith.constant 16 : i32
    %div3A = vector.broadcast %jit3A : i32 to vector<16x128xi32>
    %div3A_0 = arith.divsi %iota3A, %div3A : vector<16x128xi32>
    %sign3A = arith.constant 0 : i32
    %sign3A_1 = vector.broadcast %sign3A : i32 to vector<16x128xi32>
    %sign3A_2 = arith.cmpi sgt, %iota3A, %sign3A_1 : vector<16x128xi32>
    %sign3A_3 = arith.extui %sign3A_2 : vector<16x128xi1> to vector<16x128xi32>
    %sign3A_4 = arith.constant 0 : i32
    %sign3A_5 = vector.broadcast %sign3A_4 : i32 to vector<16x128xi32>
    %sign3A_6 = arith.cmpi slt, %iota3A, %sign3A_5 : vector<16x128xi32>
    %sign3A_7 = arith.extui %sign3A_6 : vector<16x128xi1> to vector<16x128xi32>
    %sign3A_8 = arith.subi %sign3A_3, %sign3A_7 : vector<16x128xi32>
    %sign3A_9 = arith.constant 0 : i32
    %sign3A_10 = arith.cmpi sgt, %jit3A, %sign3A_9 : i32
    %sign3A_11 = arith.extui %sign3A_10 : i1 to i32
    %sign3A_12 = arith.constant 0 : i32
    %sign3A_13 = arith.cmpi slt, %jit3A, %sign3A_12 : i32
    %sign3A_14 = arith.extui %sign3A_13 : i1 to i32
    %sign3A_15 = arith.subi %sign3A_11, %sign3A_14 : i32
    %ne3A = vector.broadcast %sign3A_15 : i32 to vector<16x128xi32>
    %ne3A_16 = arith.cmpi ne, %sign3A_8, %ne3A : vector<16x128xi32>
    %rem3A = vector.broadcast %jit3A : i32 to vector<16x128xi32>
    %rem3A_17 = arith.remsi %iota3A, %rem3A : vector<16x128xi32>
    %ne3A_18 = arith.constant 0 : i32
    %ne3A_19 = vector.broadcast %ne3A_18 : i32 to vector<16x128xi32>
    %ne3A_20 = arith.cmpi ne, %rem3A_17, %ne3A_19 : vector<16x128xi32>
    %and3A = arith.andi %ne3A_16, %ne3A_20 : vector<16x128xi1>
    %sub3A = arith.constant 1 : i32
    %sub3A_21 = vector.broadcast %sub3A : i32 to vector<16x128xi32>
    %sub3A_22 = arith.subi %div3A_0, %sub3A_21 : vector<16x128xi32>
    %select_n3A = arith.select %and3A, %sub3A_22, %div3A_0 : vector<16x128xi1>, vector<16x128xi32>
    %iota3A_23 = tpu.iota {dimensions = array<i32: 0>} : vector<16x128xi32>
    %eq3A = arith.cmpi eq, %select_n3A, %iota3A_23 : vector<16x128xi32>
    %convert_element_type3A = arith.extui %eq3A : vector<16x128xi1> to vector<16x128xi32>
    %convert_element_type3A_24 = arith.sitofp %convert_element_type3A : vector<16x128xi32> to vector<16x128xf32>
    %get3A = arith.constant 0 : index
    %get3A_25 = arith.constant 0 : index
    %get3A_26 = vector.load %arg1[%get3A, %get3A_25] : memref<2048x128xf32, #tpu.memory_space<vmem>>, vector<2048x128xf32>
    %get3A_27 = arith.constant 0 : index
    %get3A_28 = arith.constant 0 : index
    %get3A_29 = vector.load %arg2[%get3A_27, %get3A_28] : memref<2048x128xf32, #tpu.memory_space<vmem>>, vector<2048x128xf32>
    %mul3A = arith.mulf %get3A_26, %get3A_29 : vector<2048x128xf32>
    %get3A_30 = arith.constant 0 : index
    %get3A_31 = arith.constant 0 : index
    %get3A_32 = vector.load %arg3[%get3A_30, %get3A_31] : memref<2048x16xf32, #tpu.memory_space<vmem>>, vector<2048x16xf32>
    %dot_general3A = arith.constant dense<0.000000e+00> : vector<2048x128xf32>
    %dot_general3A_33 = tpu.matmul %get3A_32, %convert_element_type3A_24, %dot_general3A {dimension_numbers = #tpu.dot_dimension_numbers<[1], [0], [0], [1], [0, 0, 1, 1], [], []>, transpose_lhs_hint = false} : vector<2048x16xf32>, vector<16x128xf32>, vector<2048x128xf32> -> vector<2048x128xf32>
    %mul3A_34 = arith.mulf %mul3A, %dot_general3A_33 : vector<2048x128xf32>
    %swap3A = arith.constant 0 : index
    %swap3A_35 = arith.constant 0 : index
    %swap3A_36 = vector.load %arg4[%swap3A, %swap3A_35] : memref<2048x128xf32, #tpu.memory_space<vmem>>, vector<2048x128xf32>
    tpu.vector_store %arg4[%swap3A, %swap3A_35], %mul3A_34 {strides = array<i32>} : memref<2048x128xf32, #tpu.memory_space<vmem>>, vector<2048x128xf32>,
    return
  }
  func.func @transform_0(%arg0: i32) -> (i32, i32) {
    %c0_i32 = arith.constant 0 : i32
    %c0_i32_0 = arith.constant 0 : i32
    return %arg0, %c0_i32 : i32, i32
  }
  func.func @transform_1(%arg0: i32) -> (i32, i32) {
    %c0_i32 = arith.constant 0 : i32
    %c0_i32_0 = arith.constant 0 : i32
    return %arg0, %c0_i32 : i32, i32
  }
  func.func @transform_2(%arg0: i32) -> (i32, i32) {
    %c0_i32 = arith.constant 0 : i32
    %c0_i32_0 = arith.constant 0 : i32
    return %arg0, %c0_i32 : i32, i32
  }
  func.func @transform_3(%arg0: i32) -> (i32, i32) {
    %c0_i32 = arith.constant 0 : i32
    %c0_i32_0 = arith.constant 0 : i32
    return %arg0, %c0_i32 : i32, i32
  }
}

module attributes {stable_mosaic.version = 14 : i64} {
  func.func @_seg_body(%arg0: i32, %arg1: memref<512x1xi32, #tpu.memory_space<vmem>>, %arg2: memref<512x128xf32, #tpu.memory_space<vmem>>, %arg3: memref<10240x128xf32, #tpu.memory_space<vmem>>) attributes {dimension_semantics = [#tpu.dimension_semantics<arbitrary>], iteration_bounds = array<i64: 632>, scalar_prefetch = 0 : i64, scratch_operands = 0 : i64, tpu.core_type = #tpu.core_type<tc>, window_params = [{transform_indices = @transform_0, window_bounds = array<i64: 512, 1>}, {transform_indices = @transform_1, window_bounds = array<i64: 512, 128>}, {pipeline_mode = #tpu.pipeline_mode<synchronous>, transform_indices = @transform_2, window_bounds = array<i64: 10240, 128>}]} {
    %eq3A = arith.constant 0 : i32
    %eq3A_0 = arith.cmpi eq, %arg0, %eq3A : i32
    %convert_element_type3A = arith.extui %eq3A_0 : i1 to i32
    %cond3A = arith.constant 0 : i32
    %cond3A_1 = arith.cmpi ne, %convert_element_type3A, %cond3A : i32
    scf.if %cond3A_1 {
      %broadcast_in_dim3A = arith.constant 0.000000e+00 : f32
      %broadcast_in_dim3A_17 = vector.broadcast %broadcast_in_dim3A : f32 to vector<10240x128xf32>
      %swap3A_18 = arith.constant 0 : index
      %swap3A_19 = arith.constant 0 : index
      %swap3A_20 = vector.load %arg3[%swap3A_18, %swap3A_19] : memref<10240x128xf32, #tpu.memory_space<vmem>>, vector<10240x128xf32>
      tpu.vector_store %arg3[%swap3A_18, %swap3A_19], %broadcast_in_dim3A_17 {strides = array<i32>} : memref<10240x128xf32, #tpu.memory_space<vmem>>, vector<10240x128xf32>,
    } else {
    }
    %get3A = arith.constant 0 : index
    %get3A_2 = arith.constant 0 : index
    %get3A_3 = vector.load %arg1[%get3A, %get3A_2] : memref<512x1xi32, #tpu.memory_space<vmem>>, vector<512x1xi32>
    %reshape3A = vector.shape_cast %get3A_3 : vector<512x1xi32> to vector<1x512xi32>
    %iota3A = tpu.iota {dimensions = array<i32: 0>} : vector<10240x512xi32>
    %eq3A_4 = vector.broadcast %reshape3A : vector<1x512xi32> to vector<10240x512xi32>
    %eq3A_5 = arith.cmpi eq, %iota3A, %eq3A_4 : vector<10240x512xi32>
    %convert_element_type3A_6 = arith.extui %eq3A_5 : vector<10240x512xi1> to vector<10240x512xi32>
    %convert_element_type3A_7 = arith.sitofp %convert_element_type3A_6 : vector<10240x512xi32> to vector<10240x512xf32>
    %get3A_8 = arith.constant 0 : index
    %get3A_9 = arith.constant 0 : index
    %get3A_10 = vector.load %arg3[%get3A_8, %get3A_9] : memref<10240x128xf32, #tpu.memory_space<vmem>>, vector<10240x128xf32>
    %get3A_11 = arith.constant 0 : index
    %get3A_12 = arith.constant 0 : index
    %get3A_13 = vector.load %arg2[%get3A_11, %get3A_12] : memref<512x128xf32, #tpu.memory_space<vmem>>, vector<512x128xf32>
    %dot_general3A = arith.constant dense<0.000000e+00> : vector<10240x128xf32>
    %dot_general3A_14 = tpu.matmul %convert_element_type3A_7, %get3A_13, %dot_general3A {dimension_numbers = #tpu.dot_dimension_numbers<[1], [0], [0], [1], [0, 0, 1, 1], [], []>, transpose_lhs_hint = false} : vector<10240x512xf32>, vector<512x128xf32>, vector<10240x128xf32> -> vector<10240x128xf32>
    %add3A = arith.addf %get3A_10, %dot_general3A_14 : vector<10240x128xf32>
    %swap3A = arith.constant 0 : index
    %swap3A_15 = arith.constant 0 : index
    %swap3A_16 = vector.load %arg3[%swap3A, %swap3A_15] : memref<10240x128xf32, #tpu.memory_space<vmem>>, vector<10240x128xf32>
    tpu.vector_store %arg3[%swap3A, %swap3A_15], %add3A {strides = array<i32>} : memref<10240x128xf32, #tpu.memory_space<vmem>>, vector<10240x128xf32>,
    return
  }
  func.func @transform_0(%arg0: i32) -> (i32, i32) {
    %c0_i32 = arith.constant 0 : i32
    %c0_i32_0 = arith.constant 0 : i32
    return %arg0, %c0_i32 : i32, i32
  }
  func.func @transform_1(%arg0: i32) -> (i32, i32) {
    %c0_i32 = arith.constant 0 : i32
    %c0_i32_0 = arith.constant 0 : i32
    return %arg0, %c0_i32 : i32, i32
  }
  func.func @transform_2(%arg0: i32) -> (i32, i32) {
    %c0_i32 = arith.constant 0 : i32
    %c0_i32_0 = arith.constant 0 : i32
    %c0_i32_1 = arith.constant 0 : i32
    return %c0_i32, %c0_i32_0 : i32, i32
  }
}

module attributes {stable_mosaic.version = 14 : i64} {
  func.func @_node2_body(%arg0: i32, %arg1: memref<2000x128xf32, #tpu.memory_space<vmem>>, %arg2: memref<2000x128xf32, #tpu.memory_space<vmem>>, %arg3: memref<2000x16xf32, #tpu.memory_space<vmem>>, %arg4: memref<2000x16xf32, #tpu.memory_space<vmem>>, %arg5: memref<2000x128xf32, #tpu.memory_space<vmem>>, %arg6: memref<2000x512xf32, #tpu.memory_space<vmem>>, %arg7: memref<128x128xf32, #tpu.memory_space<vmem>>, %arg8: memref<1x128xf32, #tpu.memory_space<vmem>>, %arg9: memref<128x256xf32, #tpu.memory_space<vmem>>, %arg10: memref<1x256xf32, #tpu.memory_space<vmem>>, %arg11: memref<256x128xf32, #tpu.memory_space<vmem>>, %arg12: memref<1x128xf32, #tpu.memory_space<vmem>>, %arg13: memref<2000x128xf32, #tpu.memory_space<vmem>>, %arg14: memref<2000x256xf32, #tpu.memory_space<vmem>>) attributes {dimension_semantics = [#tpu.dimension_semantics<arbitrary>], iteration_bounds = array<i64: 5>, scalar_prefetch = 0 : i64, scratch_operands = 0 : i64, tpu.core_type = #tpu.core_type<tc>, window_params = [{transform_indices = @transform_0, window_bounds = array<i64: 2000, 128>}, {transform_indices = @transform_1, window_bounds = array<i64: 2000, 128>}, {transform_indices = @transform_2, window_bounds = array<i64: 2000, 16>}, {transform_indices = @transform_3, window_bounds = array<i64: 2000, 16>}, {transform_indices = @transform_4, window_bounds = array<i64: 2000, 128>}, {transform_indices = @transform_5, window_bounds = array<i64: 2000, 512>}, {pipeline_mode = #tpu.pipeline_mode<synchronous>, transform_indices = @transform_6, window_bounds = array<i64: 128, 128>}, {pipeline_mode = #tpu.pipeline_mode<synchronous>, transform_indices = @transform_7, window_bounds = array<i64: 1, 128>}, {pipeline_mode = #tpu.pipeline_mode<synchronous>, transform_indices = @transform_8, window_bounds = array<i64: 128, 256>}, {pipeline_mode = #tpu.pipeline_mode<synchronous>, transform_indices = @transform_9, window_bounds = array<i64: 1, 256>}, {pipeline_mode = #tpu.pipeline_mode<synchronous>, transform_indices = @transform_10, window_bounds = array<i64: 256, 128>}, {pipeline_mode = #tpu.pipeline_mode<synchronous>, transform_indices = @transform_11, window_bounds = array<i64: 1, 128>}, {transform_indices = @transform_12, window_bounds = array<i64: 2000, 128>}, {transform_indices = @transform_13, window_bounds = array<i64: 2000, 256>}]} {
    %get3A = arith.constant 0 : index
    %get3A_0 = arith.constant 0 : index
    %get3A_1 = vector.load %arg3[%get3A, %get3A_0] : memref<2000x16xf32, #tpu.memory_space<vmem>>, vector<2000x16xf32>
    %get3A_2 = arith.constant 0 : index
    %get3A_3 = arith.constant 0 : index
    %get3A_4 = vector.load %arg4[%get3A_2, %get3A_3] : memref<2000x16xf32, #tpu.memory_space<vmem>>, vector<2000x16xf32>
    %add3A = arith.addf %get3A_1, %get3A_4 : vector<2000x16xf32>
    %add3A_5 = arith.constant 1.000000e-16 : f32
    %add3A_6 = vector.broadcast %add3A_5 : f32 to vector<2000x16xf32>
    %add3A_7 = arith.addf %add3A, %add3A_6 : vector<2000x16xf32>
    %div3A = arith.constant 1.000000e+00 : f32
    %div3A_8 = vector.broadcast %div3A : f32 to vector<2000x16xf32>
    %div3A_9 = arith.divf %div3A_8, %add3A_7 : vector<2000x16xf32>
    %iota3A = tpu.iota {dimensions = array<i32: 1>} : vector<16x128xi32>
    %jit3A = arith.constant 16 : i32
    %div3A_10 = vector.broadcast %jit3A : i32 to vector<16x128xi32>
    %div3A_11 = arith.divsi %iota3A, %div3A_10 : vector<16x128xi32>
    %sign3A = arith.constant 0 : i32
    %sign3A_12 = vector.broadcast %sign3A : i32 to vector<16x128xi32>
    %sign3A_13 = arith.cmpi sgt, %iota3A, %sign3A_12 : vector<16x128xi32>
    %sign3A_14 = arith.extui %sign3A_13 : vector<16x128xi1> to vector<16x128xi32>
    %sign3A_15 = arith.constant 0 : i32
    %sign3A_16 = vector.broadcast %sign3A_15 : i32 to vector<16x128xi32>
    %sign3A_17 = arith.cmpi slt, %iota3A, %sign3A_16 : vector<16x128xi32>
    %sign3A_18 = arith.extui %sign3A_17 : vector<16x128xi1> to vector<16x128xi32>
    %sign3A_19 = arith.subi %sign3A_14, %sign3A_18 : vector<16x128xi32>
    %sign3A_20 = arith.constant 0 : i32
    %sign3A_21 = arith.cmpi sgt, %jit3A, %sign3A_20 : i32
    %sign3A_22 = arith.extui %sign3A_21 : i1 to i32
    %sign3A_23 = arith.constant 0 : i32
    %sign3A_24 = arith.cmpi slt, %jit3A, %sign3A_23 : i32
    %sign3A_25 = arith.extui %sign3A_24 : i1 to i32
    %sign3A_26 = arith.subi %sign3A_22, %sign3A_25 : i32
    %ne3A = vector.broadcast %sign3A_26 : i32 to vector<16x128xi32>
    %ne3A_27 = arith.cmpi ne, %sign3A_19, %ne3A : vector<16x128xi32>
    %rem3A = vector.broadcast %jit3A : i32 to vector<16x128xi32>
    %rem3A_28 = arith.remsi %iota3A, %rem3A : vector<16x128xi32>
    %ne3A_29 = arith.constant 0 : i32
    %ne3A_30 = vector.broadcast %ne3A_29 : i32 to vector<16x128xi32>
    %ne3A_31 = arith.cmpi ne, %rem3A_28, %ne3A_30 : vector<16x128xi32>
    %and3A = arith.andi %ne3A_27, %ne3A_31 : vector<16x128xi1>
    %sub3A = arith.constant 1 : i32
    %sub3A_32 = vector.broadcast %sub3A : i32 to vector<16x128xi32>
    %sub3A_33 = arith.subi %div3A_11, %sub3A_32 : vector<16x128xi32>
    %select_n3A = arith.select %and3A, %sub3A_33, %div3A_11 : vector<16x128xi1>, vector<16x128xi32>
    %iota3A_34 = tpu.iota {dimensions = array<i32: 0>} : vector<16x128xi32>
    %eq3A = arith.cmpi eq, %select_n3A, %iota3A_34 : vector<16x128xi32>
    %convert_element_type3A = arith.extui %eq3A : vector<16x128xi1> to vector<16x128xi32>
    %convert_element_type3A_35 = arith.sitofp %convert_element_type3A : vector<16x128xi32> to vector<16x128xf32>
    %get3A_36 = arith.constant 0 : index
    %get3A_37 = arith.constant 0 : index
    %get3A_38 = vector.load %arg1[%get3A_36, %get3A_37] : memref<2000x128xf32, #tpu.memory_space<vmem>>, vector<2000x128xf32>
    %get3A_39 = arith.constant 0 : index
    %get3A_40 = arith.constant 0 : index
    %get3A_41 = vector.load %arg2[%get3A_39, %get3A_40] : memref<2000x128xf32, #tpu.memory_space<vmem>>, vector<2000x128xf32>
    %add3A_42 = arith.addf %get3A_38, %get3A_41 : vector<2000x128xf32>
    %dot_general3A = arith.constant dense<0.000000e+00> : vector<2000x128xf32>
    %dot_general3A_43 = tpu.matmul %div3A_9, %convert_element_type3A_35, %dot_general3A {dimension_numbers = #tpu.dot_dimension_numbers<[1], [0], [0], [1], [0, 0, 1, 1], [], []>, transpose_lhs_hint = false} : vector<2000x16xf32>, vector<16x128xf32>, vector<2000x128xf32> -> vector<2000x128xf32>
    %mul3A = arith.mulf %add3A_42, %dot_general3A_43 : vector<2000x128xf32>
    %get3A_44 = arith.constant 0 : index
    %get3A_45 = arith.constant 0 : index
    %get3A_46 = vector.load %arg7[%get3A_44, %get3A_45] : memref<128x128xf32, #tpu.memory_space<vmem>>, vector<128x128xf32>
    %dot_general3A_47 = arith.constant dense<0.000000e+00> : vector<2000x128xf32>
    %dot_general3A_48 = tpu.matmul %mul3A, %get3A_46, %dot_general3A_47 {dimension_numbers = #tpu.dot_dimension_numbers<[1], [0], [0], [1], [0, 0, 1, 1], [], []>, transpose_lhs_hint = false} : vector<2000x128xf32>, vector<128x128xf32>, vector<2000x128xf32> -> vector<2000x128xf32>
    %get3A_49 = arith.constant 0 : index
    %get3A_50 = arith.constant 0 : index
    %get3A_51 = vector.load %arg8[%get3A_49, %get3A_50] : memref<1x128xf32, #tpu.memory_space<vmem>>, vector<1x128xf32>
    %add3A_52 = vector.broadcast %get3A_51 : vector<1x128xf32> to vector<2000x128xf32>
    %add3A_53 = arith.addf %dot_general3A_48, %add3A_52 : vector<2000x128xf32>
    %get3A_54 = arith.constant 0 : index
    %get3A_55 = arith.constant 0 : index
    %get3A_56 = vector.load %arg6[%get3A_54, %get3A_55] : memref<2000x512xf32, #tpu.memory_space<vmem>>, vector<2000x512xf32>
    %get3A_57 = arith.constant 0 : index
    %get3A_58 = arith.constant 0 : index
    %get3A_59 = vector.load %arg5[%get3A_57, %get3A_58] : memref<2000x128xf32, #tpu.memory_space<vmem>>, vector<2000x128xf32>
    %slice3A = vector.extract_strided_slice %get3A_56 {offsets = [0, 0], sizes = [2000, 128], strides = [1, 1]} : vector<2000x512xf32> to vector<2000x128xf32>
    %mul3A_60 = arith.mulf %slice3A, %add3A_53 : vector<2000x128xf32>
    %add3A_61 = arith.addf %get3A_59, %mul3A_60 : vector<2000x128xf32>
    %reduce_sum3A = arith.constant dense<0.000000e+00> : vector<2000xf32>
    %reduce_sum3A_62 = vector.multi_reduction <add>, %add3A_61, %reduce_sum3A [1] : vector<2000x128xf32> to vector<2000xf32>
    %broadcast_in_dim3A = vector.shape_cast %reduce_sum3A_62 : vector<2000xf32> to vector<2000x1xf32>
    %div3A_63 = arith.constant 1.280000e+02 : f32
    %div3A_64 = vector.broadcast %div3A_63 : f32 to vector<2000x1xf32>
    %div3A_65 = arith.divf %broadcast_in_dim3A, %div3A_64 : vector<2000x1xf32>
    %jit3A_66 = arith.constant 0 : i32
    %reduce_sum3A_67 = arith.constant dense<0.000000e+00> : vector<2000xf32>
    %reduce_sum3A_68 = vector.multi_reduction <add>, %add3A_61, %reduce_sum3A_67 [1] : vector<2000x128xf32> to vector<2000xf32>
    %broadcast_in_dim3A_69 = vector.shape_cast %reduce_sum3A_68 : vector<2000xf32> to vector<2000x1xf32>
    %div3A_70 = arith.constant 1.280000e+02 : f32
    %div3A_71 = vector.broadcast %div3A_70 : f32 to vector<2000x1xf32>
    %div3A_72 = arith.divf %broadcast_in_dim3A_69, %div3A_71 : vector<2000x1xf32>
    %sub3A_73 = vector.broadcast %div3A_72 : vector<2000x1xf32> to vector<2000x128xf32>
    %sub3A_74 = arith.subf %add3A_61, %sub3A_73 : vector<2000x128xf32>
    %square3A = arith.mulf %sub3A_74, %sub3A_74 : vector<2000x128xf32>
    %convert_element_type3A_75 = arith.sitofp %jit3A_66 : i32 to f32
    %sub3A_76 = arith.constant 1.280000e+02 : f32
    %sub3A_77 = arith.subf %sub3A_76, %convert_element_type3A_75 : f32
    %reduce_sum3A_78 = arith.constant dense<0.000000e+00> : vector<2000xf32>
    %reduce_sum3A_79 = vector.multi_reduction <add>, %square3A, %reduce_sum3A_78 [1] : vector<2000x128xf32> to vector<2000xf32>
    %broadcast_in_dim3A_80 = vector.shape_cast %reduce_sum3A_79 : vector<2000xf32> to vector<2000x1xf32>
    %div3A_81 = vector.broadcast %sub3A_77 : f32 to vector<2000x1xf32>
    %div3A_82 = arith.divf %broadcast_in_dim3A_80, %div3A_81 : vector<2000x1xf32>
    %gt3A = arith.constant 0.000000e+00 : f32
    %gt3A_83 = arith.cmpf ogt, %sub3A_77, %gt3A : f32
    %jit3A_84 = arith.constant 0x7FC00000 : f32
    %broadcast_in_dim3A_85 = vector.broadcast %jit3A_84 : f32 to vector<2000x1xf32>
    %select_n3A_86 = arith.select %gt3A_83, %div3A_82, %broadcast_in_dim3A_85 : vector<2000x1xf32>
    %sub3A_87 = vector.broadcast %div3A_65 : vector<2000x1xf32> to vector<2000x128xf32>
    %sub3A_88 = arith.subf %add3A_61, %sub3A_87 : vector<2000x128xf32>
    %add3A_89 = arith.constant 9.99999997E-7 : f32
    %add3A_90 = vector.broadcast %add3A_89 : f32 to vector<2000x1xf32>
    %add3A_91 = arith.addf %select_n3A_86, %add3A_90 : vector<2000x1xf32>
    %sqrt3A = math.sqrt %add3A_91 : vector<2000x1xf32>
    %div3A_92 = vector.broadcast %sqrt3A : vector<2000x1xf32> to vector<2000x128xf32>
    %div3A_93 = arith.divf %sub3A_88, %div3A_92 : vector<2000x128xf32>
    %slice3A_94 = vector.extract_strided_slice %get3A_56 {offsets = [0, 256], sizes = [2000, 128], strides = [1, 1]} : vector<2000x512xf32> to vector<2000x128xf32>
    %add3A_95 = arith.constant 1.000000e+00 : f32
    %add3A_96 = vector.broadcast %add3A_95 : f32 to vector<2000x128xf32>
    %add3A_97 = arith.addf %add3A_96, %slice3A_94 : vector<2000x128xf32>
    %mul3A_98 = arith.mulf %div3A_93, %add3A_97 : vector<2000x128xf32>
    %slice3A_99 = vector.extract_strided_slice %get3A_56 {offsets = [0, 128], sizes = [2000, 128], strides = [1, 1]} : vector<2000x512xf32> to vector<2000x128xf32>
    %add3A_100 = arith.addf %mul3A_98, %slice3A_99 : vector<2000x128xf32>
    %get3A_101 = arith.constant 0 : index
    %get3A_102 = arith.constant 0 : index
    %get3A_103 = vector.load %arg9[%get3A_101, %get3A_102] : memref<128x256xf32, #tpu.memory_space<vmem>>, vector<128x256xf32>
    %dot_general3A_104 = arith.constant dense<0.000000e+00> : vector<2000x256xf32>
    %dot_general3A_105 = tpu.matmul %add3A_100, %get3A_103, %dot_general3A_104 {dimension_numbers = #tpu.dot_dimension_numbers<[1], [0], [0], [1], [0, 0, 1, 1], [], []>, transpose_lhs_hint = false} : vector<2000x128xf32>, vector<128x256xf32>, vector<2000x256xf32> -> vector<2000x256xf32>
    %get3A_106 = arith.constant 0 : index
    %get3A_107 = arith.constant 0 : index
    %get3A_108 = vector.load %arg10[%get3A_106, %get3A_107] : memref<1x256xf32, #tpu.memory_space<vmem>>, vector<1x256xf32>
    %add3A_109 = vector.broadcast %get3A_108 : vector<1x256xf32> to vector<2000x256xf32>
    %add3A_110 = arith.addf %dot_general3A_105, %add3A_109 : vector<2000x256xf32>
    %logistic3A = arith.negf %add3A_110 : vector<2000x256xf32>
    %logistic3A_111 = math.exp %logistic3A : vector<2000x256xf32>
    %logistic3A_112 = arith.constant 1.000000e+00 : f32
    %logistic3A_113 = vector.broadcast %logistic3A_112 : f32 to vector<2000x256xf32>
    %logistic3A_114 = arith.addf %logistic3A_113, %logistic3A_111 : vector<2000x256xf32>
    %logistic3A_115 = arith.divf %logistic3A_113, %logistic3A_114 : vector<2000x256xf32>
    %mul3A_116 = arith.mulf %add3A_110, %logistic3A_115 : vector<2000x256xf32>
    %get3A_117 = arith.constant 0 : index
    %get3A_118 = arith.constant 0 : index
    %get3A_119 = vector.load %arg11[%get3A_117, %get3A_118] : memref<256x128xf32, #tpu.memory_space<vmem>>, vector<256x128xf32>
    %dot_general3A_120 = arith.constant dense<0.000000e+00> : vector<2000x128xf32>
    %dot_general3A_121 = tpu.matmul %mul3A_116, %get3A_119, %dot_general3A_120 {dimension_numbers = #tpu.dot_dimension_numbers<[1], [0], [0], [1], [0, 0, 1, 1], [], []>, transpose_lhs_hint = false} : vector<2000x256xf32>, vector<256x128xf32>, vector<2000x128xf32> -> vector<2000x128xf32>
    %get3A_122 = arith.constant 0 : index
    %get3A_123 = arith.constant 0 : index
    %get3A_124 = vector.load %arg12[%get3A_122, %get3A_123] : memref<1x128xf32, #tpu.memory_space<vmem>>, vector<1x128xf32>
    %add3A_125 = vector.broadcast %get3A_124 : vector<1x128xf32> to vector<2000x128xf32>
    %add3A_126 = arith.addf %dot_general3A_121, %add3A_125 : vector<2000x128xf32>
    %slice3A_127 = vector.extract_strided_slice %get3A_56 {offsets = [0, 384], sizes = [2000, 128], strides = [1, 1]} : vector<2000x512xf32> to vector<2000x128xf32>
    %mul3A_128 = arith.mulf %slice3A_127, %add3A_126 : vector<2000x128xf32>
    %add3A_129 = arith.addf %add3A_61, %mul3A_128 : vector<2000x128xf32>
    %swap3A = arith.constant 0 : index
    %swap3A_130 = arith.constant 0 : index
    %swap3A_131 = vector.load %arg13[%swap3A, %swap3A_130] : memref<2000x128xf32, #tpu.memory_space<vmem>>, vector<2000x128xf32>
    tpu.vector_store %arg13[%swap3A, %swap3A_130], %add3A_129 {strides = array<i32>} : memref<2000x128xf32, #tpu.memory_space<vmem>>, vector<2000x128xf32>,
    %concatenate3A = tpu.concatenate %add3A_53, %add3A_129 in 1 : vector<2000x128xf32>, vector<2000x128xf32> -> vector<2000x256xf32>
    %swap3A_132 = arith.constant 0 : index
    %swap3A_133 = arith.constant 0 : index
    %swap3A_134 = vector.load %arg14[%swap3A_132, %swap3A_133] : memref<2000x256xf32, #tpu.memory_space<vmem>>, vector<2000x256xf32>
    tpu.vector_store %arg14[%swap3A_132, %swap3A_133], %concatenate3A {strides = array<i32>} : memref<2000x256xf32, #tpu.memory_space<vmem>>, vector<2000x256xf32>,
    return
  }
  func.func @transform_0(%arg0: i32) -> (i32, i32) {
    %c0_i32 = arith.constant 0 : i32
    %c0_i32_0 = arith.constant 0 : i32
    return %arg0, %c0_i32 : i32, i32
  }
  func.func @transform_1(%arg0: i32) -> (i32, i32) {
    %c0_i32 = arith.constant 0 : i32
    %c0_i32_0 = arith.constant 0 : i32
    return %arg0, %c0_i32 : i32, i32
  }
  func.func @transform_2(%arg0: i32) -> (i32, i32) {
    %c0_i32 = arith.constant 0 : i32
    %c0_i32_0 = arith.constant 0 : i32
    return %arg0, %c0_i32 : i32, i32
  }
  func.func @transform_3(%arg0: i32) -> (i32, i32) {
    %c0_i32 = arith.constant 0 : i32
    %c0_i32_0 = arith.constant 0 : i32
    return %arg0, %c0_i32 : i32, i32
  }
  func.func @transform_4(%arg0: i32) -> (i32, i32) {
    %c0_i32 = arith.constant 0 : i32
    %c0_i32_0 = arith.constant 0 : i32
    return %arg0, %c0_i32 : i32, i32
  }
  func.func @transform_5(%arg0: i32) -> (i32, i32) {
    %c0_i32 = arith.constant 0 : i32
    %c0_i32_0 = arith.constant 0 : i32
    return %arg0, %c0_i32 : i32, i32
  }
  func.func @transform_6(%arg0: i32) -> (i32, i32) {
    %c0_i32 = arith.constant 0 : i32
    %c0_i32_0 = arith.constant 0 : i32
    %c0_i32_1 = arith.constant 0 : i32
    return %c0_i32, %c0_i32_0 : i32, i32
  }
  func.func @transform_7(%arg0: i32) -> (i32, i32) {
    %c0_i32 = arith.constant 0 : i32
    %c0_i32_0 = arith.constant 0 : i32
    %c0_i32_1 = arith.constant 0 : i32
    return %c0_i32, %c0_i32_0 : i32, i32
  }
  func.func @transform_8(%arg0: i32) -> (i32, i32) {
    %c0_i32 = arith.constant 0 : i32
    %c0_i32_0 = arith.constant 0 : i32
    %c0_i32_1 = arith.constant 0 : i32
    return %c0_i32, %c0_i32_0 : i32, i32
  }
  func.func @transform_9(%arg0: i32) -> (i32, i32) {
    %c0_i32 = arith.constant 0 : i32
    %c0_i32_0 = arith.constant 0 : i32
    %c0_i32_1 = arith.constant 0 : i32
    return %c0_i32, %c0_i32_0 : i32, i32
  }
  func.func @transform_10(%arg0: i32) -> (i32, i32) {
    %c0_i32 = arith.constant 0 : i32
    %c0_i32_0 = arith.constant 0 : i32
    %c0_i32_1 = arith.constant 0 : i32
    return %c0_i32, %c0_i32_0 : i32, i32
  }
  func.func @transform_11(%arg0: i32) -> (i32, i32) {
    %c0_i32 = arith.constant 0 : i32
    %c0_i32_0 = arith.constant 0 : i32
    %c0_i32_1 = arith.constant 0 : i32
    return %c0_i32, %c0_i32_0 : i32, i32
  }
  func.func @transform_12(%arg0: i32) -> (i32, i32) {
    %c0_i32 = arith.constant 0 : i32
    %c0_i32_0 = arith.constant 0 : i32
    return %arg0, %c0_i32 : i32, i32
  }
  func.func @transform_13(%arg0: i32) -> (i32, i32) {
    %c0_i32 = arith.constant 0 : i32
    %c0_i32_0 = arith.constant 0 : i32
    return %arg0, %c0_i32 : i32, i32
  }
}

module attributes {stable_mosaic.version = 14 : i64} {
  func.func @_edge3_body(%arg0: i32, %arg1: memref<2048x256xf32, #tpu.memory_space<vmem>>, %arg2: memref<2048x256xf32, #tpu.memory_space<vmem>>, %arg3: memref<2048x16xf32, #tpu.memory_space<vmem>>, %arg4: memref<2048x128xf32, #tpu.memory_space<vmem>>, %arg5: memref<2048x64xf32, #tpu.memory_space<vmem>>, %arg6: memref<2048x32xf32, #tpu.memory_space<vmem>>, %arg7: memref<128x16xf32, #tpu.memory_space<vmem>>, %arg8: memref<1x16xf32, #tpu.memory_space<vmem>>, %arg9: memref<16x32xf32, #tpu.memory_space<vmem>>, %arg10: memref<1x32xf32, #tpu.memory_space<vmem>>, %arg11: memref<32x16xf32, #tpu.memory_space<vmem>>, %arg12: memref<1x16xf32, #tpu.memory_space<vmem>>, %arg13: memref<128x256xf32, #tpu.memory_space<vmem>>, %arg14: memref<1x256xf32, #tpu.memory_space<vmem>>, %arg15: memref<128x128xf32, #tpu.memory_space<vmem>>, %arg16: memref<128x128xf32, #tpu.memory_space<vmem>>, %arg17: memref<16x128xf32, #tpu.memory_space<vmem>>, %arg18: memref<16x128xf32, #tpu.memory_space<vmem>>, %arg19: memref<1x128xf32, #tpu.memory_space<vmem>>, %arg20: memref<128x128xf32, #tpu.memory_space<vmem>>, %arg21: memref<1x128xf32, #tpu.memory_space<vmem>>, %arg22: memref<128x1xf32, #tpu.memory_space<vmem>>, %arg23: memref<2048x16xf32, #tpu.memory_space<vmem>>, %arg24: memref<2048x16xf32, #tpu.memory_space<vmem>>) attributes {dimension_semantics = [#tpu.dimension_semantics<arbitrary>], iteration_bounds = array<i64: 158>, scalar_prefetch = 0 : i64, scratch_operands = 0 : i64, tpu.core_type = #tpu.core_type<tc>, window_params = [{transform_indices = @transform_0, window_bounds = array<i64: 2048, 256>}, {transform_indices = @transform_1, window_bounds = array<i64: 2048, 256>}, {transform_indices = @transform_2, window_bounds = array<i64: 2048, 16>}, {transform_indices = @transform_3, window_bounds = array<i64: 2048, 128>}, {transform_indices = @transform_4, window_bounds = array<i64: 2048, 64>}, {transform_indices = @transform_5, window_bounds = array<i64: 2048, 32>}, {pipeline_mode = #tpu.pipeline_mode<synchronous>, transform_indices = @transform_6, window_bounds = array<i64: 128, 16>}, {pipeline_mode = #tpu.pipeline_mode<synchronous>, transform_indices = @transform_7, window_bounds = array<i64: 1, 16>}, {pipeline_mode = #tpu.pipeline_mode<synchronous>, transform_indices = @transform_8, window_bounds = array<i64: 16, 32>}, {pipeline_mode = #tpu.pipeline_mode<synchronous>, transform_indices = @transform_9, window_bounds = array<i64: 1, 32>}, {pipeline_mode = #tpu.pipeline_mode<synchronous>, transform_indices = @transform_10, window_bounds = array<i64: 32, 16>}, {pipeline_mode = #tpu.pipeline_mode<synchronous>, transform_indices = @transform_11, window_bounds = array<i64: 1, 16>}, {pipeline_mode = #tpu.pipeline_mode<synchronous>, transform_indices = @transform_12, window_bounds = array<i64: 128, 256>}, {pipeline_mode = #tpu.pipeline_mode<synchronous>, transform_indices = @transform_13, window_bounds = array<i64: 1, 256>}, {pipeline_mode = #tpu.pipeline_mode<synchronous>, transform_indices = @transform_14, window_bounds = array<i64: 128, 128>}, {pipeline_mode = #tpu.pipeline_mode<synchronous>, transform_indices = @transform_15, window_bounds = array<i64: 128, 128>}, {pipeline_mode = #tpu.pipeline_mode<synchronous>, transform_indices = @transform_16, window_bounds = array<i64: 16, 128>}, {pipeline_mode = #tpu.pipeline_mode<synchronous>, transform_indices = @transform_17, window_bounds = array<i64: 16, 128>}, {pipeline_mode = #tpu.pipeline_mode<synchronous>, transform_indices = @transform_18, window_bounds = array<i64: 1, 128>}, {pipeline_mode = #tpu.pipeline_mode<synchronous>, transform_indices = @transform_19, window_bounds = array<i64: 128, 128>}, {pipeline_mode = #tpu.pipeline_mode<synchronous>, transform_indices = @transform_20, window_bounds = array<i64: 1, 128>}, {pipeline_mode = #tpu.pipeline_mode<synchronous>, transform_indices = @transform_21, window_bounds = array<i64: 128, 1>}, {transform_indices = @transform_22, window_bounds = array<i64: 2048, 16>}, {transform_indices = @transform_23, window_bounds = array<i64: 2048, 16>}]} {
    %get3A = arith.constant 0 : index
    %get3A_0 = arith.constant 0 : index
    %get3A_1 = vector.load %arg1[%get3A, %get3A_0] : memref<2048x256xf32, #tpu.memory_space<vmem>>, vector<2048x256xf32>
    %get3A_2 = arith.constant 0 : index
    %get3A_3 = arith.constant 0 : index
    %get3A_4 = vector.load %arg2[%get3A_2, %get3A_3] : memref<2048x256xf32, #tpu.memory_space<vmem>>, vector<2048x256xf32>
    %get3A_5 = arith.constant 0 : index
    %get3A_6 = arith.constant 0 : index
    %get3A_7 = vector.load %arg5[%get3A_5, %get3A_6] : memref<2048x64xf32, #tpu.memory_space<vmem>>, vector<2048x64xf32>
    %slice3A = vector.extract_strided_slice %get3A_7 {offsets = [0, 0], sizes = [2048, 16], strides = [1, 1]} : vector<2048x64xf32> to vector<2048x16xf32>
    %slice3A_8 = vector.extract_strided_slice %get3A_7 {offsets = [0, 16], sizes = [2048, 16], strides = [1, 1]} : vector<2048x64xf32> to vector<2048x16xf32>
    %slice3A_9 = vector.extract_strided_slice %get3A_7 {offsets = [0, 32], sizes = [2048, 16], strides = [1, 1]} : vector<2048x64xf32> to vector<2048x16xf32>
    %slice3A_10 = vector.extract_strided_slice %get3A_7 {offsets = [0, 48], sizes = [2048, 16], strides = [1, 1]} : vector<2048x64xf32> to vector<2048x16xf32>
    %slice3A_11 = vector.extract_strided_slice %get3A_1 {offsets = [0, 0], sizes = [2048, 128], strides = [1, 1]} : vector<2048x256xf32> to vector<2048x128xf32>
    %slice3A_12 = vector.extract_strided_slice %get3A_4 {offsets = [0, 0], sizes = [2048, 128], strides = [1, 1]} : vector<2048x256xf32> to vector<2048x128xf32>
    %add3A = arith.addf %slice3A_11, %slice3A_12 : vector<2048x128xf32>
    %get3A_13 = arith.constant 0 : index
    %get3A_14 = arith.constant 0 : index
    %get3A_15 = vector.load %arg7[%get3A_13, %get3A_14] : memref<128x16xf32, #tpu.memory_space<vmem>>, vector<128x16xf32>
    %dot_general3A = arith.constant dense<0.000000e+00> : vector<2048x16xf32>
    %dot_general3A_16 = tpu.matmul %add3A, %get3A_15, %dot_general3A {dimension_numbers = #tpu.dot_dimension_numbers<[1], [0], [0], [1], [0, 0, 1, 1], [], []>, transpose_lhs_hint = false} : vector<2048x128xf32>, vector<128x16xf32>, vector<2048x16xf32> -> vector<2048x16xf32>
    %get3A_17 = arith.constant 0 : index
    %get3A_18 = arith.constant 0 : index
    %get3A_19 = vector.load %arg8[%get3A_17, %get3A_18] : memref<1x16xf32, #tpu.memory_space<vmem>>, vector<1x16xf32>
    %add3A_20 = vector.broadcast %get3A_19 : vector<1x16xf32> to vector<2048x16xf32>
    %add3A_21 = arith.addf %dot_general3A_16, %add3A_20 : vector<2048x16xf32>
    %get3A_22 = arith.constant 0 : index
    %get3A_23 = arith.constant 0 : index
    %get3A_24 = vector.load %arg3[%get3A_22, %get3A_23] : memref<2048x16xf32, #tpu.memory_space<vmem>>, vector<2048x16xf32>
    %mul3A = arith.mulf %slice3A, %add3A_21 : vector<2048x16xf32>
    %add3A_25 = arith.addf %get3A_24, %mul3A : vector<2048x16xf32>
    %reduce_sum3A = arith.constant dense<0.000000e+00> : vector<2048xf32>
    %reduce_sum3A_26 = vector.multi_reduction <add>, %add3A_25, %reduce_sum3A [1] : vector<2048x16xf32> to vector<2048xf32>
    %broadcast_in_dim3A = vector.shape_cast %reduce_sum3A_26 : vector<2048xf32> to vector<2048x1xf32>
    %div3A = arith.constant 1.600000e+01 : f32
    %div3A_27 = vector.broadcast %div3A : f32 to vector<2048x1xf32>
    %div3A_28 = arith.divf %broadcast_in_dim3A, %div3A_27 : vector<2048x1xf32>
    %jit3A = arith.constant 0 : i32
    %reduce_sum3A_29 = arith.constant dense<0.000000e+00> : vector<2048xf32>
    %reduce_sum3A_30 = vector.multi_reduction <add>, %add3A_25, %reduce_sum3A_29 [1] : vector<2048x16xf32> to vector<2048xf32>
    %broadcast_in_dim3A_31 = vector.shape_cast %reduce_sum3A_30 : vector<2048xf32> to vector<2048x1xf32>
    %div3A_32 = arith.constant 1.600000e+01 : f32
    %div3A_33 = vector.broadcast %div3A_32 : f32 to vector<2048x1xf32>
    %div3A_34 = arith.divf %broadcast_in_dim3A_31, %div3A_33 : vector<2048x1xf32>
    %sub3A = vector.broadcast %div3A_34 : vector<2048x1xf32> to vector<2048x16xf32>
    %sub3A_35 = arith.subf %add3A_25, %sub3A : vector<2048x16xf32>
    %square3A = arith.mulf %sub3A_35, %sub3A_35 : vector<2048x16xf32>
    %convert_element_type3A = arith.sitofp %jit3A : i32 to f32
    %sub3A_36 = arith.constant 1.600000e+01 : f32
    %sub3A_37 = arith.subf %sub3A_36, %convert_element_type3A : f32
    %reduce_sum3A_38 = arith.constant dense<0.000000e+00> : vector<2048xf32>
    %reduce_sum3A_39 = vector.multi_reduction <add>, %square3A, %reduce_sum3A_38 [1] : vector<2048x16xf32> to vector<2048xf32>
    %broadcast_in_dim3A_40 = vector.shape_cast %reduce_sum3A_39 : vector<2048xf32> to vector<2048x1xf32>
    %div3A_41 = vector.broadcast %sub3A_37 : f32 to vector<2048x1xf32>
    %div3A_42 = arith.divf %broadcast_in_dim3A_40, %div3A_41 : vector<2048x1xf32>
    %gt3A = arith.constant 0.000000e+00 : f32
    %gt3A_43 = arith.cmpf ogt, %sub3A_37, %gt3A : f32
    %jit3A_44 = arith.constant 0x7FC00000 : f32
    %broadcast_in_dim3A_45 = vector.broadcast %jit3A_44 : f32 to vector<2048x1xf32>
    %select_n3A = arith.select %gt3A_43, %div3A_42, %broadcast_in_dim3A_45 : vector<2048x1xf32>
    %sub3A_46 = vector.broadcast %div3A_28 : vector<2048x1xf32> to vector<2048x16xf32>
    %sub3A_47 = arith.subf %add3A_25, %sub3A_46 : vector<2048x16xf32>
    %add3A_48 = arith.constant 9.99999997E-7 : f32
    %add3A_49 = vector.broadcast %add3A_48 : f32 to vector<2048x1xf32>
    %add3A_50 = arith.addf %select_n3A, %add3A_49 : vector<2048x1xf32>
    %sqrt3A = math.sqrt %add3A_50 : vector<2048x1xf32>
    %div3A_51 = vector.broadcast %sqrt3A : vector<2048x1xf32> to vector<2048x16xf32>
    %div3A_52 = arith.divf %sub3A_47, %div3A_51 : vector<2048x16xf32>
    %add3A_53 = arith.constant 1.000000e+00 : f32
    %add3A_54 = vector.broadcast %add3A_53 : f32 to vector<2048x16xf32>
    %add3A_55 = arith.addf %add3A_54, %slice3A_9 : vector<2048x16xf32>
    %mul3A_56 = arith.mulf %div3A_52, %add3A_55 : vector<2048x16xf32>
    %add3A_57 = arith.addf %mul3A_56, %slice3A_8 : vector<2048x16xf32>
    %get3A_58 = arith.constant 0 : index
    %get3A_59 = arith.constant 0 : index
    %get3A_60 = vector.load %arg9[%get3A_58, %get3A_59] : memref<16x32xf32, #tpu.memory_space<vmem>>, vector<16x32xf32>
    %dot_general3A_61 = arith.constant dense<0.000000e+00> : vector<2048x32xf32>
    %dot_general3A_62 = tpu.matmul %add3A_57, %get3A_60, %dot_general3A_61 {dimension_numbers = #tpu.dot_dimension_numbers<[1], [0], [0], [1], [0, 0, 1, 1], [], []>, transpose_lhs_hint = false} : vector<2048x16xf32>, vector<16x32xf32>, vector<2048x32xf32> -> vector<2048x32xf32>
    %get3A_63 = arith.constant 0 : index
    %get3A_64 = arith.constant 0 : index
    %get3A_65 = vector.load %arg10[%get3A_63, %get3A_64] : memref<1x32xf32, #tpu.memory_space<vmem>>, vector<1x32xf32>
    %add3A_66 = vector.broadcast %get3A_65 : vector<1x32xf32> to vector<2048x32xf32>
    %add3A_67 = arith.addf %dot_general3A_62, %add3A_66 : vector<2048x32xf32>
    %logistic3A = arith.negf %add3A_67 : vector<2048x32xf32>
    %logistic3A_68 = math.exp %logistic3A : vector<2048x32xf32>
    %logistic3A_69 = arith.constant 1.000000e+00 : f32
    %logistic3A_70 = vector.broadcast %logistic3A_69 : f32 to vector<2048x32xf32>
    %logistic3A_71 = arith.addf %logistic3A_70, %logistic3A_68 : vector<2048x32xf32>
    %logistic3A_72 = arith.divf %logistic3A_70, %logistic3A_71 : vector<2048x32xf32>
    %mul3A_73 = arith.mulf %add3A_67, %logistic3A_72 : vector<2048x32xf32>
    %get3A_74 = arith.constant 0 : index
    %get3A_75 = arith.constant 0 : index
    %get3A_76 = vector.load %arg11[%get3A_74, %get3A_75] : memref<32x16xf32, #tpu.memory_space<vmem>>, vector<32x16xf32>
    %dot_general3A_77 = arith.constant dense<0.000000e+00> : vector<2048x16xf32>
    %dot_general3A_78 = tpu.matmul %mul3A_73, %get3A_76, %dot_general3A_77 {dimension_numbers = #tpu.dot_dimension_numbers<[1], [0], [0], [1], [0, 0, 1, 1], [], []>, transpose_lhs_hint = false} : vector<2048x32xf32>, vector<32x16xf32>, vector<2048x16xf32> -> vector<2048x16xf32>
    %get3A_79 = arith.constant 0 : index
    %get3A_80 = arith.constant 0 : index
    %get3A_81 = vector.load %arg12[%get3A_79, %get3A_80] : memref<1x16xf32, #tpu.memory_space<vmem>>, vector<1x16xf32>
    %add3A_82 = vector.broadcast %get3A_81 : vector<1x16xf32> to vector<2048x16xf32>
    %add3A_83 = arith.addf %dot_general3A_78, %add3A_82 : vector<2048x16xf32>
    %mul3A_84 = arith.mulf %slice3A_10, %add3A_83 : vector<2048x16xf32>
    %add3A_85 = arith.addf %add3A_25, %mul3A_84 : vector<2048x16xf32>
    %swap3A = arith.constant 0 : index
    %swap3A_86 = arith.constant 0 : index
    %swap3A_87 = vector.load %arg23[%swap3A, %swap3A_86] : memref<2048x16xf32, #tpu.memory_space<vmem>>, vector<2048x16xf32>
    tpu.vector_store %arg23[%swap3A, %swap3A_86], %add3A_85 {strides = array<i32>} : memref<2048x16xf32, #tpu.memory_space<vmem>>, vector<2048x16xf32>,
    %get3A_88 = arith.constant 0 : index
    %get3A_89 = arith.constant 0 : index
    %get3A_90 = vector.load %arg4[%get3A_88, %get3A_89] : memref<2048x128xf32, #tpu.memory_space<vmem>>, vector<2048x128xf32>
    %logistic3A_91 = arith.negf %get3A_90 : vector<2048x128xf32>
    %logistic3A_92 = math.exp %logistic3A_91 : vector<2048x128xf32>
    %logistic3A_93 = arith.constant 1.000000e+00 : f32
    %logistic3A_94 = vector.broadcast %logistic3A_93 : f32 to vector<2048x128xf32>
    %logistic3A_95 = arith.addf %logistic3A_94, %logistic3A_92 : vector<2048x128xf32>
    %logistic3A_96 = arith.divf %logistic3A_94, %logistic3A_95 : vector<2048x128xf32>
    %mul3A_97 = arith.mulf %get3A_90, %logistic3A_96 : vector<2048x128xf32>
    %get3A_98 = arith.constant 0 : index
    %get3A_99 = arith.constant 0 : index
    %get3A_100 = vector.load %arg13[%get3A_98, %get3A_99] : memref<128x256xf32, #tpu.memory_space<vmem>>, vector<128x256xf32>
    %dot_general3A_101 = arith.constant dense<0.000000e+00> : vector<2048x256xf32>
    %dot_general3A_102 = tpu.matmul %mul3A_97, %get3A_100, %dot_general3A_101 {dimension_numbers = #tpu.dot_dimension_numbers<[1], [0], [0], [1], [0, 0, 1, 1], [], []>, transpose_lhs_hint = false} : vector<2048x128xf32>, vector<128x256xf32>, vector<2048x256xf32> -> vector<2048x256xf32>
    %get3A_103 = arith.constant 0 : index
    %get3A_104 = arith.constant 0 : index
    %get3A_105 = vector.load %arg14[%get3A_103, %get3A_104] : memref<1x256xf32, #tpu.memory_space<vmem>>, vector<1x256xf32>
    %add3A_106 = vector.broadcast %get3A_105 : vector<1x256xf32> to vector<2048x256xf32>
    %add3A_107 = arith.addf %dot_general3A_102, %add3A_106 : vector<2048x256xf32>
    %get3A_108 = arith.constant 0 : index
    %get3A_109 = arith.constant 0 : index
    %get3A_110 = vector.load %arg6[%get3A_108, %get3A_109] : memref<2048x32xf32, #tpu.memory_space<vmem>>, vector<2048x32xf32>
    %slice3A_111 = vector.extract_strided_slice %get3A_1 {offsets = [0, 128], sizes = [2048, 128], strides = [1, 1]} : vector<2048x256xf32> to vector<2048x128xf32>
    %get3A_112 = arith.constant 0 : index
    %get3A_113 = arith.constant 0 : index
    %get3A_114 = vector.load %arg15[%get3A_112, %get3A_113] : memref<128x128xf32, #tpu.memory_space<vmem>>, vector<128x128xf32>
    %dot_general3A_115 = arith.constant dense<0.000000e+00> : vector<2048x128xf32>
    %dot_general3A_116 = tpu.matmul %slice3A_111, %get3A_114, %dot_general3A_115 {dimension_numbers = #tpu.dot_dimension_numbers<[1], [0], [0], [1], [0, 0, 1, 1], [], []>, transpose_lhs_hint = false} : vector<2048x128xf32>, vector<128x128xf32>, vector<2048x128xf32> -> vector<2048x128xf32>
    %slice3A_117 = vector.extract_strided_slice %get3A_4 {offsets = [0, 128], sizes = [2048, 128], strides = [1, 1]} : vector<2048x256xf32> to vector<2048x128xf32>
    %get3A_118 = arith.constant 0 : index
    %get3A_119 = arith.constant 0 : index
    %get3A_120 = vector.load %arg16[%get3A_118, %get3A_119] : memref<128x128xf32, #tpu.memory_space<vmem>>, vector<128x128xf32>
    %dot_general3A_121 = arith.constant dense<0.000000e+00> : vector<2048x128xf32>
    %dot_general3A_122 = tpu.matmul %slice3A_117, %get3A_120, %dot_general3A_121 {dimension_numbers = #tpu.dot_dimension_numbers<[1], [0], [0], [1], [0, 0, 1, 1], [], []>, transpose_lhs_hint = false} : vector<2048x128xf32>, vector<128x128xf32>, vector<2048x128xf32> -> vector<2048x128xf32>
    %add3A_123 = arith.addf %dot_general3A_116, %dot_general3A_122 : vector<2048x128xf32>
    %get3A_124 = arith.constant 0 : index
    %get3A_125 = arith.constant 0 : index
    %get3A_126 = vector.load %arg17[%get3A_124, %get3A_125] : memref<16x128xf32, #tpu.memory_space<vmem>>, vector<16x128xf32>
    %dot_general3A_127 = arith.constant dense<0.000000e+00> : vector<2048x128xf32>
    %dot_general3A_128 = tpu.matmul %add3A_85, %get3A_126, %dot_general3A_127 {dimension_numbers = #tpu.dot_dimension_numbers<[1], [0], [0], [1], [0, 0, 1, 1], [], []>, transpose_lhs_hint = false} : vector<2048x16xf32>, vector<16x128xf32>, vector<2048x128xf32> -> vector<2048x128xf32>
    %add3A_129 = arith.addf %add3A_123, %dot_general3A_128 : vector<2048x128xf32>
    %slice3A_130 = vector.extract_strided_slice %get3A_110 {offsets = [0, 0], sizes = [2048, 16], strides = [1, 1]} : vector<2048x32xf32> to vector<2048x16xf32>
    %get3A_131 = arith.constant 0 : index
    %get3A_132 = arith.constant 0 : index
    %get3A_133 = vector.load %arg18[%get3A_131, %get3A_132] : memref<16x128xf32, #tpu.memory_space<vmem>>, vector<16x128xf32>
    %dot_general3A_134 = arith.constant dense<0.000000e+00> : vector<2048x128xf32>
    %dot_general3A_135 = tpu.matmul %slice3A_130, %get3A_133, %dot_general3A_134 {dimension_numbers = #tpu.dot_dimension_numbers<[1], [0], [0], [1], [0, 0, 1, 1], [], []>, transpose_lhs_hint = false} : vector<2048x16xf32>, vector<16x128xf32>, vector<2048x128xf32> -> vector<2048x128xf32>
    %add3A_136 = arith.addf %add3A_129, %dot_general3A_135 : vector<2048x128xf32>
    %get3A_137 = arith.constant 0 : index
    %get3A_138 = arith.constant 0 : index
    %get3A_139 = vector.load %arg19[%get3A_137, %get3A_138] : memref<1x128xf32, #tpu.memory_space<vmem>>, vector<1x128xf32>
    %add3A_140 = vector.broadcast %get3A_139 : vector<1x128xf32> to vector<2048x128xf32>
    %add3A_141 = arith.addf %add3A_136, %add3A_140 : vector<2048x128xf32>
    %reduce_sum3A_142 = arith.constant dense<0.000000e+00> : vector<2048xf32>
    %reduce_sum3A_143 = vector.multi_reduction <add>, %add3A_141, %reduce_sum3A_142 [1] : vector<2048x128xf32> to vector<2048xf32>
    %broadcast_in_dim3A_144 = vector.shape_cast %reduce_sum3A_143 : vector<2048xf32> to vector<2048x1xf32>
    %div3A_145 = arith.constant 1.280000e+02 : f32
    %div3A_146 = vector.broadcast %div3A_145 : f32 to vector<2048x1xf32>
    %div3A_147 = arith.divf %broadcast_in_dim3A_144, %div3A_146 : vector<2048x1xf32>
    %jit3A_148 = arith.constant 0 : i32
    %reduce_sum3A_149 = arith.constant dense<0.000000e+00> : vector<2048xf32>
    %reduce_sum3A_150 = vector.multi_reduction <add>, %add3A_141, %reduce_sum3A_149 [1] : vector<2048x128xf32> to vector<2048xf32>
    %broadcast_in_dim3A_151 = vector.shape_cast %reduce_sum3A_150 : vector<2048xf32> to vector<2048x1xf32>
    %div3A_152 = arith.constant 1.280000e+02 : f32
    %div3A_153 = vector.broadcast %div3A_152 : f32 to vector<2048x1xf32>
    %div3A_154 = arith.divf %broadcast_in_dim3A_151, %div3A_153 : vector<2048x1xf32>
    %sub3A_155 = vector.broadcast %div3A_154 : vector<2048x1xf32> to vector<2048x128xf32>
    %sub3A_156 = arith.subf %add3A_141, %sub3A_155 : vector<2048x128xf32>
    %square3A_157 = arith.mulf %sub3A_156, %sub3A_156 : vector<2048x128xf32>
    %convert_element_type3A_158 = arith.sitofp %jit3A_148 : i32 to f32
    %sub3A_159 = arith.constant 1.280000e+02 : f32
    %sub3A_160 = arith.subf %sub3A_159, %convert_element_type3A_158 : f32
    %reduce_sum3A_161 = arith.constant dense<0.000000e+00> : vector<2048xf32>
    %reduce_sum3A_162 = vector.multi_reduction <add>, %square3A_157, %reduce_sum3A_161 [1] : vector<2048x128xf32> to vector<2048xf32>
    %broadcast_in_dim3A_163 = vector.shape_cast %reduce_sum3A_162 : vector<2048xf32> to vector<2048x1xf32>
    %div3A_164 = vector.broadcast %sub3A_160 : f32 to vector<2048x1xf32>
    %div3A_165 = arith.divf %broadcast_in_dim3A_163, %div3A_164 : vector<2048x1xf32>
    %gt3A_166 = arith.constant 0.000000e+00 : f32
    %gt3A_167 = arith.cmpf ogt, %sub3A_160, %gt3A_166 : f32
    %jit3A_168 = arith.constant 0x7FC00000 : f32
    %broadcast_in_dim3A_169 = vector.broadcast %jit3A_168 : f32 to vector<2048x1xf32>
    %select_n3A_170 = arith.select %gt3A_167, %div3A_165, %broadcast_in_dim3A_169 : vector<2048x1xf32>
    %sub3A_171 = vector.broadcast %div3A_147 : vector<2048x1xf32> to vector<2048x128xf32>
    %sub3A_172 = arith.subf %add3A_141, %sub3A_171 : vector<2048x128xf32>
    %add3A_173 = arith.constant 9.99999997E-7 : f32
    %add3A_174 = vector.broadcast %add3A_173 : f32 to vector<2048x1xf32>
    %add3A_175 = arith.addf %select_n3A_170, %add3A_174 : vector<2048x1xf32>
    %sqrt3A_176 = math.sqrt %add3A_175 : vector<2048x1xf32>
    %div3A_177 = vector.broadcast %sqrt3A_176 : vector<2048x1xf32> to vector<2048x128xf32>
    %div3A_178 = arith.divf %sub3A_172, %div3A_177 : vector<2048x128xf32>
    %slice3A_179 = vector.extract_strided_slice %add3A_107 {offsets = [0, 128], sizes = [2048, 128], strides = [1, 1]} : vector<2048x256xf32> to vector<2048x128xf32>
    %add3A_180 = arith.constant 1.000000e+00 : f32
    %add3A_181 = vector.broadcast %add3A_180 : f32 to vector<2048x128xf32>
    %add3A_182 = arith.addf %add3A_181, %slice3A_179 : vector<2048x128xf32>
    %mul3A_183 = arith.mulf %div3A_178, %add3A_182 : vector<2048x128xf32>
    %slice3A_184 = vector.extract_strided_slice %add3A_107 {offsets = [0, 0], sizes = [2048, 128], strides = [1, 1]} : vector<2048x256xf32> to vector<2048x128xf32>
    %add3A_185 = arith.addf %mul3A_183, %slice3A_184 : vector<2048x128xf32>
    %get3A_186 = arith.constant 0 : index
    %get3A_187 = arith.constant 0 : index
    %get3A_188 = vector.load %arg20[%get3A_186, %get3A_187] : memref<128x128xf32, #tpu.memory_space<vmem>>, vector<128x128xf32>
    %dot_general3A_189 = arith.constant dense<0.000000e+00> : vector<2048x128xf32>
    %dot_general3A_190 = tpu.matmul %add3A_185, %get3A_188, %dot_general3A_189 {dimension_numbers = #tpu.dot_dimension_numbers<[1], [0], [0], [1], [0, 0, 1, 1], [], []>, transpose_lhs_hint = false} : vector<2048x128xf32>, vector<128x128xf32>, vector<2048x128xf32> -> vector<2048x128xf32>
    %get3A_191 = arith.constant 0 : index
    %get3A_192 = arith.constant 0 : index
    %get3A_193 = vector.load %arg21[%get3A_191, %get3A_192] : memref<1x128xf32, #tpu.memory_space<vmem>>, vector<1x128xf32>
    %add3A_194 = vector.broadcast %get3A_193 : vector<1x128xf32> to vector<2048x128xf32>
    %add3A_195 = arith.addf %dot_general3A_190, %add3A_194 : vector<2048x128xf32>
    %logistic3A_196 = arith.negf %add3A_195 : vector<2048x128xf32>
    %logistic3A_197 = math.exp %logistic3A_196 : vector<2048x128xf32>
    %logistic3A_198 = arith.constant 1.000000e+00 : f32
    %logistic3A_199 = vector.broadcast %logistic3A_198 : f32 to vector<2048x128xf32>
    %logistic3A_200 = arith.addf %logistic3A_199, %logistic3A_197 : vector<2048x128xf32>
    %logistic3A_201 = arith.divf %logistic3A_199, %logistic3A_200 : vector<2048x128xf32>
    %mul3A_202 = arith.mulf %add3A_195, %logistic3A_201 : vector<2048x128xf32>
    %get3A_203 = arith.constant 0 : index
    %get3A_204 = arith.constant 0 : index
    %get3A_205 = vector.load %arg22[%get3A_203, %get3A_204] : memref<128x1xf32, #tpu.memory_space<vmem>>, vector<128x1xf32>
    %dot_general3A_206 = arith.constant dense<0.000000e+00> : vector<2048x1xf32>
    %dot_general3A_207 = tpu.matmul %mul3A_202, %get3A_205, %dot_general3A_206 {dimension_numbers = #tpu.dot_dimension_numbers<[1], [0], [0], [1], [0, 0, 1, 1], [], []>, transpose_lhs_hint = false} : vector<2048x128xf32>, vector<128x1xf32>, vector<2048x1xf32> -> vector<2048x1xf32>
    %tanh3A = math.tanh %dot_general3A_207 : vector<2048x1xf32>
    %slice3A_208 = vector.extract_strided_slice %get3A_110 {offsets = [0, 16], sizes = [2048, 16], strides = [1, 1]} : vector<2048x32xf32> to vector<2048x16xf32>
    %mul3A_209 = vector.broadcast %tanh3A : vector<2048x1xf32> to vector<2048x16xf32>
    %mul3A_210 = arith.mulf %slice3A_208, %mul3A_209 : vector<2048x16xf32>
    %swap3A_211 = arith.constant 0 : index
    %swap3A_212 = arith.constant 0 : index
    %swap3A_213 = vector.load %arg24[%swap3A_211, %swap3A_212] : memref<2048x16xf32, #tpu.memory_space<vmem>>, vector<2048x16xf32>
    tpu.vector_store %arg24[%swap3A_211, %swap3A_212], %mul3A_210 {strides = array<i32>} : memref<2048x16xf32, #tpu.memory_space<vmem>>, vector<2048x16xf32>,
    return
  }
  func.func @transform_0(%arg0: i32) -> (i32, i32) {
    %c0_i32 = arith.constant 0 : i32
    %c0_i32_0 = arith.constant 0 : i32
    return %arg0, %c0_i32 : i32, i32
  }
  func.func @transform_1(%arg0: i32) -> (i32, i32) {
    %c0_i32 = arith.constant 0 : i32
    %c0_i32_0 = arith.constant 0 : i32
    return %arg0, %c0_i32 : i32, i32
  }
  func.func @transform_2(%arg0: i32) -> (i32, i32) {
    %min3A = arith.constant 156 : i32
    %min3A_0 = arith.minsi %arg0, %min3A : i32
    %c0_i32 = arith.constant 0 : i32
    %c0_i32_1 = arith.constant 0 : i32
    return %min3A_0, %c0_i32 : i32, i32
  }
  func.func @transform_3(%arg0: i32) -> (i32, i32) {
    %min3A = arith.constant 156 : i32
    %min3A_0 = arith.minsi %arg0, %min3A : i32
    %c0_i32 = arith.constant 0 : i32
    %c0_i32_1 = arith.constant 0 : i32
    return %min3A_0, %c0_i32 : i32, i32
  }
  func.func @transform_4(%arg0: i32) -> (i32, i32) {
    %c0_i32 = arith.constant 0 : i32
    %c0_i32_0 = arith.constant 0 : i32
    return %arg0, %c0_i32 : i32, i32
  }
  func.func @transform_5(%arg0: i32) -> (i32, i32) {
    %c0_i32 = arith.constant 0 : i32
    %c0_i32_0 = arith.constant 0 : i32
    return %arg0, %c0_i32 : i32, i32
  }
  func.func @transform_6(%arg0: i32) -> (i32, i32) {
    %c0_i32 = arith.constant 0 : i32
    %c0_i32_0 = arith.constant 0 : i32
    %c0_i32_1 = arith.constant 0 : i32
    return %c0_i32, %c0_i32_0 : i32, i32
  }
  func.func @transform_7(%arg0: i32) -> (i32, i32) {
    %c0_i32 = arith.constant 0 : i32
    %c0_i32_0 = arith.constant 0 : i32
    %c0_i32_1 = arith.constant 0 : i32
    return %c0_i32, %c0_i32_0 : i32, i32
  }
  func.func @transform_8(%arg0: i32) -> (i32, i32) {
    %c0_i32 = arith.constant 0 : i32
    %c0_i32_0 = arith.constant 0 : i32
    %c0_i32_1 = arith.constant 0 : i32
    return %c0_i32, %c0_i32_0 : i32, i32
  }
  func.func @transform_9(%arg0: i32) -> (i32, i32) {
    %c0_i32 = arith.constant 0 : i32
    %c0_i32_0 = arith.constant 0 : i32
    %c0_i32_1 = arith.constant 0 : i32
    return %c0_i32, %c0_i32_0 : i32, i32
  }
  func.func @transform_10(%arg0: i32) -> (i32, i32) {
    %c0_i32 = arith.constant 0 : i32
    %c0_i32_0 = arith.constant 0 : i32
    %c0_i32_1 = arith.constant 0 : i32
    return %c0_i32, %c0_i32_0 : i32, i32
  }
  func.func @transform_11(%arg0: i32) -> (i32, i32) {
    %c0_i32 = arith.constant 0 : i32
    %c0_i32_0 = arith.constant 0 : i32
    %c0_i32_1 = arith.constant 0 : i32
    return %c0_i32, %c0_i32_0 : i32, i32
  }
  func.func @transform_12(%arg0: i32) -> (i32, i32) {
    %c0_i32 = arith.constant 0 : i32
    %c0_i32_0 = arith.constant 0 : i32
    %c0_i32_1 = arith.constant 0 : i32
    return %c0_i32, %c0_i32_0 : i32, i32
  }
  func.func @transform_13(%arg0: i32) -> (i32, i32) {
    %c0_i32 = arith.constant 0 : i32
    %c0_i32_0 = arith.constant 0 : i32
    %c0_i32_1 = arith.constant 0 : i32
    return %c0_i32, %c0_i32_0 : i32, i32
  }
  func.func @transform_14(%arg0: i32) -> (i32, i32) {
    %c0_i32 = arith.constant 0 : i32
    %c0_i32_0 = arith.constant 0 : i32
    %c0_i32_1 = arith.constant 0 : i32
    return %c0_i32, %c0_i32_0 : i32, i32
  }
  func.func @transform_15(%arg0: i32) -> (i32, i32) {
    %c0_i32 = arith.constant 0 : i32
    %c0_i32_0 = arith.constant 0 : i32
    %c0_i32_1 = arith.constant 0 : i32
    return %c0_i32, %c0_i32_0 : i32, i32
  }
  func.func @transform_16(%arg0: i32) -> (i32, i32) {
    %c0_i32 = arith.constant 0 : i32
    %c0_i32_0 = arith.constant 0 : i32
    %c0_i32_1 = arith.constant 0 : i32
    return %c0_i32, %c0_i32_0 : i32, i32
  }
  func.func @transform_17(%arg0: i32) -> (i32, i32) {
    %c0_i32 = arith.constant 0 : i32
    %c0_i32_0 = arith.constant 0 : i32
    %c0_i32_1 = arith.constant 0 : i32
    return %c0_i32, %c0_i32_0 : i32, i32
  }
  func.func @transform_18(%arg0: i32) -> (i32, i32) {
    %c0_i32 = arith.constant 0 : i32
    %c0_i32_0 = arith.constant 0 : i32
    %c0_i32_1 = arith.constant 0 : i32
    return %c0_i32, %c0_i32_0 : i32, i32
  }
  func.func @transform_19(%arg0: i32) -> (i32, i32) {
    %c0_i32 = arith.constant 0 : i32
    %c0_i32_0 = arith.constant 0 : i32
    %c0_i32_1 = arith.constant 0 : i32
    return %c0_i32, %c0_i32_0 : i32, i32
  }
  func.func @transform_20(%arg0: i32) -> (i32, i32) {
    %c0_i32 = arith.constant 0 : i32
    %c0_i32_0 = arith.constant 0 : i32
    %c0_i32_1 = arith.constant 0 : i32
    return %c0_i32, %c0_i32_0 : i32, i32
  }
  func.func @transform_21(%arg0: i32) -> (i32, i32) {
    %c0_i32 = arith.constant 0 : i32
    %c0_i32_0 = arith.constant 0 : i32
    %c0_i32_1 = arith.constant 0 : i32
    return %c0_i32, %c0_i32_0 : i32, i32
  }
  func.func @transform_22(%arg0: i32) -> (i32, i32) {
    %c0_i32 = arith.constant 0 : i32
    %c0_i32_0 = arith.constant 0 : i32
    return %arg0, %c0_i32 : i32, i32
  }
  func.func @transform_23(%arg0: i32) -> (i32, i32) {
    %c0_i32 = arith.constant 0 : i32
    %c0_i32_0 = arith.constant 0 : i32
    return %arg0, %c0_i32 : i32, i32
  }
}

module attributes {stable_mosaic.version = 14 : i64} {
  func.func @_pos_body(%arg0: i32, %arg1: memref<2000x16xf32, #tpu.memory_space<vmem>>, %arg2: memref<2000x16xf32, #tpu.memory_space<vmem>>, %arg3: memref<2000x16xf32, #tpu.memory_space<vmem>>, %arg4: memref<2000x16xf32, #tpu.memory_space<vmem>>) attributes {dimension_semantics = [#tpu.dimension_semantics<arbitrary>], iteration_bounds = array<i64: 5>, scalar_prefetch = 0 : i64, scratch_operands = 0 : i64, tpu.core_type = #tpu.core_type<tc>, window_params = [{transform_indices = @transform_0, window_bounds = array<i64: 2000, 16>}, {transform_indices = @transform_1, window_bounds = array<i64: 2000, 16>}, {transform_indices = @transform_2, window_bounds = array<i64: 2000, 16>}, {transform_indices = @transform_3, window_bounds = array<i64: 2000, 16>}]} {
    %get3A = arith.constant 0 : index
    %get3A_0 = arith.constant 0 : index
    %get3A_1 = vector.load %arg1[%get3A, %get3A_0] : memref<2000x16xf32, #tpu.memory_space<vmem>>, vector<2000x16xf32>
    %get3A_2 = arith.constant 0 : index
    %get3A_3 = arith.constant 0 : index
    %get3A_4 = vector.load %arg2[%get3A_2, %get3A_3] : memref<2000x16xf32, #tpu.memory_space<vmem>>, vector<2000x16xf32>
    %add3A = arith.addf %get3A_1, %get3A_4 : vector<2000x16xf32>
    %get3A_5 = arith.constant 0 : index
    %get3A_6 = arith.constant 0 : index
    %get3A_7 = vector.load %arg3[%get3A_5, %get3A_6] : memref<2000x16xf32, #tpu.memory_space<vmem>>, vector<2000x16xf32>
    %add3A_8 = arith.addf %add3A, %get3A_7 : vector<2000x16xf32>
    %swap3A = arith.constant 0 : index
    %swap3A_9 = arith.constant 0 : index
    %swap3A_10 = vector.load %arg4[%swap3A, %swap3A_9] : memref<2000x16xf32, #tpu.memory_space<vmem>>, vector<2000x16xf32>
    tpu.vector_store %arg4[%swap3A, %swap3A_9], %add3A_8 {strides = array<i32>} : memref<2000x16xf32, #tpu.memory_space<vmem>>, vector<2000x16xf32>,
    return
  }
  func.func @transform_0(%arg0: i32) -> (i32, i32) {
    %c0_i32 = arith.constant 0 : i32
    %c0_i32_0 = arith.constant 0 : i32
    return %arg0, %c0_i32 : i32, i32
  }
  func.func @transform_1(%arg0: i32) -> (i32, i32) {
    %c0_i32 = arith.constant 0 : i32
    %c0_i32_0 = arith.constant 0 : i32
    return %arg0, %c0_i32 : i32, i32
  }
  func.func @transform_2(%arg0: i32) -> (i32, i32) {
    %c0_i32 = arith.constant 0 : i32
    %c0_i32_0 = arith.constant 0 : i32
    return %arg0, %c0_i32 : i32, i32
  }
  func.func @transform_3(%arg0: i32) -> (i32, i32) {
    %c0_i32 = arith.constant 0 : i32
    %c0_i32_0 = arith.constant 0 : i32
    return %arg0, %c0_i32 : i32, i32
  }
}

</mosaic_0001>

<sc_bundles>
// kernel: kernel.14.cloned.1.call-start
scs
__scs_entry_jumppad:
0x0: {  	(pc) =	sbr.rel $0x88, $3  }
0x1: {  	(tag) =	ssettag $0x0;
	lr =	simm.s32 $0x1  }
0x2: {  	[smem:$0x3F77] =	sst lr;
	_ =	strace $0xD0000000  }
0x3: {  	_ = 	snop  }
0x4: {  	_ = 	snop  }
0x5: {  	_ = 	snop  }
0x6: {  	_ = 	snop  }
0x7: {  	_ = 	snop  }
__scs_overlays_trampoline_lowered:
0x8: {  	[smem:$0x3F86] =	sst s0  }
0x9: {  	[smem:$0x3F87] =	sst s1  }
0xa: {  	[smem:$0x3F88] =	sst s2  }
0xb: {  	[smem:$0x3F89] =	sst s3  }
0xc: {  	[smem:$0x3F8A] =	sst s4  }
0xd: {  	[smem:$0x3F8B] =	sst s5  }
0xe: {  	[smem:$0x3F8C] =	sst s6  }
0xf: {  	[smem:$0x3F8D] =	sst s7  }
0x10: {  	[smem:$0x3F8E] =	sst s8  }
0x11: {  	[smem:$0x3F8F] =	sst s9;
	s0 =	simm.s32 @!p0 $0x0  }
0x12: {  	s1 =	sld [smem:$0x3F75];
	s0 =	simm.s32 @p0 $0x1  }
0x13: {  	[smem:$0x3F90] =	sst s0;
	s0 =	simm.s32 @!p1 $0x0  }
0x14: {  	s2 =	sld [smem:$0x3F74];
	s0 =	simm.s32 @p1 $0x1  }
0x15: {  	[smem:$0x3F91] =	sst s0;
	s0 =	simm.s32 @!p2 $0x0  }
0x16: {  	s3 =	sld [smem:$0x3FDB];
	s0 =	simm.s32 @p2 $0x1  }
0x17: {  	s4 =	simm.s32 $0x1BF5;
	[smem:$0x3F93] =	sst s0  }
0x18: {  	s0 =	sld [smem:$0x3F76];
	_ =	swait.ge [sflag:s4], $0x0  }
0x19: {  	s7 =	sld [smem:$0x3F77]  }
0x1a: {  	s8 =	sadd.s32 $0xFFFFE003, lr  }
0x1b: {  	s9 =	sadd.s32 $0xFFFFFEF7, lr;
	s5 =	simm.s32 $0xFFFFFFFF;
	p2 =	slt.u32 s8, $0xFFFFF086  }
0x1c: {  	p1 =	slt.u32 s9, $0xF7A;
	s5 =	simm.s32 @!p2 $0x0  }
0x1d: {  	s5 =	simm.s32 @p1 $0x1;
	p0 =	seq.s32 s7, s2  }
0x1e: {  	s7 =	smul.u32 @!p0 $0xF7A, s2;
	p2 =	seq.s32 @!p0 s5, $0x0  }
0x1f: {  	s9 =	smul.u32 $0xF7A, s1;
	s8 =	simm.s32 @!p0 $0x1BF5;
	p2 =	por !p2, p0  }
0x20: {  	[sflag:s8] =	ssyncset.s32 @!p0 $0xFFFFF086;
	s6 =	sadd.s32 @!p0 s3, s7;
	s7 =	simm.s32 @!p0 $0x108  }
0x21: {  	s3 =	sadd.s32 s3, s9;
	s6 =	sadd.s32 @!p0 $0x88, s6;
	s7 =	simm.s32 @p2 $0x1082  }
0x22: {  	[simem:s7], [sflag:s8] =	dma.local @!p0 [hbm:s6], $0xF7A  }
0x23: {  	s9 =	sor.u32 $0xD0000000, s2;
	s6 =	simm.s32 $0x108;
	_ =	swait.ge @!p0 [sflag:s8], $0x0  }
0x24: {  	s3 =	sadd.s32 $0x88, s3;
	s6 =	simm.s32 @!p1 $0x1082;
	[sflag:s4] =	ssyncset.s32 $0xFFFFF086  }
0x25: {  	[simem:s6], [sflag:s4] =	dma.local [hbm:s3], $0xF7A  }
0x26: {  	[smem:$0x3F77] =	sst s1;
	(tag) =	ssettag s2;
	_ =	strace s9  }
0x27: {  	s1 =	sld [smem:$0x3F87]  }
0x28: {  	s2 =	sld [smem:$0x3F88]  }
0x29: {  	s4 =	sld [smem:$0x3F8A]  }
0x2a: {  	p0 =	seq.s32 s5, $0x0;
	s5 =	sld [smem:$0x3F8B]  }
0x2b: {  	s6 =	sld [smem:$0x3F8C]  }
0x2c: {  	s7 =	sld [smem:$0x3F8D]  }
0x2d: {  	s3 =	simm.s32 $0x108;
	s8 =	sld [smem:$0x3F8E]  }
0x2e: {  	s3 =	simm.s32 @!p0 $0x1082;
	s9 =	sld [smem:$0x3F8F]  }
0x2f: {  	lr =	sadd.s32 s0, s3;
	s0 =	sld [smem:$0x3F86]  }
0x30: {  	s3 =	sld [smem:$0x3F89]  }
0x31: {  	[smem:$0x3F92] =	sst s10  }
0x32: {  	s10 =	sld [smem:$0x3F90];
	_ =	sdelay $0x3  }
0x33: {  	p0 =	seq.s32 s10, $0x1;
	s10 =	sld [smem:$0x3F92];
	_ =	sdelay $0x3  }
0x34: {  	[smem:$0x3F92] =	sst s10  }
0x35: {  	s10 =	sld [smem:$0x3F91];
	_ =	sdelay $0x3  }
0x36: {  	p1 =	seq.s32 s10, $0x1;
	s10 =	sld [smem:$0x3F92];
	_ =	sdelay $0x3  }
0x37: {  	[smem:$0x3F92] =	sst s10  }
0x38: {  	s10 =	sld [smem:$0x3F93]  }
0x39: {  	_ = 	snop;
	(pc) =	sbr.ind lr, $3  }
0x3a: {  	_ = 	snop  }
0x3b: {  	_ = 	snop  }
0x3c: {  	p2 =	seq.s32 s10, $0x1;
	s10 =	sld [smem:$0x3F92]  }
0x3d: {  	_ =	shalt  }
0x3e: {  	_ =	shalt  }
0x3f: {  	_ =	shalt  }
0x40: {  	_ =	shalt  }
0x41: {  	_ =	shalt  }
0x42: {  	_ =	shalt  }
0x43: {  	_ =	shalt  }
0x44: {  	_ =	shalt  }
0x45: {  	_ =	shalt  }
0x46: {  	_ =	shalt  }
0x47: {  	_ =	shalt  }
0x48: {  	_ =	shalt  }
0x49: {  	_ =	shalt  }
0x4a: {  	_ =	shalt  }
0x4b: {  	_ =	shalt  }
0x4c: {  	_ =	shalt  }
0x4d: {  	_ =	shalt  }
0x4e: {  	_ =	shalt  }
0x4f: {  	_ =	shalt  }
0x50: {  	_ =	shalt  }
0x51: {  	_ =	shalt  }
0x52: {  	_ =	shalt  }
0x53: {  	_ =	shalt  }
0x54: {  	_ =	shalt  }
0x55: {  	_ =	shalt  }
0x56: {  	_ =	shalt  }
0x57: {  	_ =	shalt  }
0x58: {  	_ =	shalt  }
0x59: {  	_ =	shalt  }
0x5a: {  	_ =	shalt  }
0x5b: {  	_ =	shalt  }
0x5c: {  	_ =	shalt  }
0x5d: {  	_ =	shalt  }
0x5e: {  	_ =	shalt  }
0x5f: {  	_ =	shalt  }
0x60: {  	_ =	shalt  }
0x61: {  	_ =	shalt  }
0x62: {  	_ =	shalt  }
0x63: {  	_ =	shalt  }
0x64: {  	_ =	shalt  }
0x65: {  	_ =	shalt  }
0x66: {  	_ =	shalt  }
0x67: {  	_ =	shalt  }
0x68: {  	_ =	shalt  }
0x69: {  	_ =	shalt  }
0x6a: {  	_ =	shalt  }
0x6b: {  	_ =	shalt  }
0x6c: {  	_ =	shalt  }
0x6d: {  	_ =	shalt  }
0x6e: {  	_ =	shalt  }
0x6f: {  	_ =	shalt  }
0x70: {  	_ =	shalt  }
0x71: {  	_ =	shalt  }
0x72: {  	_ =	shalt  }
0x73: {  	_ =	shalt  }
0x74: {  	_ =	shalt  }
0x75: {  	_ =	shalt  }
0x76: {  	_ =	shalt  }
0x77: {  	_ =	shalt  }
0x78: {  	_ =	shalt  }
0x79: {  	_ =	shalt  }
0x7a: {  	_ =	shalt  }
0x7b: {  	_ =	shalt  }
0x7c: {  	_ =	shalt  }
0x7d: {  	_ =	shalt  }
0x7e: {  	_ =	shalt  }
0x7f: {  	_ =	shalt  }
0x80: {  	_ =	shalt  }
0x81: {  	_ =	shalt  }
0x82: {  	_ =	shalt  }
0x83: {  	_ =	shalt  }
0x84: {  	_ =	shalt  }
0x85: {  	_ =	shalt  }
0x86: {  	_ =	shalt  }
0x87: {  	_ =	shalt  }
.Lfunc_end0:
.L_simem_size_0:
called_computation_lowered:
.L_overlay_start_0:
0x88: {  	s2 =	sld [smem:$0x3FD9]  }
0x89: {  	s3 =	sld [smem:$0x3FFE];
	_ =	sdelay $0x1  }
0x8a: {  	s1 =	srdreg.scid  }
0x8b: {  	s0 =	sand.u32 $0x1, s1  }
0x8c: {  	s16 =	sshll.u32 s0, $0xA;
	s2 =	sadd.s32 s3, s2  }
0x8d: {  	s2 =	sadd.s32 s2, s16  }
0x8e: {  	[smem:$0x3F9E] =	sst s2  }
0x8f: {  	_ = 	snop  }
0x90: {  	(tm) =	ssettm $0x1  }
0x91: {  	s17 =	sld [smem:$0x3FFB];
	_ =	sdelay $0x3  }
0x92: {  	_ =	strace s17  }
0x93: {  	s2 =	sld [smem:$0x3FFC];
	_ =	sdelay $0x3  }
0x94: {  	_ =	strace s2  }
0x95: {  	s2 =	sld [smem:$0x3FFD];
	_ =	sdelay $0x3  }
0x96: {  	_ =	strace s2  }
0x97: {  	_ =	strace $0x8FFFFFFF  }
0x98: {  	s18 =	sld [smem:$0x3FDB];
	_ =	sdelay $0x1  }
0x99: {  	s19 =	simm.s32 $_scs_section_size  }
0x9a: {  	s4 =	simm.s32 $_size__tile_overlayer_lowered;
	s5 =	simm.s32 $_tile_overlayer_lowered  }
0x9b: {  	s22 =	simm.s32 $0x1BFF;
	s21 =	sshll.u32 s5, $0x1;
	s2 =	sadd.s32 s19, s18  }
0x9c: {  	s6 =	simm.s32 $0x0;
	s20 =	sshll.u32 s4, $0x1;
	s4 =	sadd.s32 s21, s2  }
0x9d: {  	[timem:s6], [sflag:s22] =	dma.local [hbm:s4], s20  }
0x9e: {  	_ =	swait.ge [sflag:s22], s20  }
0x9f: {  	s3 =	ssub.s32 $0x0, s20;
	[sflag:s22] =	ssyncset.done $0x0  }
0xa0: {  	[sflag:s22] =	ssyncadd.s32 s3;
	_ =	sdelay $0x1  }
0xa1: {  	s23 =	simm.s32 $0x1B8B  }
0xa2: {  	_ =	swait.ge [sflag:s23], $0x1  }
0xa3: {  	[sflag:s23] =	ssyncset.done $0x0  }
0xa4: {  	s25 =	simm.s32 $0x1B8E;
	s24 =	sld [smem:$0x3FFE];
	[sflag:s23] =	ssyncadd.s32 $0xFFFFFFFF  }
0xa5: {  	s26 =	simm.s32 $execute0_lowered;
	[smem:$0x3FD2] =	sst s25  }
0xa6: {  	s4 =	sshll.u32 s26, $0x1;
	_ =	strace $0x80000046;
	[dreg:$0x1] =	wrdreg $0xFFFFFFFF  }
0xa7: {  	s28 =	simm.s32 $_size_execute0_lowered;
	s2 =	sadd.s32 s2, s4;
	[dreg:$0x0] =	wrdreg $0x0  }
0xa8: {  	s4 =	sshll.u32 s28, $0x1;
	[dreg:$0x2] =	wrdreg s2  }
0xa9: {  	[dreg:$0x3] =	wrdreg s4  }
0xaa: {  	[dreg:$0x4] =	wrdreg $0xC0  }
0xab: {  	_ =	task [dreg:s6], $0x5FFFF  }
0xac: {  	[dreg:$0x1] =	wrdreg $0xFFFFFFFF  }
0xad: {  	[dreg:$0x0] =	wrdreg $0x60  }
0xae: {  	[dreg:$0x2] =	wrdreg s24  }
0xaf: {  	[dreg:$0x3] =	wrdreg $0x9  }
0xb0: {  	_ =	task.clear_ibuf [dreg:s6], $0x4FFFF;
	_ =	strace $0x90000046  }
0xb1: {  	s29 =	simm.s32 $0x9;
	_ =	strace $0x80000048  }
0xb2: {  	_ =	swait.ge [sflag:s29], $0x1  }
0xb3: {  	[sflag:s29] =	ssyncadd.s32 $0xFFFFFFFF  }
0xb4: {  	_ =	strace $0x90000048  }
0xb5: {  	_ =	sfence  }
0xb6: {  	s30 =	sld [smem:$0x0];
	_ =	sdelay $0x2  }
0xb7: {  	s31 =	sshll.u32 s1, $0xD;
	s1 =	sshrl.u32 s1, $0x2  }
0xb8: {  	s3 =	sand.u32 $0x4000, s31;
	s1 =	sadd.s32 s1, s30  }
0xb9: {  	s0 =	sor.u32 s3, s0;
	s1 =	sshll.u32 s1, $0x11  }
0xba: {  	s0 =	sor.u32 s1, s0  }
0xbb: {  	s0 =	sadd.s32 $0x8F2B, s0  }
0xbc: {  	[sflag:s0] =	ssyncadd.remote.s32 $0x1  }
0xbd: {  	_ =	sfence.sel $0xFFFF  }
0xbe: {  	[dreg:$0x0] =	wrdreg $0xFFFFFFFF;
	(pc) =	sbr.abs _section_cstart, $3  }
0xbf: {  	[dreg:$0x1] =	wrdreg $0xFFFFFFFF  }
0xc0: {  	_ =	task.clear_ibuf [dreg:s6], $0x2FFFF;
	_ =	strace $0x9FFFFFFF  }
0xc1: {  	(tm) =	ssettm $0x7FFFFFFF  }
tec
execute0_lowered:
.L_overlay_start_1:
0x0: {  	(tag) =	ssettag $0x1  }
0x1: {  	s5 =	rddreg [dreg:$0x0];
	s2 =	simm.s32 $0x0  }
0x2: {  	s12 =	simm.s32 $0x80;
	[smem:$0x7FF] =	sst s2  }
0x3: {  	s13 =	simm.s32 $0x900;
	_ =	strace $0x80000047;
	[dreg:$0x4] =	wrdreg s12  }
0x4: {  	s14 =	simm.s32 $0x1100;
	[dreg:$0x5] =	wrdreg s13  }
0x5: {  	s0 =	stileid.u32;
	s15 =	simm.s32 $0x1900;
	[dreg:$0x6] =	wrdreg s14  }
0x6: {  	s1 =	srdreg.scid;
	s7 =	simm.s32 $0x2100;
	[dreg:$0x7] =	wrdreg s15  }
0x7: {  	s16 =	simm.s32 $0x2900;
	s17 =	simm.s32 $0x3100;
	[dreg:$0x8] =	wrdreg s7  }
0x8: {  	s19 =	simm.s32 $0x3900;
	s20 =	simm.s32 $0x4100;
	[dreg:$0x9] =	wrdreg s16  }
0x9: {  	s21 =	simm.s32 $0x4900;
	s22 =	simm.s32 $0x5100;
	[dreg:$0xa] =	wrdreg s17  }
0xa: {  	s24 =	simm.s32 $0x5900;
	s25 =	simm.s32 $0x6100;
	[dreg:$0xb] =	wrdreg s19  }
0xb: {  	s26 =	simm.s32 $0x6900;
	s30 =	simm.s32 $0x7100;
	[dreg:$0xc] =	wrdreg s20  }
0xc: {  	s31 =	simm.s32 $0x7900;
	s9 =	simm.s32 $0x100;
	[dreg:$0xd] =	wrdreg s21  }
0xd: {  	s10 =	simm.s32 $0x8100;
	s11 =	simm.s32 $0x8900;
	[dreg:$0xe] =	wrdreg s22  }
0xe: {  	s28 =	simm.s32 $0x2;
	s3 =	smul.u32 $0x9E0, s0;
	[dreg:$0xf] =	wrdreg s24  }
0xf: {  	s1 =	sand.u32 $0x1, s1;
	s6 =	smul.u32 $0x9E000, s0;
	[dreg:$0x10] =	wrdreg s25  }
0x10: {  	s29 =	simm.s32 $0x0;
	s4 =	smul.u32 $0x4F0, s1;
	[dreg:$0x11] =	wrdreg s26  }
0x11: {  	s18 =	ssub.s32 $0x2, s1;
	s1 =	smul.u32 $0x4F000, s1;
	[dreg:$0x12] =	wrdreg s30  }
0x12: {  	[dreg:$0x13] =	wrdreg s31;
	s12 =	simm.s32 $0x9100;
	s13 =	simm.s32 $0x9900  }
0x13: {  	s14 =	simm.s32 $0xA100;
	s15 =	simm.s32 $0xA900;
	s16 =	simm.s32 $0xB100  }
0x14: {  	s17 =	simm.s32 $0xB900;
	s19 =	simm.s32 $0xC900;
	s20 =	simm.s32 $0xD100  }
0x15: {  	s21 =	simm.s32 $0xD900;
	s22 =	simm.s32 $0xE100;
	s24 =	simm.s32 $0xF100  }
0x16: {  	s25 =	simm.s32 $0xF900;
	s26 =	simm.s32 $0x1;
	s3 =	sadd.s32 s3, s5  }
0x17: {  	s6 =	sadd.s32 s6, s5;
	s8 =	sshrl.u32 s18, $0x1;
	s3 =	sadd.s32 s4, s3  }
0x18: {  	s7 =	ssub.s32 s18, s8;
	s1 =	sadd.s32 s1, s6;
	s8 =	simm.s32 $0x3  }
0x19: {  	s18 =	simm.s32 $0xC100;
	s4 =	sadd.s32 $0x9000, s3;
	s3 =	sadd.s32 $0x12E00, s3  }
0x1a: {  	v2 =	vlaneseq.u32;
	s23 =	smax.u32 s7, $0x1;
	s6 =	sadd.s32 $0xAC0200, s1;
	[dreg:$0x2] =	wrdreg s4  }
0x1b: {  	vm0 =	vmmov $0xffff;
	v1 =	vshrl.u32 v2, $0x3;
	s7 =	sadd.s32 $0xE0200, s1;
	[dreg:$0x3] =	wrdreg s3;
	s3 =	sadd.s32 $0x43E00, s5  }
0x1c: {  	v0 =	vand.u32 $0x7, v2;
	v2 =	vor.u32 $0x8, v2;
	v1 =	vmul.u32 $0x8, v1;
	s4 =	sadd.s32 $0x92000, s5;
	[dreg:$0x14] =	wrdreg s23;
	s23 =	simm.s32 $0xE900  }
.LBB2_1:
0x1d: {  	s30 =	smov.u32 s7;
	s31 =	smov.u32 s6;
	s1 =	simm.s32 $0x0  }
.LBB2_2:
0x1e: {  	s0 =	rddreg [dreg:$0x3]  }
0x1f: {  	s0 =	sadd.s32 s1, s0  }
0x20: {  	[tilespmem:s2], [sflag:$0x3] =	stream.linear.gather [hbm4b:s0+s2], $0x80, $0x38;
	[tilespmem:$0x10100] =	vst v63  }
0x21: {  	_ =	swait.ge [sflag:s8], $0x80  }
0x22: {  	s0 =	rddreg [dreg:$0x2];
	[sflag:s8] =	ssyncset.done $0x0  }
0x23: {  	s5 =	rddreg [dreg:$0x4];
	[sflag:s8] =	ssyncadd.s32 $0xFFFFFF80;
	s0 =	sadd.s32 s1, s0  }
0x24: {  	[tilespmem:s5], [sflag:$0x3] =	stream.linear.gather [hbm4b:s0+s2], $0x80, $0x38;
	[tilespmem:$0x10100] =	vst v63  }
0x25: {  	_ =	swait.ge [sflag:s8], $0x80  }
0x26: {  	[sflag:s8] =	ssyncset.done $0x0  }
0x27: {  	[sflag:s8] =	ssyncadd.s32 $0xFFFFFF80  }
0x28: {  	v3 =	vld [tilespmem:$0x0];
	_ =	sdelay $0x4  }
0x29: {  	v4 =	vshll.u32 v3, $0x1  }
0x2a: {  	v3 =	vand.u32 $0x7, v3;
	v4 =	vand.u32 $0xFFFFFFF0, v4  }
0x2b: {  	v3 =	vor.u32 v3, v4  }
0x2c: {  	v4 =	vperm.xlane v3, v0;
	_ =	sdelay $0x1  }
0x2d: {  	v3 =	vperm.xlane v3, v2;
	v4 =	vadd.s32 v1, v4;
	_ =	sdelay $0x1  }
0x2e: {  	v3 =	vadd.s32 v1, v3;
	_ =	sdelay $0x2  }
0x2f: {  	[tilespmem:s9], [sflag:$0x1] =	stream.indirect_vreg.gather [hbm4b:s3+s2], $0x80, v4, vm0, $0xb8;
	[tilespmem:$0x10100] =	vst v63  }
0x30: {  	s5 =	rddreg [dreg:$0x5]  }
0x31: {  	[tilespmem:s5], [sflag:$0x1] =	stream.indirect_vreg.gather [hbm4b:s3+s2], $0x80, v3, vm0, $0xb8;
	[tilespmem:$0x10100] =	vst v63  }
0x32: {  	v3 =	vld [tilespmem:$0x10];
	_ =	sdelay $0x4  }
0x33: {  	v49 =	vshll.u32 v3, $0x1  }
0x34: {  	v3 =	vand.u32 $0x7, v3;
	v4 =	vand.u32 $0xFFFFFFF0, v49  }
0x35: {  	v3 =	vor.u32 v3, v4  }
0x36: {  	v4 =	vperm.xlane v3, v0;
	_ =	sdelay $0x1  }
0x37: {  	v3 =	vperm.xlane v3, v2;
	v4 =	vadd.s32 v1, v4;
	_ =	sdelay $0x1  }
0x38: {  	v3 =	vadd.s32 v1, v3;
	_ =	sdelay $0x1  }
0x39: {  	s0 =	rddreg [dreg:$0x6]  }
0x3a: {  	[tilespmem:s0], [sflag:$0x1] =	stream.indirect_vreg.gather [hbm4b:s3+s2], $0x80, v4, vm0, $0xb8;
	[tilespmem:$0x10100] =	vst v63  }
0x3b: {  	s5 =	rddreg [dreg:$0x7]  }
0x3c: {  	[tilespmem:s5], [sflag:$0x1] =	stream.indirect_vreg.gather [hbm4b:s3+s2], $0x80, v3, vm0, $0xb8;
	[tilespmem:$0x10100] =	vst v63  }
0x3d: {  	v3 =	vld [tilespmem:$0x20];
	_ =	sdelay $0x4  }
0x3e: {  	v50 =	vshll.u32 v3, $0x1  }
0x3f: {  	v3 =	vand.u32 $0x7, v3;
	v4 =	vand.u32 $0xFFFFFFF0, v50  }
0x40: {  	v3 =	vor.u32 v3, v4  }
0x41: {  	v4 =	vperm.xlane v3, v0;
	_ =	sdelay $0x1  }
0x42: {  	v3 =	vperm.xlane v3, v2;
	v4 =	vadd.s32 v1, v4;
	_ =	sdelay $0x1  }
0x43: {  	v3 =	vadd.s32 v1, v3;
	_ =	sdelay $0x1  }
0x44: {  	s0 =	rddreg [dreg:$0x8]  }
0x45: {  	[tilespmem:s0], [sflag:$0x1] =	stream.indirect_vreg.gather [hbm4b:s3+s2], $0x80, v4, vm0, $0xb8;
	[tilespmem:$0x10100] =	vst v63  }
0x46: {  	s5 =	rddreg [dreg:$0x9]  }
0x47: {  	[tilespmem:s5], [sflag:$0x1] =	stream.indirect_vreg.gather [hbm4b:s3+s2], $0x80, v3, vm0, $0xb8;
	[tilespmem:$0x10100] =	vst v63  }
0x48: {  	v3 =	vld [tilespmem:$0x30];
	_ =	sdelay $0x4  }
0x49: {  	v51 =	vshll.u32 v3, $0x1  }
0x4a: {  	v3 =	vand.u32 $0x7, v3;
	v4 =	vand.u32 $0xFFFFFFF0, v51  }
0x4b: {  	v3 =	vor.u32 v3, v4  }
0x4c: {  	v4 =	vperm.xlane v3, v0;
	_ =	sdelay $0x1  }
0x4d: {  	v3 =	vperm.xlane v3, v2;
	v4 =	vadd.s32 v1, v4;
	_ =	sdelay $0x1  }
0x4e: {  	v3 =	vadd.s32 v1, v3;
	_ =	sdelay $0x1  }
0x4f: {  	s0 =	rddreg [dreg:$0xa]  }
0x50: {  	[tilespmem:s0], [sflag:$0x1] =	stream.indirect_vreg.gather [hbm4b:s3+s2], $0x80, v4, vm0, $0xb8;
	[tilespmem:$0x10100] =	vst v63  }
0x51: {  	s5 =	rddreg [dreg:$0xb]  }
0x52: {  	[tilespmem:s5], [sflag:$0x1] =	stream.indirect_vreg.gather [hbm4b:s3+s2], $0x80, v3, vm0, $0xb8;
	[tilespmem:$0x10100] =	vst v63  }
0x53: {  	v3 =	vld [tilespmem:$0x40];
	_ =	sdelay $0x4  }
0x54: {  	v52 =	vshll.u32 v3, $0x1  }
0x55: {  	v3 =	vand.u32 $0x7, v3;
	v4 =	vand.u32 $0xFFFFFFF0, v52  }
0x56: {  	v3 =	vor.u32 v3, v4  }
0x57: {  	v4 =	vperm.xlane v3, v0;
	_ =	sdelay $0x1  }
0x58: {  	v3 =	vperm.xlane v3, v2;
	v4 =	vadd.s32 v1, v4;
	_ =	sdelay $0x1  }
0x59: {  	v3 =	vadd.s32 v1, v3;
	_ =	sdelay $0x1  }
0x5a: {  	s0 =	rddreg [dreg:$0xc]  }
0x5b: {  	[tilespmem:s0], [sflag:$0x1] =	stream.indirect_vreg.gather [hbm4b:s3+s2], $0x80, v4, vm0, $0xb8;
	[tilespmem:$0x10100] =	vst v63  }
0x5c: {  	s5 =	rddreg [dreg:$0xd]  }
0x5d: {  	[tilespmem:s5], [sflag:$0x1] =	stream.indirect_vreg.gather [hbm4b:s3+s2], $0x80, v3, vm0, $0xb8;
	[tilespmem:$0x10100] =	vst v63  }
0x5e: {  	v3 =	vld [tilespmem:$0x50];
	_ =	sdelay $0x4  }
0x5f: {  	v53 =	vshll.u32 v3, $0x1  }
0x60: {  	v3 =	vand.u32 $0x7, v3;
	v4 =	vand.u32 $0xFFFFFFF0, v53  }
0x61: {  	v3 =	vor.u32 v3, v4  }
0x62: {  	v4 =	vperm.xlane v3, v0;
	_ =	sdelay $0x1  }
0x63: {  	v3 =	vperm.xlane v3, v2;
	v4 =	vadd.s32 v1, v4;
	_ =	sdelay $0x1  }
0x64: {  	v3 =	vadd.s32 v1, v3;
	_ =	sdelay $0x1  }
0x65: {  	s0 =	rddreg [dreg:$0xe]  }
0x66: {  	[tilespmem:s0], [sflag:$0x1] =	stream.indirect_vreg.gather [hbm4b:s3+s2], $0x80, v4, vm0, $0xb8;
	[tilespmem:$0x10100] =	vst v63  }
0x67: {  	s5 =	rddreg [dreg:$0xf]  }
0x68: {  	[tilespmem:s5], [sflag:$0x1] =	stream.indirect_vreg.gather [hbm4b:s3+s2], $0x80, v3, vm0, $0xb8;
	[tilespmem:$0x10100] =	vst v63  }
0x69: {  	v3 =	vld [tilespmem:$0x60];
	_ =	sdelay $0x4  }
0x6a: {  	v54 =	vshll.u32 v3, $0x1  }
0x6b: {  	v3 =	vand.u32 $0x7, v3;
	v4 =	vand.u32 $0xFFFFFFF0, v54  }
0x6c: {  	v3 =	vor.u32 v3, v4  }
0x6d: {  	v4 =	vperm.xlane v3, v0;
	_ =	sdelay $0x1  }
0x6e: {  	v3 =	vperm.xlane v3, v2;
	v4 =	vadd.s32 v1, v4;
	_ =	sdelay $0x1  }
0x6f: {  	v3 =	vadd.s32 v1, v3;
	_ =	sdelay $0x1  }
0x70: {  	s0 =	rddreg [dreg:$0x10]  }
0x71: {  	[tilespmem:s0], [sflag:$0x1] =	stream.indirect_vreg.gather [hbm4b:s3+s2], $0x80, v4, vm0, $0xb8;
	[tilespmem:$0x10100] =	vst v63  }
0x72: {  	s5 =	rddreg [dreg:$0x11]  }
0x73: {  	[tilespmem:s5], [sflag:$0x1] =	stream.indirect_vreg.gather [hbm4b:s3+s2], $0x80, v3, vm0, $0xb8;
	[tilespmem:$0x10100] =	vst v63  }
0x74: {  	v3 =	vld [tilespmem:$0x70];
	_ =	sdelay $0x4  }
0x75: {  	v55 =	vshll.u32 v3, $0x1  }
0x76: {  	v3 =	vand.u32 $0x7, v3;
	v4 =	vand.u32 $0xFFFFFFF0, v55  }
0x77: {  	v3 =	vor.u32 v3, v4  }
0x78: {  	v4 =	vperm.xlane v3, v0;
	_ =	sdelay $0x1  }
0x79: {  	v3 =	vperm.xlane v3, v2;
	v4 =	vadd.s32 v1, v4;
	_ =	sdelay $0x1  }
0x7a: {  	v3 =	vadd.s32 v1, v3;
	_ =	sdelay $0x1  }
0x7b: {  	s0 =	rddreg [dreg:$0x12]  }
0x7c: {  	[tilespmem:s0], [sflag:$0x1] =	stream.indirect_vreg.gather [hbm4b:s3+s2], $0x80, v4, vm0, $0xb8;
	[tilespmem:$0x10100] =	vst v63  }
0x7d: {  	s5 =	rddreg [dreg:$0x13]  }
0x7e: {  	[tilespmem:s5], [sflag:$0x1] =	stream.indirect_vreg.gather [hbm4b:s3+s2], $0x80, v3, vm0, $0xb8;
	[tilespmem:$0x10100] =	vst v63  }
0x7f: {  	v3 =	vld [tilespmem:$0x80];
	_ =	sdelay $0x4  }
0x80: {  	v56 =	vshll.u32 v3, $0x1  }
0x81: {  	v3 =	vand.u32 $0x7, v3;
	v4 =	vand.u32 $0xFFFFFFF0, v56  }
0x82: {  	v3 =	vor.u32 v3, v4  }
0x83: {  	v4 =	vperm.xlane v3, v0;
	_ =	sdelay $0x1  }
0x84: {  	v3 =	vperm.xlane v3, v2;
	v4 =	vadd.s32 v1, v4;
	_ =	sdelay $0x1  }
0x85: {  	v3 =	vadd.s32 v1, v3;
	_ =	sdelay $0x2  }
0x86: {  	[tilespmem:s10], [sflag:$0x2] =	stream.indirect_vreg.gather [hbm4b:s4+s2], $0x80, v4, vm0, $0xb8;
	[tilespmem:$0x10100] =	vst v63  }
0x87: {  	_ = 	snop  }
0x88: {  	[tilespmem:s11], [sflag:$0x2] =	stream.indirect_vreg.gather [hbm4b:s4+s2], $0x80, v3, vm0, $0xb8;
	[tilespmem:$0x10100] =	vst v63  }
0x89: {  	v3 =	vld [tilespmem:$0x90];
	_ =	sdelay $0x4  }
0x8a: {  	v57 =	vshll.u32 v3, $0x1  }
0x8b: {  	v3 =	vand.u32 $0x7, v3;
	v4 =	vand.u32 $0xFFFFFFF0, v57  }
0x8c: {  	v3 =	vor.u32 v3, v4  }
0x8d: {  	v4 =	vperm.xlane v3, v0;
	_ =	sdelay $0x1  }
0x8e: {  	v3 =	vperm.xlane v3, v2;
	v4 =	vadd.s32 v1, v4;
	_ =	sdelay $0x1  }
0x8f: {  	v3 =	vadd.s32 v1, v3;
	_ =	sdelay $0x2  }
0x90: {  	[tilespmem:s12], [sflag:$0x2] =	stream.indirect_vreg.gather [hbm4b:s4+s2], $0x80, v4, vm0, $0xb8;
	[tilespmem:$0x10100] =	vst v63  }
0x91: {  	_ = 	snop  }
0x92: {  	[tilespmem:s13], [sflag:$0x2] =	stream.indirect_vreg.gather [hbm4b:s4+s2], $0x80, v3, vm0, $0xb8;
	[tilespmem:$0x10100] =	vst v63  }
0x93: {  	v3 =	vld [tilespmem:$0xA0];
	_ =	sdelay $0x4  }
0x94: {  	v58 =	vshll.u32 v3, $0x1  }
0x95: {  	v3 =	vand.u32 $0x7, v3;
	v4 =	vand.u32 $0xFFFFFFF0, v58  }
0x96: {  	v3 =	vor.u32 v3, v4  }
0x97: {  	v4 =	vperm.xlane v3, v0;
	_ =	sdelay $0x1  }
0x98: {  	v3 =	vperm.xlane v3, v2;
	v4 =	vadd.s32 v1, v4;
	_ =	sdelay $0x1  }
0x99: {  	v3 =	vadd.s32 v1, v3;
	_ =	sdelay $0x2  }
0x9a: {  	[tilespmem:s14], [sflag:$0x2] =	stream.indirect_vreg.gather [hbm4b:s4+s2], $0x80, v4, vm0, $0xb8;
	[tilespmem:$0x10100] =	vst v63  }
0x9b: {  	_ = 	snop  }
0x9c: {  	[tilespmem:s15], [sflag:$0x2] =	stream.indirect_vreg.gather [hbm4b:s4+s2], $0x80, v3, vm0, $0xb8;
	[tilespmem:$0x10100] =	vst v63  }
0x9d: {  	v3 =	vld [tilespmem:$0xB0];
	_ =	sdelay $0x4  }
0x9e: {  	v59 =	vshll.u32 v3, $0x1  }
0x9f: {  	v3 =	vand.u32 $0x7, v3;
	v4 =	vand.u32 $0xFFFFFFF0, v59  }
0xa0: {  	v3 =	vor.u32 v3, v4  }
0xa1: {  	v4 =	vperm.xlane v3, v0;
	_ =	sdelay $0x1  }
0xa2: {  	v3 =	vperm.xlane v3, v2;
	v4 =	vadd.s32 v1, v4;
	_ =	sdelay $0x1  }
0xa3: {  	v3 =	vadd.s32 v1, v3;
	_ =	sdelay $0x2  }
0xa4: {  	[tilespmem:s16], [sflag:$0x2] =	stream.indirect_vreg.gather [hbm4b:s4+s2], $0x80, v4, vm0, $0xb8;
	[tilespmem:$0x10100] =	vst v63  }
0xa5: {  	_ = 	snop  }
0xa6: {  	[tilespmem:s17], [sflag:$0x2] =	stream.indirect_vreg.gather [hbm4b:s4+s2], $0x80, v3, vm0, $0xb8;
	[tilespmem:$0x10100] =	vst v63  }
0xa7: {  	v3 =	vld [tilespmem:$0xC0];
	_ =	sdelay $0x4  }
0xa8: {  	v60 =	vshll.u32 v3, $0x1  }
0xa9: {  	v3 =	vand.u32 $0x7, v3;
	v4 =	vand.u32 $0xFFFFFFF0, v60  }
0xaa: {  	v3 =	vor.u32 v3, v4  }
0xab: {  	v4 =	vperm.xlane v3, v0;
	_ =	sdelay $0x1  }
0xac: {  	v3 =	vperm.xlane v3, v2;
	v4 =	vadd.s32 v1, v4;
	_ =	sdelay $0x1  }
0xad: {  	v3 =	vadd.s32 v1, v3;
	_ =	sdelay $0x2  }
0xae: {  	[tilespmem:s18], [sflag:$0x2] =	stream.indirect_vreg.gather [hbm4b:s4+s2], $0x80, v4, vm0, $0xb8;
	[tilespmem:$0x10100] =	vst v63  }
0xaf: {  	_ = 	snop  }
0xb0: {  	[tilespmem:s19], [sflag:$0x2] =	stream.indirect_vreg.gather [hbm4b:s4+s2], $0x80, v3, vm0, $0xb8;
	[tilespmem:$0x10100] =	vst v63  }
0xb1: {  	v3 =	vld [tilespmem:$0xD0];
	_ =	sdelay $0x4  }
0xb2: {  	v61 =	vshll.u32 v3, $0x1  }
0xb3: {  	v3 =	vand.u32 $0x7, v3;
	v4 =	vand.u32 $0xFFFFFFF0, v61  }
0xb4: {  	v3 =	vor.u32 v3, v4  }
0xb5: {  	v4 =	vperm.xlane v3, v0;
	_ =	sdelay $0x1  }
0xb6: {  	v3 =	vperm.xlane v3, v2;
	v4 =	vadd.s32 v1, v4;
	_ =	sdelay $0x1  }
0xb7: {  	v3 =	vadd.s32 v1, v3;
	_ =	sdelay $0x2  }
0xb8: {  	[tilespmem:s20], [sflag:$0x2] =	stream.indirect_vreg.gather [hbm4b:s4+s2], $0x80, v4, vm0, $0xb8;
	[tilespmem:$0x10100] =	vst v63  }
0xb9: {  	_ = 	snop  }
0xba: {  	[tilespmem:s21], [sflag:$0x2] =	stream.indirect_vreg.gather [hbm4b:s4+s2], $0x80, v3, vm0, $0xb8;
	[tilespmem:$0x10100] =	vst v63  }
0xbb: {  	v3 =	vld [tilespmem:$0xE0];
	_ =	sdelay $0x4  }
0xbc: {  	v62 =	vshll.u32 v3, $0x1  }
0xbd: {  	v3 =	vand.u32 $0x7, v3;
	v4 =	vand.u32 $0xFFFFFFF0, v62  }
0xbe: {  	v3 =	vor.u32 v3, v4  }
0xbf: {  	v4 =	vperm.xlane v3, v0;
	_ =	sdelay $0x1  }
0xc0: {  	v3 =	vperm.xlane v3, v2;
	v4 =	vadd.s32 v1, v4;
	_ =	sdelay $0x1  }
0xc1: {  	v3 =	vadd.s32 v1, v3;
	_ =	sdelay $0x2  }
0xc2: {  	[tilespmem:s22], [sflag:$0x2] =	stream.indirect_vreg.gather [hbm4b:s4+s2], $0x80, v4, vm0, $0xb8;
	[tilespmem:$0x10100] =	vst v63  }
0xc3: {  	_ = 	snop  }
0xc4: {  	[tilespmem:s23], [sflag:$0x2] =	stream.indirect_vreg.gather [hbm4b:s4+s2], $0x80, v3, vm0, $0xb8;
	[tilespmem:$0x10100] =	vst v63  }
0xc5: {  	v3 =	vld [tilespmem:$0xF0];
	_ =	sdelay $0x4  }
0xc6: {  	v63 =	vshll.u32 v3, $0x1  }
0xc7: {  	v3 =	vand.u32 $0x7, v3;
	v4 =	vand.u32 $0xFFFFFFF0, v63  }
0xc8: {  	v3 =	vor.u32 v3, v4  }
0xc9: {  	v4 =	vperm.xlane v3, v0;
	_ =	sdelay $0x1  }
0xca: {  	v3 =	vperm.xlane v3, v2;
	v4 =	vadd.s32 v1, v4;
	_ =	sdelay $0x1  }
0xcb: {  	v3 =	vadd.s32 v1, v3;
	_ =	sdelay $0x2  }
0xcc: {  	[tilespmem:s24], [sflag:$0x2] =	stream.indirect_vreg.gather [hbm4b:s4+s2], $0x80, v4, vm0, $0xb8;
	[tilespmem:$0x10100] =	vst v63  }
0xcd: {  	_ = 	snop  }
0xce: {  	[tilespmem:s25], [sflag:$0x2] =	stream.indirect_vreg.gather [hbm4b:s4+s2], $0x80, v3, vm0, $0xb8;
	[tilespmem:$0x10100] =	vst v63  }
0xcf: {  	_ =	swait.ge [sflag:s26], $0x8000  }
0xd0: {  	[sflag:s26] =	ssyncset.done $0x0  }
0xd1: {  	[sflag:s26] =	ssyncadd.s32 $0xFFFF8000  }
0xd2: {  	_ =	swait.ge [sflag:s28], $0x8000  }
0xd3: {  	[sflag:s28] =	ssyncset.done $0x0  }
0xd4: {  	[sflag:s28] =	ssyncadd.s32 $0xFFFF8000  }
0xd5: {  	[hbm4b:s30+s2] =	stream.linear.scatter [tilespmem:s9], [sflag:$0x3], $0x8000, $0x38;
	[tilespmem:$0x10100] =	vst v63  }
0xd6: {  	_ =	swait.ge [sflag:s8], $0x8000  }
0xd7: {  	p0 =	sne.s32 s1, $0x4E0;
	[sflag:s8] =	ssyncset.done $0x0  }
.Ltmp0:
0xd8: {  	[sflag:s8] =	ssyncadd.s32 $0xFFFF8000;
	(pc) =	sbr.rel @p0 .LBB2_2-.Ltmp0, $4  }
0xd9: {  	[hbm4b:s31+s2] =	stream.linear.scatter [tilespmem:s10], [sflag:$0x3], $0x8000, $0x38;
	[tilespmem:$0x10100] =	vst v63  }
0xda: {  	_ =	swait.ge [sflag:s8], $0x8000  }
0xdb: {  	s1 =	sadd.s32 $0x10, s1;
	[sflag:s8] =	ssyncset.done $0x0  }
0xdc: {  	s30 =	sadd.s32 $0x1000, s30;
	s31 =	sadd.s32 $0x1000, s31;
	[sflag:s8] =	ssyncadd.s32 $0xFFFF8000  }
0xdd: {  	s29 =	sadd.s32 $0x1, s29;
	s0 =	rddreg [dreg:$0x14]  }
0xde: {  	p0 =	sne.s32 s29, s0  }
.Ltmp1:
0xdf: {  	_ = 	snop;
	(pc) =	sbr.rel @p0 .LBB2_1-.Ltmp1, $1  }
0xe0: {  	_ =	sdelay $0x3  }
0xe1: {  	_ =	sfence.sel $0x180000  }
0xe2: {  	[bflag:$0x0] =	sbarrier.arrive $0xFFFF  }
0xe3: {  	_ =	strace $0x90000047  }
0xe4: {  	s0 =	stileid.u32;
	[bflag:$0x2] =	sbarrier.arrive $0xFFFF  }
0xe5: {  	p0 =	sne.s32 s0, $0x0;
	s0 =	rddreg [dreg:$0x1]  }
0xe6: {  	s0 =	sadd.s32 @!p0 $0x100000, s0  }
0xe7: {  	[sflag:s0] =	ssyncadd.tile.s32 @!p0 $0x1;
	_ =	shalt  }
.Lfunc_end2:
_tile_overlayer_lowered:
.L_overlay_start_2:
0xe8: {  	(tag) =	ssettag $0x2  }
0xe9: {  	s0 =	rddreg [dreg:$0x0];
	s2 =	stileid.u32  }
0xea: {  	s1 =	rddreg [dreg:$0x1];
	p0 =	sne.s32 s2, $0x0  }
0xeb: {  	s3 =	rddreg [dreg:$0x2];
	[bflag:$0x3] =	sbarrier.arrive $0xFFFF;
	s2 =	simm.s32 @!p0 $0x1C03  }
0xec: {  	[timem:s3], [sflag:s2] =	dma.local @!p0 [hbm:s0], s1  }
0xed: {  	s0 =	simm.s32 @!p0 $0x3  }
0xee: {  	_ =	swait.ge @!p0 [sflag:s0], s1  }
0xef: {  	s1 =	ssub.s32 @!p0 $0x0, s1;
	[sflag:s0] =	ssyncset.done @!p0 $0x0  }
0xf0: {  	[sflag:s0] =	ssyncadd.s32 @!p0 s1  }
0xf1: {  	[bflag:$0x3] =	sbarrier.arrive $0xFFFF  }
0xf2: {  	_ =	shalt  }

// kernel: kernel.17.cloned.1.call-start
scs
__scs_entry_jumppad:
0x0: {  	(pc) =	sbr.rel $0x88, $3  }
0x1: {  	(tag) =	ssettag $0x0;
	lr =	simm.s32 $0x1  }
0x2: {  	[smem:$0x3F77] =	sst lr;
	_ =	strace $0xD0000000  }
0x3: {  	_ = 	snop  }
0x4: {  	_ = 	snop  }
0x5: {  	_ = 	snop  }
0x6: {  	_ = 	snop  }
0x7: {  	_ = 	snop  }
__scs_overlays_trampoline_lowered:
0x8: {  	[smem:$0x3F86] =	sst s0  }
0x9: {  	[smem:$0x3F87] =	sst s1  }
0xa: {  	[smem:$0x3F88] =	sst s2  }
0xb: {  	[smem:$0x3F89] =	sst s3  }
0xc: {  	[smem:$0x3F8A] =	sst s4  }
0xd: {  	[smem:$0x3F8B] =	sst s5  }
0xe: {  	[smem:$0x3F8C] =	sst s6  }
0xf: {  	[smem:$0x3F8D] =	sst s7  }
0x10: {  	[smem:$0x3F8E] =	sst s8  }
0x11: {  	[smem:$0x3F8F] =	sst s9;
	s0 =	simm.s32 @!p0 $0x0  }
0x12: {  	s1 =	sld [smem:$0x3F75];
	s0 =	simm.s32 @p0 $0x1  }
0x13: {  	[smem:$0x3F90] =	sst s0;
	s0 =	simm.s32 @!p1 $0x0  }
0x14: {  	s2 =	sld [smem:$0x3F74];
	s0 =	simm.s32 @p1 $0x1  }
0x15: {  	[smem:$0x3F91] =	sst s0;
	s0 =	simm.s32 @!p2 $0x0  }
0x16: {  	s3 =	sld [smem:$0x3FDB];
	s0 =	simm.s32 @p2 $0x1  }
0x17: {  	s4 =	simm.s32 $0x1BF5;
	[smem:$0x3F93] =	sst s0  }
0x18: {  	s0 =	sld [smem:$0x3F76];
	_ =	swait.ge [sflag:s4], $0x0  }
0x19: {  	s7 =	sld [smem:$0x3F77]  }
0x1a: {  	s8 =	sadd.s32 $0xFFFFE003, lr  }
0x1b: {  	s9 =	sadd.s32 $0xFFFFFEF7, lr;
	s5 =	simm.s32 $0xFFFFFFFF;
	p2 =	slt.u32 s8, $0xFFFFF086  }
0x1c: {  	p1 =	slt.u32 s9, $0xF7A;
	s5 =	simm.s32 @!p2 $0x0  }
0x1d: {  	s5 =	simm.s32 @p1 $0x1;
	p0 =	seq.s32 s7, s2  }
0x1e: {  	s7 =	smul.u32 @!p0 $0xF7A, s2;
	p2 =	seq.s32 @!p0 s5, $0x0  }
0x1f: {  	s9 =	smul.u32 $0xF7A, s1;
	s8 =	simm.s32 @!p0 $0x1BF5;
	p2 =	por !p2, p0  }
0x20: {  	[sflag:s8] =	ssyncset.s32 @!p0 $0xFFFFF086;
	s6 =	sadd.s32 @!p0 s3, s7;
	s7 =	simm.s32 @!p0 $0x108  }
0x21: {  	s3 =	sadd.s32 s3, s9;
	s6 =	sadd.s32 @!p0 $0x88, s6;
	s7 =	simm.s32 @p2 $0x1082  }
0x22: {  	[simem:s7], [sflag:s8] =	dma.local @!p0 [hbm:s6], $0xF7A  }
0x23: {  	s9 =	sor.u32 $0xD0000000, s2;
	s6 =	simm.s32 $0x108;
	_ =	swait.ge @!p0 [sflag:s8], $0x0  }
0x24: {  	s3 =	sadd.s32 $0x88, s3;
	s6 =	simm.s32 @!p1 $0x1082;
	[sflag:s4] =	ssyncset.s32 $0xFFFFF086  }
0x25: {  	[simem:s6], [sflag:s4] =	dma.local [hbm:s3], $0xF7A  }
0x26: {  	[smem:$0x3F77] =	sst s1;
	(tag) =	ssettag s2;
	_ =	strace s9  }
0x27: {  	s1 =	sld [smem:$0x3F87]  }
0x28: {  	s2 =	sld [smem:$0x3F88]  }
0x29: {  	s4 =	sld [smem:$0x3F8A]  }
0x2a: {  	p0 =	seq.s32 s5, $0x0;
	s5 =	sld [smem:$0x3F8B]  }
0x2b: {  	s6 =	sld [smem:$0x3F8C]  }
0x2c: {  	s7 =	sld [smem:$0x3F8D]  }
0x2d: {  	s3 =	simm.s32 $0x108;
	s8 =	sld [smem:$0x3F8E]  }
0x2e: {  	s3 =	simm.s32 @!p0 $0x1082;
	s9 =	sld [smem:$0x3F8F]  }
0x2f: {  	lr =	sadd.s32 s0, s3;
	s0 =	sld [smem:$0x3F86]  }
0x30: {  	s3 =	sld [smem:$0x3F89]  }
0x31: {  	[smem:$0x3F92] =	sst s10  }
0x32: {  	s10 =	sld [smem:$0x3F90];
	_ =	sdelay $0x3  }
0x33: {  	p0 =	seq.s32 s10, $0x1;
	s10 =	sld [smem:$0x3F92];
	_ =	sdelay $0x3  }
0x34: {  	[smem:$0x3F92] =	sst s10  }
0x35: {  	s10 =	sld [smem:$0x3F91];
	_ =	sdelay $0x3  }
0x36: {  	p1 =	seq.s32 s10, $0x1;
	s10 =	sld [smem:$0x3F92];
	_ =	sdelay $0x3  }
0x37: {  	[smem:$0x3F92] =	sst s10  }
0x38: {  	s10 =	sld [smem:$0x3F93]  }
0x39: {  	_ = 	snop;
	(pc) =	sbr.ind lr, $3  }
0x3a: {  	_ = 	snop  }
0x3b: {  	_ = 	snop  }
0x3c: {  	p2 =	seq.s32 s10, $0x1;
	s10 =	sld [smem:$0x3F92]  }
0x3d: {  	_ =	shalt  }
0x3e: {  	_ =	shalt  }
0x3f: {  	_ =	shalt  }
0x40: {  	_ =	shalt  }
0x41: {  	_ =	shalt  }
0x42: {  	_ =	shalt  }
0x43: {  	_ =	shalt  }
0x44: {  	_ =	shalt  }
0x45: {  	_ =	shalt  }
0x46: {  	_ =	shalt  }
0x47: {  	_ =	shalt  }
0x48: {  	_ =	shalt  }
0x49: {  	_ =	shalt  }
0x4a: {  	_ =	shalt  }
0x4b: {  	_ =	shalt  }
0x4c: {  	_ =	shalt  }
0x4d: {  	_ =	shalt  }
0x4e: {  	_ =	shalt  }
0x4f: {  	_ =	shalt  }
0x50: {  	_ =	shalt  }
0x51: {  	_ =	shalt  }
0x52: {  	_ =	shalt  }
0x53: {  	_ =	shalt  }
0x54: {  	_ =	shalt  }
0x55: {  	_ =	shalt  }
0x56: {  	_ =	shalt  }
0x57: {  	_ =	shalt  }
0x58: {  	_ =	shalt  }
0x59: {  	_ =	shalt  }
0x5a: {  	_ =	shalt  }
0x5b: {  	_ =	shalt  }
0x5c: {  	_ =	shalt  }
0x5d: {  	_ =	shalt  }
0x5e: {  	_ =	shalt  }
0x5f: {  	_ =	shalt  }
0x60: {  	_ =	shalt  }
0x61: {  	_ =	shalt  }
0x62: {  	_ =	shalt  }
0x63: {  	_ =	shalt  }
0x64: {  	_ =	shalt  }
0x65: {  	_ =	shalt  }
0x66: {  	_ =	shalt  }
0x67: {  	_ =	shalt  }
0x68: {  	_ =	shalt  }
0x69: {  	_ =	shalt  }
0x6a: {  	_ =	shalt  }
0x6b: {  	_ =	shalt  }
0x6c: {  	_ =	shalt  }
0x6d: {  	_ =	shalt  }
0x6e: {  	_ =	shalt  }
0x6f: {  	_ =	shalt  }
0x70: {  	_ =	shalt  }
0x71: {  	_ =	shalt  }
0x72: {  	_ =	shalt  }
0x73: {  	_ =	shalt  }
0x74: {  	_ =	shalt  }
0x75: {  	_ =	shalt  }
0x76: {  	_ =	shalt  }
0x77: {  	_ =	shalt  }
0x78: {  	_ =	shalt  }
0x79: {  	_ =	shalt  }
0x7a: {  	_ =	shalt  }
0x7b: {  	_ =	shalt  }
0x7c: {  	_ =	shalt  }
0x7d: {  	_ =	shalt  }
0x7e: {  	_ =	shalt  }
0x7f: {  	_ =	shalt  }
0x80: {  	_ =	shalt  }
0x81: {  	_ =	shalt  }
0x82: {  	_ =	shalt  }
0x83: {  	_ =	shalt  }
0x84: {  	_ =	shalt  }
0x85: {  	_ =	shalt  }
0x86: {  	_ =	shalt  }
0x87: {  	_ =	shalt  }
.Lfunc_end0:
.L_simem_size_0:
called_computation.1_lowered:
.L_overlay_start_0:
0x88: {  	s2 =	sld [smem:$0x3FD9]  }
0x89: {  	s3 =	sld [smem:$0x3FFE];
	_ =	sdelay $0x1  }
0x8a: {  	s1 =	srdreg.scid  }
0x8b: {  	s0 =	sand.u32 $0x1, s1  }
0x8c: {  	s15 =	sshll.u32 s0, $0xA;
	s2 =	sadd.s32 s3, s2  }
0x8d: {  	s2 =	sadd.s32 s2, s15  }
0x8e: {  	[smem:$0x3F9E] =	sst s2  }
0x8f: {  	_ = 	snop  }
0x90: {  	s2 =	sld [smem:$0x3FD0];
	_ =	sdelay $0x2  }
0x91: {  	s16 =	simm.s32 $0xB;
	s4 =	simm.s32 $0x10  }
0x92: {  	[smem:s4], [sflag:s16] =	dma.local [hbm:s2], $0x1  }
0x93: {  	_ =	swait.eq [sflag:s16], $0x1  }
0x94: {  	[sflag:s16] =	ssyncset.done $0x0  }
0x95: {  	[sflag:s16] =	ssyncadd.s32 $0xFFFFFFFF  }
0x96: {  	s17 =	sld [smem:$0x10];
	(tm) =	ssettm $0x1  }
0x97: {  	s18 =	sld [smem:$0x3FFB];
	_ =	sdelay $0x3  }
0x98: {  	_ =	strace s18  }
0x99: {  	s2 =	sld [smem:$0x3FFC];
	_ =	sdelay $0x3  }
0x9a: {  	_ =	strace s2  }
0x9b: {  	s2 =	sld [smem:$0x3FFD];
	_ =	sdelay $0x3  }
0x9c: {  	_ =	strace s2  }
0x9d: {  	_ =	strace $0x8FFFFFFF  }
0x9e: {  	s19 =	sld [smem:$0x3FDB];
	_ =	sdelay $0x1  }
0x9f: {  	s20 =	simm.s32 $_scs_section_size  }
0xa0: {  	s5 =	simm.s32 $_size__tile_overlayer_lowered;
	s6 =	simm.s32 $_tile_overlayer_lowered  }
0xa1: {  	s7 =	simm.s32 $0x1BFF;
	s21 =	sshll.u32 s6, $0x1;
	s4 =	sadd.s32 s20, s19  }
0xa2: {  	s22 =	simm.s32 $0x0;
	s5 =	sshll.u32 s5, $0x1;
	s6 =	sadd.s32 s21, s4  }
0xa3: {  	[timem:s22], [sflag:s7] =	dma.local [hbm:s6], s5  }
0xa4: {  	_ =	swait.ge [sflag:s7], s5  }
0xa5: {  	s5 =	ssub.s32 $0x0, s5;
	[sflag:s7] =	ssyncset.done $0x0  }
0xa6: {  	[sflag:s7] =	ssyncadd.s32 s5;
	_ =	sdelay $0x1  }
0xa7: {  	s23 =	simm.s32 $0x1B8B  }
0xa8: {  	_ =	swait.ge [sflag:s23], $0x1  }
0xa9: {  	[sflag:s23] =	ssyncset.done $0x0  }
0xaa: {  	[sflag:s23] =	ssyncadd.s32 $0xFFFFFFFF  }
0xab: {  	s5 =	sld [smem:$0x0]  }
0xac: {  	s6 =	sand.u32 $0xFFFFFFFE, s1  }
0xad: {  	p0 =	sne.s32 s1, s6  }
0xae: {  	s6 =	sshll.u32 @p0 s6, $0xE  }
0xaf: {  	s6 =	sadd.s32 @p0 $0x11B8D, s6;
	s7 =	sshll.u32 @p0 s5, $0x11  }
0xb0: {  	s6 =	sor.u32 @p0 s7, s6  }
0xb1: {  	[sflag:s6] =	ssyncadd.remote.s32 @p0 $0x1;
	_ =	sdelay $0x1  }
0xb2: {  	s6 =	simm.s32 @p0 $0x1B8D  }
0xb3: {  	_ =	swait.eq @p0 [sflag:s6], $0x1  }
0xb4: {  	[sflag:s6] =	ssyncadd.s32 @p0 $0xFFFFFFFF  }
0xb5: {  	s7 =	sshll.u32 @!p0 s1, $0xE  }
0xb6: {  	s7 =	sor.u32 @!p0 $0x4000, s7;
	s6 =	simm.s32 @!p0 $0x1B8D  }
0xb7: {  	s5 =	sshll.u32 @!p0 s5, $0x11;
	s7 =	sadd.s32 @!p0 $0x11B8D, s7;
	_ =	swait.eq @!p0 [sflag:s6], $0x1  }
0xb8: {  	s5 =	sor.u32 @!p0 s5, s7;
	[sflag:s6] =	ssyncadd.s32 @!p0 $0xFFFFFFFF  }
0xb9: {  	s25 =	simm.s32 $0x1B8E;
	s24 =	sld [smem:$0x3FFE];
	[sflag:s5] =	ssyncadd.remote.s32 @!p0 $0x1  }
0xba: {  	s26 =	simm.s32 $execute0_lowered;
	[smem:$0x3FD2] =	sst s25  }
0xbb: {  	s6 =	sshll.u32 s26, $0x1;
	_ =	strace $0x80000049;
	[dreg:$0x1] =	wrdreg $0xFFFFFFFF  }
0xbc: {  	s28 =	simm.s32 $_size_execute0_lowered;
	s4 =	sadd.s32 s4, s6;
	[dreg:$0x0] =	wrdreg $0x0  }
0xbd: {  	s6 =	sshll.u32 s28, $0x1;
	[dreg:$0x2] =	wrdreg s4  }
0xbe: {  	[dreg:$0x3] =	wrdreg s6  }
0xbf: {  	[dreg:$0x4] =	wrdreg $0xC0  }
0xc0: {  	_ =	task [dreg:s22], $0x5FFFF  }
0xc1: {  	[dreg:$0x1] =	wrdreg $0xFFFFFFFF  }
0xc2: {  	[dreg:$0x0] =	wrdreg $0x60  }
0xc3: {  	[dreg:$0x2] =	wrdreg s17  }
0xc4: {  	[dreg:$0x3] =	wrdreg s24  }
0xc5: {  	[dreg:$0x4] =	wrdreg $0xA  }
0xc6: {  	_ =	task.clear_ibuf [dreg:s22], $0x5FFFF;
	_ =	strace $0x90000049  }
0xc7: {  	s29 =	simm.s32 $0xA;
	_ =	strace $0x8000004B  }
0xc8: {  	_ =	swait.ge [sflag:s29], $0x1  }
0xc9: {  	[sflag:s29] =	ssyncadd.s32 $0xFFFFFFFF  }
0xca: {  	_ =	strace $0x9000004B  }
0xcb: {  	_ =	sfence  }
0xcc: {  	s30 =	sld [smem:$0x0];
	_ =	sdelay $0x2  }
0xcd: {  	s31 =	sshll.u32 s1, $0xD;
	s1 =	sshrl.u32 s1, $0x2  }
0xce: {  	s4 =	sand.u32 $0x4000, s31;
	s1 =	sadd.s32 s1, s30  }
0xcf: {  	s0 =	sor.u32 s4, s0;
	s1 =	sshll.u32 s1, $0x11  }
0xd0: {  	s0 =	sor.u32 s1, s0  }
0xd1: {  	s0 =	sadd.s32 $0x8F2B, s0  }
0xd2: {  	[sflag:s0] =	ssyncadd.remote.s32 $0x1  }
0xd3: {  	_ =	sfence.sel $0xFFFF  }
0xd4: {  	[dreg:$0x0] =	wrdreg $0xFFFFFFFF;
	(pc) =	sbr.abs _section_cstart, $3  }
0xd5: {  	[dreg:$0x1] =	wrdreg $0xFFFFFFFF  }
0xd6: {  	_ =	task.clear_ibuf [dreg:s22], $0x2FFFF;
	_ =	strace $0x9FFFFFFF  }
0xd7: {  	(tm) =	ssettm $0x7FFFFFFF  }
tec
execute0_lowered:
.L_overlay_start_1:
0x0: {  	(tag) =	ssettag $0x1  }
0x1: {  	s2 =	rddreg [dreg:$0x0]  }
0x2: {  	s4 =	rddreg [dreg:$0x1]  }
0x3: {  	s0 =	rddreg [dreg:$0x2];
	s1 =	stileid.u32  }
0x4: {  	s6 =	srdreg.scid;
	s5 =	smul.u32 $0x9E0, s1  }
0x5: {  	s3 =	simm.s32 $0x0;
	s7 =	smul.u32 $0x4F000, s1;
	s6 =	sand.u32 $0x1, s6  }
0x6: {  	[smem:$0x7FF] =	sst s3;
	s8 =	ssub.s32 $0x2, s6;
	s9 =	smul.u32 $0x27800, s6  }
0x7: {  	_ =	strace $0x8000004A;
	s6 =	smul.u32 $0x4F0, s6;
	s10 =	sshrl.u32 s8, $0x1  }
0x8: {  	s5 =	sadd.s32 s5, s4;
	s7 =	sadd.s32 s7, s4;
	s31 =	ssub.s32 s8, s10  }
0x9: {  	s7 =	sadd.s32 s9, s7;
	s6 =	sadd.s32 s6, s5;
	s8 =	simm.s32 $0x80  }
0xa: {  	s9 =	simm.s32 $0x1;
	s10 =	simm.s32 $0x0;
	s4 =	smax.u32 s31, $0x1  }
0xb: {  	s5 =	sadd.s32 $0x14A0200, s7;
	s6 =	sadd.s32 $0x9000, s6;
	s7 =	simm.s32 $0x2  }
.LBB2_1:
0xc: {  	s11 =	sadd.s32 $0x0, s6  }
0xd: {  	[tilespmem:s3], [sflag:$0x2] =	stream.linear.gather [hbm4b:s11+s3], $0x80, $0x38;
	[tilespmem:$0x4080] =	vst v63  }
0xe: {  	_ =	swait.ge [sflag:s7], $0x80  }
0xf: {  	[sflag:s7] =	ssyncset.done $0x0  }
0x10: {  	[sflag:s7] =	ssyncadd.s32 $0xFFFFFF80  }
0x11: {  	[tilespmem:s8], [sflag:$0x1] =	stream.indirect.gather [hbm4b:s2+s8], $0x80, s3, s8, $0xb8;
	[tilespmem:$0x4080] =	vst v63  }
0x12: {  	_ =	swait.ge [sflag:s9], $0x4000  }
0x13: {  	[sflag:s9] =	ssyncset.done $0x0  }
0x14: {  	[sflag:s9] =	ssyncadd.s32 $0xFFFFC000  }
0x15: {  	[hbm4b:s5+s3] =	stream.linear.scatter [tilespmem:s8], [sflag:$0x2], $0x4000, $0x38;
	[tilespmem:$0x4080] =	vst v63  }
0x16: {  	s12 =	simm.s32 $0x10;
	_ =	swait.ge [sflag:s7], $0x4000  }
0x17: {  	s13 =	simm.s32 $0x20;
	s11 =	sadd.s32 $0x800, s5;
	[sflag:s7] =	ssyncset.done $0x0  }
.LBB2_2:
0x18: {  	s14 =	sadd.s32 s12, s6  }
0x19: {  	[sflag:s7] =	ssyncadd.s32 $0xFFFFC000;
	s12 =	smov.u32 s13;
	s15 =	sadd.s32 $0x10, s13  }
0x1a: {  	[tilespmem:s3], [sflag:$0x2] =	stream.linear.gather [hbm4b:s14+s3], $0x80, $0x38;
	[tilespmem:$0x4080] =	vst v63  }
0x1b: {  	p0 =	sne.s32 s13, $0x4E0;
	_ =	swait.ge [sflag:s7], $0x80  }
0x1c: {  	[sflag:s7] =	ssyncset.done $0x0  }
0x1d: {  	[sflag:s7] =	ssyncadd.s32 $0xFFFFFF80  }
0x1e: {  	[tilespmem:s8], [sflag:$0x1] =	stream.indirect.gather [hbm4b:s2+s8], $0x80, s3, s8, $0xb8;
	[tilespmem:$0x4080] =	vst v63  }
0x1f: {  	_ =	swait.ge [sflag:s9], $0x4000  }
.Ltmp0:
0x20: {  	[sflag:s9] =	ssyncset.done $0x0;
	(pc) =	sbr.rel @p0 .LBB2_2-.Ltmp0, $4  }
0x21: {  	[sflag:s9] =	ssyncadd.s32 $0xFFFFC000  }
0x22: {  	[hbm4b:s11+s3] =	stream.linear.scatter [tilespmem:s8], [sflag:$0x2], $0x4000, $0x38;
	[tilespmem:$0x4080] =	vst v63  }
0x23: {  	_ =	swait.ge [sflag:s7], $0x4000  }
0x24: {  	s13 =	smov.u32 s15;
	s11 =	sadd.s32 $0x800, s11;
	[sflag:s7] =	ssyncset.done $0x0  }
0x25: {  	s12 =	sadd.s32 s12, s6;
	[sflag:s7] =	ssyncadd.s32 $0xFFFFC000  }
0x26: {  	[tilespmem:s3], [sflag:$0x2] =	stream.linear.gather [hbm4b:s12+s3], $0x80, $0x38;
	[tilespmem:$0x4080] =	vst v63  }
0x27: {  	_ =	swait.ge [sflag:s7], $0x80  }
0x28: {  	[sflag:s7] =	ssyncset.done $0x0  }
0x29: {  	[sflag:s7] =	ssyncadd.s32 $0xFFFFFF80  }
0x2a: {  	[tilespmem:s8], [sflag:$0x1] =	stream.indirect.gather [hbm4b:s2+s8], $0x80, s3, s8, $0xb8;
	[tilespmem:$0x4080] =	vst v63  }
0x2b: {  	s10 =	sadd.s32 $0x1, s10;
	_ =	swait.ge [sflag:s9], $0x4000  }
0x2c: {  	p0 =	sne.s32 s10, s4;
	[sflag:s9] =	ssyncset.done $0x0  }
.Ltmp1:
0x2d: {  	[sflag:s9] =	ssyncadd.s32 $0xFFFFC000;
	(pc) =	sbr.rel @p0 .LBB2_1-.Ltmp1, $4  }
0x2e: {  	[hbm4b:s11+s3] =	stream.linear.scatter [tilespmem:s8], [sflag:$0x2], $0x4000, $0x38;
	[tilespmem:$0x4080] =	vst v63  }
0x2f: {  	_ =	swait.ge [sflag:s7], $0x4000  }
0x30: {  	[sflag:s7] =	ssyncset.done $0x0  }
0x31: {  	[sflag:s7] =	ssyncadd.s32 $0xFFFFC000  }
0x32: {  	_ =	sfence.sel $0x180000  }
0x33: {  	[bflag:$0x0] =	sbarrier.arrive $0xFFFF  }
0x34: {  	p0 =	sne.s32 s1, $0x0;
	_ =	strace $0x9000004A  }
0x35: {  	s0 =	sadd.s32 @!p0 $0x100000, s0;
	[bflag:$0x2] =	sbarrier.arrive $0xFFFF  }
0x36: {  	[sflag:s0] =	ssyncadd.tile.s32 @!p0 $0x1;
	_ =	shalt  }
.Lfunc_end2:
_tile_overlayer_lowered:
.L_overlay_start_2:
0x37: {  	(tag) =	ssettag $0x2  }
0x38: {  	s0 =	rddreg [dreg:$0x0];
	s2 =	stileid.u32  }
0x39: {  	s1 =	rddreg [dreg:$0x1];
	p0 =	sne.s32 s2, $0x0  }
0x3a: {  	s3 =	rddreg [dreg:$0x2];
	[bflag:$0x3] =	sbarrier.arrive $0xFFFF;
	s2 =	simm.s32 @!p0 $0x1C02  }
0x3b: {  	[timem:s3], [sflag:s2] =	dma.local @!p0 [hbm:s0], s1  }
0x3c: {  	s0 =	simm.s32 @!p0 $0x2  }
0x3d: {  	_ =	swait.ge @!p0 [sflag:s0], s1  }
0x3e: {  	s1 =	ssub.s32 @!p0 $0x0, s1;
	[sflag:s0] =	ssyncset.done @!p0 $0x0  }
0x3f: {  	[sflag:s0] =	ssyncadd.s32 @!p0 s1  }
0x40: {  	[bflag:$0x3] =	sbarrier.arrive $0xFFFF  }
0x41: {  	_ =	shalt  }

// kernel: kernel.20.cloned.1.call-start
scs
__scs_entry_jumppad:
0x0: {  	(pc) =	sbr.rel $0x88, $3  }
0x1: {  	(tag) =	ssettag $0x0;
	lr =	simm.s32 $0x1  }
0x2: {  	[smem:$0x3F77] =	sst lr;
	_ =	strace $0xD0000000  }
0x3: {  	_ = 	snop  }
0x4: {  	_ = 	snop  }
0x5: {  	_ = 	snop  }
0x6: {  	_ = 	snop  }
0x7: {  	_ = 	snop  }
__scs_overlays_trampoline_lowered:
0x8: {  	[smem:$0x3F86] =	sst s0  }
0x9: {  	[smem:$0x3F87] =	sst s1  }
0xa: {  	[smem:$0x3F88] =	sst s2  }
0xb: {  	[smem:$0x3F89] =	sst s3  }
0xc: {  	[smem:$0x3F8A] =	sst s4  }
0xd: {  	[smem:$0x3F8B] =	sst s5  }
0xe: {  	[smem:$0x3F8C] =	sst s6  }
0xf: {  	[smem:$0x3F8D] =	sst s7  }
0x10: {  	[smem:$0x3F8E] =	sst s8  }
0x11: {  	[smem:$0x3F8F] =	sst s9;
	s0 =	simm.s32 @!p0 $0x0  }
0x12: {  	s1 =	sld [smem:$0x3F75];
	s0 =	simm.s32 @p0 $0x1  }
0x13: {  	[smem:$0x3F90] =	sst s0;
	s0 =	simm.s32 @!p1 $0x0  }
0x14: {  	s2 =	sld [smem:$0x3F74];
	s0 =	simm.s32 @p1 $0x1  }
0x15: {  	[smem:$0x3F91] =	sst s0;
	s0 =	simm.s32 @!p2 $0x0  }
0x16: {  	s3 =	sld [smem:$0x3FDB];
	s0 =	simm.s32 @p2 $0x1  }
0x17: {  	s4 =	simm.s32 $0x1BF5;
	[smem:$0x3F93] =	sst s0  }
0x18: {  	s0 =	sld [smem:$0x3F76];
	_ =	swait.ge [sflag:s4], $0x0  }
0x19: {  	s7 =	sld [smem:$0x3F77]  }
0x1a: {  	s8 =	sadd.s32 $0xFFFFE003, lr  }
0x1b: {  	s9 =	sadd.s32 $0xFFFFFEF7, lr;
	s5 =	simm.s32 $0xFFFFFFFF;
	p2 =	slt.u32 s8, $0xFFFFF086  }
0x1c: {  	p1 =	slt.u32 s9, $0xF7A;
	s5 =	simm.s32 @!p2 $0x0  }
0x1d: {  	s5 =	simm.s32 @p1 $0x1;
	p0 =	seq.s32 s7, s2  }
0x1e: {  	s7 =	smul.u32 @!p0 $0xF7A, s2;
	p2 =	seq.s32 @!p0 s5, $0x0  }
0x1f: {  	s9 =	smul.u32 $0xF7A, s1;
	s8 =	simm.s32 @!p0 $0x1BF5;
	p2 =	por !p2, p0  }
0x20: {  	[sflag:s8] =	ssyncset.s32 @!p0 $0xFFFFF086;
	s6 =	sadd.s32 @!p0 s3, s7;
	s7 =	simm.s32 @!p0 $0x108  }
0x21: {  	s3 =	sadd.s32 s3, s9;
	s6 =	sadd.s32 @!p0 $0x88, s6;
	s7 =	simm.s32 @p2 $0x1082  }
0x22: {  	[simem:s7], [sflag:s8] =	dma.local @!p0 [hbm:s6], $0xF7A  }
0x23: {  	s9 =	sor.u32 $0xD0000000, s2;
	s6 =	simm.s32 $0x108;
	_ =	swait.ge @!p0 [sflag:s8], $0x0  }
0x24: {  	s3 =	sadd.s32 $0x88, s3;
	s6 =	simm.s32 @!p1 $0x1082;
	[sflag:s4] =	ssyncset.s32 $0xFFFFF086  }
0x25: {  	[simem:s6], [sflag:s4] =	dma.local [hbm:s3], $0xF7A  }
0x26: {  	[smem:$0x3F77] =	sst s1;
	(tag) =	ssettag s2;
	_ =	strace s9  }
0x27: {  	s1 =	sld [smem:$0x3F87]  }
0x28: {  	s2 =	sld [smem:$0x3F88]  }
0x29: {  	s4 =	sld [smem:$0x3F8A]  }
0x2a: {  	p0 =	seq.s32 s5, $0x0;
	s5 =	sld [smem:$0x3F8B]  }
0x2b: {  	s6 =	sld [smem:$0x3F8C]  }
0x2c: {  	s7 =	sld [smem:$0x3F8D]  }
0x2d: {  	s3 =	simm.s32 $0x108;
	s8 =	sld [smem:$0x3F8E]  }
0x2e: {  	s3 =	simm.s32 @!p0 $0x1082;
	s9 =	sld [smem:$0x3F8F]  }
0x2f: {  	lr =	sadd.s32 s0, s3;
	s0 =	sld [smem:$0x3F86]  }
0x30: {  	s3 =	sld [smem:$0x3F89]  }
0x31: {  	[smem:$0x3F92] =	sst s10  }
0x32: {  	s10 =	sld [smem:$0x3F90];
	_ =	sdelay $0x3  }
0x33: {  	p0 =	seq.s32 s10, $0x1;
	s10 =	sld [smem:$0x3F92];
	_ =	sdelay $0x3  }
0x34: {  	[smem:$0x3F92] =	sst s10  }
0x35: {  	s10 =	sld [smem:$0x3F91];
	_ =	sdelay $0x3  }
0x36: {  	p1 =	seq.s32 s10, $0x1;
	s10 =	sld [smem:$0x3F92];
	_ =	sdelay $0x3  }
0x37: {  	[smem:$0x3F92] =	sst s10  }
0x38: {  	s10 =	sld [smem:$0x3F93]  }
0x39: {  	_ = 	snop;
	(pc) =	sbr.ind lr, $3  }
0x3a: {  	_ = 	snop  }
0x3b: {  	_ = 	snop  }
0x3c: {  	p2 =	seq.s32 s10, $0x1;
	s10 =	sld [smem:$0x3F92]  }
0x3d: {  	_ =	shalt  }
0x3e: {  	_ =	shalt  }
0x3f: {  	_ =	shalt  }
0x40: {  	_ =	shalt  }
0x41: {  	_ =	shalt  }
0x42: {  	_ =	shalt  }
0x43: {  	_ =	shalt  }
0x44: {  	_ =	shalt  }
0x45: {  	_ =	shalt  }
0x46: {  	_ =	shalt  }
0x47: {  	_ =	shalt  }
0x48: {  	_ =	shalt  }
0x49: {  	_ =	shalt  }
0x4a: {  	_ =	shalt  }
0x4b: {  	_ =	shalt  }
0x4c: {  	_ =	shalt  }
0x4d: {  	_ =	shalt  }
0x4e: {  	_ =	shalt  }
0x4f: {  	_ =	shalt  }
0x50: {  	_ =	shalt  }
0x51: {  	_ =	shalt  }
0x52: {  	_ =	shalt  }
0x53: {  	_ =	shalt  }
0x54: {  	_ =	shalt  }
0x55: {  	_ =	shalt  }
0x56: {  	_ =	shalt  }
0x57: {  	_ =	shalt  }
0x58: {  	_ =	shalt  }
0x59: {  	_ =	shalt  }
0x5a: {  	_ =	shalt  }
0x5b: {  	_ =	shalt  }
0x5c: {  	_ =	shalt  }
0x5d: {  	_ =	shalt  }
0x5e: {  	_ =	shalt  }
0x5f: {  	_ =	shalt  }
0x60: {  	_ =	shalt  }
0x61: {  	_ =	shalt  }
0x62: {  	_ =	shalt  }
0x63: {  	_ =	shalt  }
0x64: {  	_ =	shalt  }
0x65: {  	_ =	shalt  }
0x66: {  	_ =	shalt  }
0x67: {  	_ =	shalt  }
0x68: {  	_ =	shalt  }
0x69: {  	_ =	shalt  }
0x6a: {  	_ =	shalt  }
0x6b: {  	_ =	shalt  }
0x6c: {  	_ =	shalt  }
0x6d: {  	_ =	shalt  }
0x6e: {  	_ =	shalt  }
0x6f: {  	_ =	shalt  }
0x70: {  	_ =	shalt  }
0x71: {  	_ =	shalt  }
0x72: {  	_ =	shalt  }
0x73: {  	_ =	shalt  }
0x74: {  	_ =	shalt  }
0x75: {  	_ =	shalt  }
0x76: {  	_ =	shalt  }
0x77: {  	_ =	shalt  }
0x78: {  	_ =	shalt  }
0x79: {  	_ =	shalt  }
0x7a: {  	_ =	shalt  }
0x7b: {  	_ =	shalt  }
0x7c: {  	_ =	shalt  }
0x7d: {  	_ =	shalt  }
0x7e: {  	_ =	shalt  }
0x7f: {  	_ =	shalt  }
0x80: {  	_ =	shalt  }
0x81: {  	_ =	shalt  }
0x82: {  	_ =	shalt  }
0x83: {  	_ =	shalt  }
0x84: {  	_ =	shalt  }
0x85: {  	_ =	shalt  }
0x86: {  	_ =	shalt  }
0x87: {  	_ =	shalt  }
.Lfunc_end0:
.L_simem_size_0:
called_computation.2_lowered:
.L_overlay_start_0:
0x88: {  	s2 =	sld [smem:$0x3FD9]  }
0x89: {  	s3 =	sld [smem:$0x3FFE];
	_ =	sdelay $0x1  }
0x8a: {  	s1 =	srdreg.scid  }
0x8b: {  	s0 =	sand.u32 $0x1, s1  }
0x8c: {  	s16 =	sshll.u32 s0, $0xA;
	s2 =	sadd.s32 s3, s2  }
0x8d: {  	s2 =	sadd.s32 s2, s16  }
0x8e: {  	[smem:$0x3F9E] =	sst s2  }
0x8f: {  	_ = 	snop  }
0x90: {  	(tm) =	ssettm $0x1  }
0x91: {  	s17 =	sld [smem:$0x3FFB];
	_ =	sdelay $0x3  }
0x92: {  	_ =	strace s17  }
0x93: {  	s2 =	sld [smem:$0x3FFC];
	_ =	sdelay $0x3  }
0x94: {  	_ =	strace s2  }
0x95: {  	s2 =	sld [smem:$0x3FFD];
	_ =	sdelay $0x3  }
0x96: {  	_ =	strace s2  }
0x97: {  	_ =	strace $0x8FFFFFFF  }
0x98: {  	s18 =	sld [smem:$0x3FDB];
	_ =	sdelay $0x1  }
0x99: {  	s19 =	simm.s32 $_scs_section_size  }
0x9a: {  	s4 =	simm.s32 $_size__tile_overlayer_lowered;
	s5 =	simm.s32 $_tile_overlayer_lowered  }
0x9b: {  	s22 =	simm.s32 $0x1BFF;
	s21 =	sshll.u32 s5, $0x1;
	s2 =	sadd.s32 s19, s18  }
0x9c: {  	s6 =	simm.s32 $0x0;
	s20 =	sshll.u32 s4, $0x1;
	s4 =	sadd.s32 s21, s2  }
0x9d: {  	[timem:s6], [sflag:s22] =	dma.local [hbm:s4], s20  }
0x9e: {  	_ =	swait.ge [sflag:s22], s20  }
0x9f: {  	s3 =	ssub.s32 $0x0, s20;
	[sflag:s22] =	ssyncset.done $0x0  }
0xa0: {  	[sflag:s22] =	ssyncadd.s32 s3;
	_ =	sdelay $0x1  }
0xa1: {  	s23 =	simm.s32 $0x1B8B  }
0xa2: {  	_ =	swait.ge [sflag:s23], $0x1  }
0xa3: {  	[sflag:s23] =	ssyncset.done $0x0  }
0xa4: {  	s25 =	simm.s32 $0x1B8E;
	s24 =	sld [smem:$0x3FFE];
	[sflag:s23] =	ssyncadd.s32 $0xFFFFFFFF  }
0xa5: {  	s26 =	simm.s32 $execute0_lowered;
	[smem:$0x3FD2] =	sst s25  }
0xa6: {  	s4 =	sshll.u32 s26, $0x1;
	_ =	strace $0x8000004C;
	[dreg:$0x1] =	wrdreg $0xFFFFFFFF  }
0xa7: {  	s28 =	simm.s32 $_size_execute0_lowered;
	s2 =	sadd.s32 s2, s4;
	[dreg:$0x0] =	wrdreg $0x0  }
0xa8: {  	s4 =	sshll.u32 s28, $0x1;
	[dreg:$0x2] =	wrdreg s2  }
0xa9: {  	[dreg:$0x3] =	wrdreg s4  }
0xaa: {  	[dreg:$0x4] =	wrdreg $0xC0  }
0xab: {  	_ =	task [dreg:s6], $0x5FFFF  }
0xac: {  	[dreg:$0x1] =	wrdreg $0xFFFFFFFF  }
0xad: {  	[dreg:$0x0] =	wrdreg $0x60  }
0xae: {  	[dreg:$0x2] =	wrdreg s24  }
0xaf: {  	[dreg:$0x3] =	wrdreg $0x9  }
0xb0: {  	_ =	task.clear_ibuf [dreg:s6], $0x4FFFF;
	_ =	strace $0x9000004C  }
0xb1: {  	s29 =	simm.s32 $0x9;
	_ =	strace $0x8000004E  }
0xb2: {  	_ =	swait.ge [sflag:s29], $0x1  }
0xb3: {  	[sflag:s29] =	ssyncadd.s32 $0xFFFFFFFF  }
0xb4: {  	_ =	strace $0x9000004E  }
0xb5: {  	_ =	sfence  }
0xb6: {  	s30 =	sld [smem:$0x0];
	_ =	sdelay $0x2  }
0xb7: {  	s31 =	sshll.u32 s1, $0xD;
	s1 =	sshrl.u32 s1, $0x2  }
0xb8: {  	s3 =	sand.u32 $0x4000, s31;
	s1 =	sadd.s32 s1, s30  }
0xb9: {  	s0 =	sor.u32 s3, s0;
	s1 =	sshll.u32 s1, $0x11  }
0xba: {  	s0 =	sor.u32 s1, s0  }
0xbb: {  	s0 =	sadd.s32 $0x8F2B, s0  }
0xbc: {  	[sflag:s0] =	ssyncadd.remote.s32 $0x1  }
0xbd: {  	_ =	sfence.sel $0xFFFF  }
0xbe: {  	[dreg:$0x0] =	wrdreg $0xFFFFFFFF;
	(pc) =	sbr.abs _section_cstart, $3  }
0xbf: {  	[dreg:$0x1] =	wrdreg $0xFFFFFFFF  }
0xc0: {  	_ =	task.clear_ibuf [dreg:s6], $0x2FFFF;
	_ =	strace $0x9FFFFFFF  }
0xc1: {  	(tm) =	ssettm $0x7FFFFFFF  }
tec
execute0_lowered:
.L_overlay_start_1:
0x0: {  	(tag) =	ssettag $0x1  }
0x1: {  	s4 =	rddreg [dreg:$0x0];
	s2 =	simm.s32 $0x0  }
0x2: {  	s12 =	simm.s32 $0x80;
	[smem:$0x7FF] =	sst s2  }
0x3: {  	s13 =	simm.s32 $0x900;
	_ =	strace $0x8000004D;
	[dreg:$0x4] =	wrdreg s12  }
0x4: {  	s0 =	stileid.u32;
	s6 =	simm.s32 $0x1100;
	[dreg:$0x5] =	wrdreg s13  }
0x5: {  	s1 =	srdreg.scid;
	s15 =	simm.s32 $0x1900;
	[dreg:$0x6] =	wrdreg s6  }
0x6: {  	s16 =	simm.s32 $0x2100;
	s18 =	simm.s32 $0x2900;
	[dreg:$0x7] =	wrdreg s15  }
0x7: {  	s19 =	simm.s32 $0x3100;
	s20 =	simm.s32 $0x3900;
	[dreg:$0x8] =	wrdreg s16  }
0x8: {  	s21 =	simm.s32 $0x4100;
	s23 =	simm.s32 $0x4900;
	[dreg:$0x9] =	wrdreg s18  }
0x9: {  	s24 =	simm.s32 $0x5100;
	s25 =	simm.s32 $0x5900;
	[dreg:$0xa] =	wrdreg s19  }
0xa: {  	s26 =	simm.s32 $0x6100;
	s30 =	simm.s32 $0x6900;
	[dreg:$0xb] =	wrdreg s20  }
0xb: {  	s8 =	simm.s32 $0x100;
	s31 =	simm.s32 $0x7100;
	[dreg:$0xc] =	wrdreg s21  }
0xc: {  	s9 =	simm.s32 $0x7900;
	s10 =	simm.s32 $0x8100;
	[dreg:$0xd] =	wrdreg s23  }
0xd: {  	s11 =	simm.s32 $0x8900;
	s28 =	simm.s32 $0x2;
	[dreg:$0xe] =	wrdreg s24  }
0xe: {  	s29 =	simm.s32 $0x0;
	s3 =	smul.u32 $0x9E0, s0;
	[dreg:$0xf] =	wrdreg s25  }
0xf: {  	s1 =	sand.u32 $0x1, s1;
	s14 =	smul.u32 $0x9E000, s0;
	[dreg:$0x10] =	wrdreg s26  }
0x10: {  	s5 =	smul.u32 $0x4F0, s1;
	s17 =	ssub.s32 $0x2, s1;
	[dreg:$0x11] =	wrdreg s30  }
0x11: {  	s1 =	smul.u32 $0x4F000, s1;
	[dreg:$0x12] =	wrdreg s31;
	s12 =	simm.s32 $0x9100  }
0x12: {  	s13 =	simm.s32 $0x9900;
	s15 =	simm.s32 $0xA900;
	s16 =	simm.s32 $0xB100  }
0x13: {  	s18 =	simm.s32 $0xC100;
	s19 =	simm.s32 $0xC900;
	s20 =	simm.s32 $0xD100  }
0x14: {  	s21 =	simm.s32 $0xD900;
	s23 =	simm.s32 $0xE900;
	s24 =	simm.s32 $0xF100  }
0x15: {  	s25 =	simm.s32 $0xF900;
	s3 =	sadd.s32 s3, s4;
	s7 =	sshrl.u32 s17, $0x1  }
0x16: {  	s26 =	simm.s32 $0x1;
	s3 =	sadd.s32 s5, s3;
	s6 =	ssub.s32 s17, s7  }
0x17: {  	s7 =	simm.s32 $0x3;
	s17 =	simm.s32 $0xB900;
	s5 =	sadd.s32 $0x12E00, s3  }
0x18: {  	s3 =	sadd.s32 $0x9000, s3;
	s22 =	smax.u32 s6, $0x1;
	[dreg:$0x2] =	wrdreg s5  }
0x19: {  	v2 =	vlaneseq.u32;
	[dreg:$0x3] =	wrdreg s3;
	s3 =	sadd.s32 $0x1E99A00, s4;
	s5 =	sadd.s32 s14, s4  }
0x1a: {  	vm0 =	vmmov $0xffff;
	v1 =	vshrl.u32 v2, $0x3;
	[dreg:$0x13] =	wrdreg s22;
	s14 =	simm.s32 $0xA100;
	s1 =	sadd.s32 s1, s5  }
0x1b: {  	v0 =	vand.u32 $0x7, v2;
	v2 =	vor.u32 $0x8, v2;
	v1 =	vmul.u32 $0x8, v1;
	s22 =	simm.s32 $0xE100;
	s5 =	sadd.s32 $0x43E00, s1;
	s6 =	sadd.s32 $0x1EE7C00, s1  }
.LBB2_1:
0x1c: {  	s30 =	smov.u32 s6;
	s31 =	smov.u32 s5;
	s1 =	simm.s32 $0x0  }
.LBB2_2:
0x1d: {  	s0 =	rddreg [dreg:$0x3]  }
0x1e: {  	s0 =	sadd.s32 s1, s0  }
0x1f: {  	[tilespmem:s2], [sflag:$0x3] =	stream.linear.gather [hbm4b:s0+s2], $0x80, $0x38;
	[tilespmem:$0x10100] =	vst v63  }
0x20: {  	_ =	swait.ge [sflag:s7], $0x80  }
0x21: {  	s0 =	rddreg [dreg:$0x2];
	[sflag:s7] =	ssyncset.done $0x0  }
0x22: {  	s4 =	rddreg [dreg:$0x4];
	[sflag:s7] =	ssyncadd.s32 $0xFFFFFF80;
	s0 =	sadd.s32 s1, s0  }
0x23: {  	[tilespmem:s4], [sflag:$0x3] =	stream.linear.gather [hbm4b:s0+s2], $0x80, $0x38;
	[tilespmem:$0x10100] =	vst v63  }
0x24: {  	_ =	swait.ge [sflag:s7], $0x80  }
0x25: {  	[sflag:s7] =	ssyncset.done $0x0  }
0x26: {  	[sflag:s7] =	ssyncadd.s32 $0xFFFFFF80  }
0x27: {  	v3 =	vld [tilespmem:$0x0];
	_ =	sdelay $0x4  }
0x28: {  	v4 =	vshll.u32 v3, $0x1  }
0x29: {  	v3 =	vand.u32 $0x7, v3;
	v4 =	vand.u32 $0xFFFFFFF0, v4  }
0x2a: {  	v3 =	vor.u32 v3, v4  }
0x2b: {  	v4 =	vperm.xlane v3, v0;
	_ =	sdelay $0x1  }
0x2c: {  	v3 =	vperm.xlane v3, v2;
	v4 =	vadd.s32 v1, v4;
	_ =	sdelay $0x1  }
0x2d: {  	v3 =	vadd.s32 v1, v3;
	_ =	sdelay $0x2  }
0x2e: {  	[tilespmem:s8], [sflag:$0x1] =	stream.indirect_vreg.gather [hbm4b:s3+s2], $0x80, v4, vm0, $0xb8;
	[tilespmem:$0x10100] =	vst v63  }
0x2f: {  	s4 =	rddreg [dreg:$0x5]  }
0x30: {  	[tilespmem:s4], [sflag:$0x1] =	stream.indirect_vreg.gather [hbm4b:s3+s2], $0x80, v3, vm0, $0xb8;
	[tilespmem:$0x10100] =	vst v63  }
0x31: {  	v3 =	vld [tilespmem:$0x10];
	_ =	sdelay $0x4  }
0x32: {  	v49 =	vshll.u32 v3, $0x1  }
0x33: {  	v3 =	vand.u32 $0x7, v3;
	v4 =	vand.u32 $0xFFFFFFF0, v49  }
0x34: {  	v3 =	vor.u32 v3, v4  }
0x35: {  	v4 =	vperm.xlane v3, v0;
	_ =	sdelay $0x1  }
0x36: {  	v3 =	vperm.xlane v3, v2;
	v4 =	vadd.s32 v1, v4;
	_ =	sdelay $0x1  }
0x37: {  	v3 =	vadd.s32 v1, v3;
	_ =	sdelay $0x1  }
0x38: {  	s0 =	rddreg [dreg:$0x6]  }
0x39: {  	[tilespmem:s0], [sflag:$0x1] =	stream.indirect_vreg.gather [hbm4b:s3+s2], $0x80, v4, vm0, $0xb8;
	[tilespmem:$0x10100] =	vst v63  }
0x3a: {  	s4 =	rddreg [dreg:$0x7]  }
0x3b: {  	[tilespmem:s4], [sflag:$0x1] =	stream.indirect_vreg.gather [hbm4b:s3+s2], $0x80, v3, vm0, $0xb8;
	[tilespmem:$0x10100] =	vst v63  }
0x3c: {  	v3 =	vld [tilespmem:$0x20];
	_ =	sdelay $0x4  }
0x3d: {  	v50 =	vshll.u32 v3, $0x1  }
0x3e: {  	v3 =	vand.u32 $0x7, v3;
	v4 =	vand.u32 $0xFFFFFFF0, v50  }
0x3f: {  	v3 =	vor.u32 v3, v4  }
0x40: {  	v4 =	vperm.xlane v3, v0;
	_ =	sdelay $0x1  }
0x41: {  	v3 =	vperm.xlane v3, v2;
	v4 =	vadd.s32 v1, v4;
	_ =	sdelay $0x1  }
0x42: {  	v3 =	vadd.s32 v1, v3;
	_ =	sdelay $0x1  }
0x43: {  	s0 =	rddreg [dreg:$0x8]  }
0x44: {  	[tilespmem:s0], [sflag:$0x1] =	stream.indirect_vreg.gather [hbm4b:s3+s2], $0x80, v4, vm0, $0xb8;
	[tilespmem:$0x10100] =	vst v63  }
0x45: {  	s4 =	rddreg [dreg:$0x9]  }
0x46: {  	[tilespmem:s4], [sflag:$0x1] =	stream.indirect_vreg.gather [hbm4b:s3+s2], $0x80, v3, vm0, $0xb8;
	[tilespmem:$0x10100] =	vst v63  }
0x47: {  	v3 =	vld [tilespmem:$0x30];
	_ =	sdelay $0x4  }
0x48: {  	v51 =	vshll.u32 v3, $0x1  }
0x49: {  	v3 =	vand.u32 $0x7, v3;
	v4 =	vand.u32 $0xFFFFFFF0, v51  }
0x4a: {  	v3 =	vor.u32 v3, v4  }
0x4b: {  	v4 =	vperm.xlane v3, v0;
	_ =	sdelay $0x1  }
0x4c: {  	v3 =	vperm.xlane v3, v2;
	v4 =	vadd.s32 v1, v4;
	_ =	sdelay $0x1  }
0x4d: {  	v3 =	vadd.s32 v1, v3;
	_ =	sdelay $0x1  }
0x4e: {  	s0 =	rddreg [dreg:$0xa]  }
0x4f: {  	[tilespmem:s0], [sflag:$0x1] =	stream.indirect_vreg.gather [hbm4b:s3+s2], $0x80, v4, vm0, $0xb8;
	[tilespmem:$0x10100] =	vst v63  }
0x50: {  	s4 =	rddreg [dreg:$0xb]  }
0x51: {  	[tilespmem:s4], [sflag:$0x1] =	stream.indirect_vreg.gather [hbm4b:s3+s2], $0x80, v3, vm0, $0xb8;
	[tilespmem:$0x10100] =	vst v63  }
0x52: {  	v3 =	vld [tilespmem:$0x40];
	_ =	sdelay $0x4  }
0x53: {  	v52 =	vshll.u32 v3, $0x1  }
0x54: {  	v3 =	vand.u32 $0x7, v3;
	v4 =	vand.u32 $0xFFFFFFF0, v52  }
0x55: {  	v3 =	vor.u32 v3, v4  }
0x56: {  	v4 =	vperm.xlane v3, v0;
	_ =	sdelay $0x1  }
0x57: {  	v3 =	vperm.xlane v3, v2;
	v4 =	vadd.s32 v1, v4;
	_ =	sdelay $0x1  }
0x58: {  	v3 =	vadd.s32 v1, v3;
	_ =	sdelay $0x1  }
0x59: {  	s0 =	rddreg [dreg:$0xc]  }
0x5a: {  	[tilespmem:s0], [sflag:$0x1] =	stream.indirect_vreg.gather [hbm4b:s3+s2], $0x80, v4, vm0, $0xb8;
	[tilespmem:$0x10100] =	vst v63  }
0x5b: {  	s4 =	rddreg [dreg:$0xd]  }
0x5c: {  	[tilespmem:s4], [sflag:$0x1] =	stream.indirect_vreg.gather [hbm4b:s3+s2], $0x80, v3, vm0, $0xb8;
	[tilespmem:$0x10100] =	vst v63  }
0x5d: {  	v3 =	vld [tilespmem:$0x50];
	_ =	sdelay $0x4  }
0x5e: {  	v53 =	vshll.u32 v3, $0x1  }
0x5f: {  	v3 =	vand.u32 $0x7, v3;
	v4 =	vand.u32 $0xFFFFFFF0, v53  }
0x60: {  	v3 =	vor.u32 v3, v4  }
0x61: {  	v4 =	vperm.xlane v3, v0;
	_ =	sdelay $0x1  }
0x62: {  	v3 =	vperm.xlane v3, v2;
	v4 =	vadd.s32 v1, v4;
	_ =	sdelay $0x1  }
0x63: {  	v3 =	vadd.s32 v1, v3;
	_ =	sdelay $0x1  }
0x64: {  	s0 =	rddreg [dreg:$0xe]  }
0x65: {  	[tilespmem:s0], [sflag:$0x1] =	stream.indirect_vreg.gather [hbm4b:s3+s2], $0x80, v4, vm0, $0xb8;
	[tilespmem:$0x10100] =	vst v63  }
0x66: {  	s4 =	rddreg [dreg:$0xf]  }
0x67: {  	[tilespmem:s4], [sflag:$0x1] =	stream.indirect_vreg.gather [hbm4b:s3+s2], $0x80, v3, vm0, $0xb8;
	[tilespmem:$0x10100] =	vst v63  }
0x68: {  	v3 =	vld [tilespmem:$0x60];
	_ =	sdelay $0x4  }
0x69: {  	v54 =	vshll.u32 v3, $0x1  }
0x6a: {  	v3 =	vand.u32 $0x7, v3;
	v4 =	vand.u32 $0xFFFFFFF0, v54  }
0x6b: {  	v3 =	vor.u32 v3, v4  }
0x6c: {  	v4 =	vperm.xlane v3, v0;
	_ =	sdelay $0x1  }
0x6d: {  	v3 =	vperm.xlane v3, v2;
	v4 =	vadd.s32 v1, v4;
	_ =	sdelay $0x1  }
0x6e: {  	v3 =	vadd.s32 v1, v3;
	_ =	sdelay $0x1  }
0x6f: {  	s0 =	rddreg [dreg:$0x10]  }
0x70: {  	[tilespmem:s0], [sflag:$0x1] =	stream.indirect_vreg.gather [hbm4b:s3+s2], $0x80, v4, vm0, $0xb8;
	[tilespmem:$0x10100] =	vst v63  }
0x71: {  	s4 =	rddreg [dreg:$0x11]  }
0x72: {  	[tilespmem:s4], [sflag:$0x1] =	stream.indirect_vreg.gather [hbm4b:s3+s2], $0x80, v3, vm0, $0xb8;
	[tilespmem:$0x10100] =	vst v63  }
0x73: {  	v3 =	vld [tilespmem:$0x70];
	_ =	sdelay $0x4  }
0x74: {  	v55 =	vshll.u32 v3, $0x1  }
0x75: {  	v3 =	vand.u32 $0x7, v3;
	v4 =	vand.u32 $0xFFFFFFF0, v55  }
0x76: {  	v3 =	vor.u32 v3, v4  }
0x77: {  	v4 =	vperm.xlane v3, v0;
	_ =	sdelay $0x1  }
0x78: {  	v3 =	vperm.xlane v3, v2;
	v4 =	vadd.s32 v1, v4;
	_ =	sdelay $0x1  }
0x79: {  	v3 =	vadd.s32 v1, v3;
	_ =	sdelay $0x1  }
0x7a: {  	s4 =	rddreg [dreg:$0x12]  }
0x7b: {  	[tilespmem:s4], [sflag:$0x1] =	stream.indirect_vreg.gather [hbm4b:s3+s2], $0x80, v4, vm0, $0xb8;
	[tilespmem:$0x10100] =	vst v63  }
0x7c: {  	_ = 	snop  }
0x7d: {  	[tilespmem:s9], [sflag:$0x1] =	stream.indirect_vreg.gather [hbm4b:s3+s2], $0x80, v3, vm0, $0xb8;
	[tilespmem:$0x10100] =	vst v63  }
0x7e: {  	v3 =	vld [tilespmem:$0x80];
	_ =	sdelay $0x4  }
0x7f: {  	v56 =	vshll.u32 v3, $0x1  }
0x80: {  	v3 =	vand.u32 $0x7, v3;
	v4 =	vand.u32 $0xFFFFFFF0, v56  }
0x81: {  	v3 =	vor.u32 v3, v4  }
0x82: {  	v4 =	vperm.xlane v3, v0;
	_ =	sdelay $0x1  }
0x83: {  	v3 =	vperm.xlane v3, v2;
	v4 =	vadd.s32 v1, v4;
	_ =	sdelay $0x1  }
0x84: {  	v3 =	vadd.s32 v1, v3;
	_ =	sdelay $0x2  }
0x85: {  	[tilespmem:s10], [sflag:$0x2] =	stream.indirect_vreg.gather [hbm4b:s3+s2], $0x80, v4, vm0, $0xb8;
	[tilespmem:$0x10100] =	vst v63  }
0x86: {  	_ = 	snop  }
0x87: {  	[tilespmem:s11], [sflag:$0x2] =	stream.indirect_vreg.gather [hbm4b:s3+s2], $0x80, v3, vm0, $0xb8;
	[tilespmem:$0x10100] =	vst v63  }
0x88: {  	v3 =	vld [tilespmem:$0x90];
	_ =	sdelay $0x4  }
0x89: {  	v57 =	vshll.u32 v3, $0x1  }
0x8a: {  	v3 =	vand.u32 $0x7, v3;
	v4 =	vand.u32 $0xFFFFFFF0, v57  }
0x8b: {  	v3 =	vor.u32 v3, v4  }
0x8c: {  	v4 =	vperm.xlane v3, v0;
	_ =	sdelay $0x1  }
0x8d: {  	v3 =	vperm.xlane v3, v2;
	v4 =	vadd.s32 v1, v4;
	_ =	sdelay $0x1  }
0x8e: {  	v3 =	vadd.s32 v1, v3;
	_ =	sdelay $0x2  }
0x8f: {  	[tilespmem:s12], [sflag:$0x2] =	stream.indirect_vreg.gather [hbm4b:s3+s2], $0x80, v4, vm0, $0xb8;
	[tilespmem:$0x10100] =	vst v63  }
0x90: {  	_ = 	snop  }
0x91: {  	[tilespmem:s13], [sflag:$0x2] =	stream.indirect_vreg.gather [hbm4b:s3+s2], $0x80, v3, vm0, $0xb8;
	[tilespmem:$0x10100] =	vst v63  }
0x92: {  	v3 =	vld [tilespmem:$0xA0];
	_ =	sdelay $0x4  }
0x93: {  	v58 =	vshll.u32 v3, $0x1  }
0x94: {  	v3 =	vand.u32 $0x7, v3;
	v4 =	vand.u32 $0xFFFFFFF0, v58  }
0x95: {  	v3 =	vor.u32 v3, v4  }
0x96: {  	v4 =	vperm.xlane v3, v0;
	_ =	sdelay $0x1  }
0x97: {  	v3 =	vperm.xlane v3, v2;
	v4 =	vadd.s32 v1, v4;
	_ =	sdelay $0x1  }
0x98: {  	v3 =	vadd.s32 v1, v3;
	_ =	sdelay $0x2  }
0x99: {  	[tilespmem:s14], [sflag:$0x2] =	stream.indirect_vreg.gather [hbm4b:s3+s2], $0x80, v4, vm0, $0xb8;
	[tilespmem:$0x10100] =	vst v63  }
0x9a: {  	_ = 	snop  }
0x9b: {  	[tilespmem:s15], [sflag:$0x2] =	stream.indirect_vreg.gather [hbm4b:s3+s2], $0x80, v3, vm0, $0xb8;
	[tilespmem:$0x10100] =	vst v63  }
0x9c: {  	v3 =	vld [tilespmem:$0xB0];
	_ =	sdelay $0x4  }
0x9d: {  	v59 =	vshll.u32 v3, $0x1  }
0x9e: {  	v3 =	vand.u32 $0x7, v3;
	v4 =	vand.u32 $0xFFFFFFF0, v59  }
0x9f: {  	v3 =	vor.u32 v3, v4  }
0xa0: {  	v4 =	vperm.xlane v3, v0;
	_ =	sdelay $0x1  }
0xa1: {  	v3 =	vperm.xlane v3, v2;
	v4 =	vadd.s32 v1, v4;
	_ =	sdelay $0x1  }
0xa2: {  	v3 =	vadd.s32 v1, v3;
	_ =	sdelay $0x2  }
0xa3: {  	[tilespmem:s16], [sflag:$0x2] =	stream.indirect_vreg.gather [hbm4b:s3+s2], $0x80, v4, vm0, $0xb8;
	[tilespmem:$0x10100] =	vst v63  }
0xa4: {  	_ = 	snop  }
0xa5: {  	[tilespmem:s17], [sflag:$0x2] =	stream.indirect_vreg.gather [hbm4b:s3+s2], $0x80, v3, vm0, $0xb8;
	[tilespmem:$0x10100] =	vst v63  }
0xa6: {  	v3 =	vld [tilespmem:$0xC0];
	_ =	sdelay $0x4  }
0xa7: {  	v60 =	vshll.u32 v3, $0x1  }
0xa8: {  	v3 =	vand.u32 $0x7, v3;
	v4 =	vand.u32 $0xFFFFFFF0, v60  }
0xa9: {  	v3 =	vor.u32 v3, v4  }
0xaa: {  	v4 =	vperm.xlane v3, v0;
	_ =	sdelay $0x1  }
0xab: {  	v3 =	vperm.xlane v3, v2;
	v4 =	vadd.s32 v1, v4;
	_ =	sdelay $0x1  }
0xac: {  	v3 =	vadd.s32 v1, v3;
	_ =	sdelay $0x2  }
0xad: {  	[tilespmem:s18], [sflag:$0x2] =	stream.indirect_vreg.gather [hbm4b:s3+s2], $0x80, v4, vm0, $0xb8;
	[tilespmem:$0x10100] =	vst v63  }
0xae: {  	_ = 	snop  }
0xaf: {  	[tilespmem:s19], [sflag:$0x2] =	stream.indirect_vreg.gather [hbm4b:s3+s2], $0x80, v3, vm0, $0xb8;
	[tilespmem:$0x10100] =	vst v63  }
0xb0: {  	v3 =	vld [tilespmem:$0xD0];
	_ =	sdelay $0x4  }
0xb1: {  	v61 =	vshll.u32 v3, $0x1  }
0xb2: {  	v3 =	vand.u32 $0x7, v3;
	v4 =	vand.u32 $0xFFFFFFF0, v61  }
0xb3: {  	v3 =	vor.u32 v3, v4  }
0xb4: {  	v4 =	vperm.xlane v3, v0;
	_ =	sdelay $0x1  }
0xb5: {  	v3 =	vperm.xlane v3, v2;
	v4 =	vadd.s32 v1, v4;
	_ =	sdelay $0x1  }
0xb6: {  	v3 =	vadd.s32 v1, v3;
	_ =	sdelay $0x2  }
0xb7: {  	[tilespmem:s20], [sflag:$0x2] =	stream.indirect_vreg.gather [hbm4b:s3+s2], $0x80, v4, vm0, $0xb8;
	[tilespmem:$0x10100] =	vst v63  }
0xb8: {  	_ = 	snop  }
0xb9: {  	[tilespmem:s21], [sflag:$0x2] =	stream.indirect_vreg.gather [hbm4b:s3+s2], $0x80, v3, vm0, $0xb8;
	[tilespmem:$0x10100] =	vst v63  }
0xba: {  	v3 =	vld [tilespmem:$0xE0];
	_ =	sdelay $0x4  }
0xbb: {  	v62 =	vshll.u32 v3, $0x1  }
0xbc: {  	v3 =	vand.u32 $0x7, v3;
	v4 =	vand.u32 $0xFFFFFFF0, v62  }
0xbd: {  	v3 =	vor.u32 v3, v4  }
0xbe: {  	v4 =	vperm.xlane v3, v0;
	_ =	sdelay $0x1  }
0xbf: {  	v3 =	vperm.xlane v3, v2;
	v4 =	vadd.s32 v1, v4;
	_ =	sdelay $0x1  }
0xc0: {  	v3 =	vadd.s32 v1, v3;
	_ =	sdelay $0x2  }
0xc1: {  	[tilespmem:s22], [sflag:$0x2] =	stream.indirect_vreg.gather [hbm4b:s3+s2], $0x80, v4, vm0, $0xb8;
	[tilespmem:$0x10100] =	vst v63  }
0xc2: {  	_ = 	snop  }
0xc3: {  	[tilespmem:s23], [sflag:$0x2] =	stream.indirect_vreg.gather [hbm4b:s3+s2], $0x80, v3, vm0, $0xb8;
	[tilespmem:$0x10100] =	vst v63  }
0xc4: {  	v3 =	vld [tilespmem:$0xF0];
	_ =	sdelay $0x4  }
0xc5: {  	v63 =	vshll.u32 v3, $0x1  }
0xc6: {  	v3 =	vand.u32 $0x7, v3;
	v4 =	vand.u32 $0xFFFFFFF0, v63  }
0xc7: {  	v3 =	vor.u32 v3, v4  }
0xc8: {  	v4 =	vperm.xlane v3, v0;
	_ =	sdelay $0x1  }
0xc9: {  	v3 =	vperm.xlane v3, v2;
	v4 =	vadd.s32 v1, v4;
	_ =	sdelay $0x1  }
0xca: {  	v3 =	vadd.s32 v1, v3;
	_ =	sdelay $0x2  }
0xcb: {  	[tilespmem:s24], [sflag:$0x2] =	stream.indirect_vreg.gather [hbm4b:s3+s2], $0x80, v4, vm0, $0xb8;
	[tilespmem:$0x10100] =	vst v63  }
0xcc: {  	_ = 	snop  }
0xcd: {  	[tilespmem:s25], [sflag:$0x2] =	stream.indirect_vreg.gather [hbm4b:s3+s2], $0x80, v3, vm0, $0xb8;
	[tilespmem:$0x10100] =	vst v63  }
0xce: {  	_ =	swait.ge [sflag:s26], $0x8000  }
0xcf: {  	[sflag:s26] =	ssyncset.done $0x0  }
0xd0: {  	[sflag:s26] =	ssyncadd.s32 $0xFFFF8000  }
0xd1: {  	_ =	swait.ge [sflag:s28], $0x8000  }
0xd2: {  	[sflag:s28] =	ssyncset.done $0x0  }
0xd3: {  	[sflag:s28] =	ssyncadd.s32 $0xFFFF8000  }
0xd4: {  	[hbm4b:s30+s2] =	stream.linear.scatter [tilespmem:s8], [sflag:$0x3], $0x8000, $0x38;
	[tilespmem:$0x10100] =	vst v63  }
0xd5: {  	_ =	swait.ge [sflag:s7], $0x8000  }
0xd6: {  	p0 =	sne.s32 s1, $0x4E0;
	[sflag:s7] =	ssyncset.done $0x0  }
.Ltmp0:
0xd7: {  	[sflag:s7] =	ssyncadd.s32 $0xFFFF8000;
	(pc) =	sbr.rel @p0 .LBB2_2-.Ltmp0, $4  }
0xd8: {  	[hbm4b:s31+s2] =	stream.linear.scatter [tilespmem:s10], [sflag:$0x3], $0x8000, $0x38;
	[tilespmem:$0x10100] =	vst v63  }
0xd9: {  	_ =	swait.ge [sflag:s7], $0x8000  }
0xda: {  	s1 =	sadd.s32 $0x10, s1;
	[sflag:s7] =	ssyncset.done $0x0  }
0xdb: {  	s30 =	sadd.s32 $0x1000, s30;
	s31 =	sadd.s32 $0x1000, s31;
	[sflag:s7] =	ssyncadd.s32 $0xFFFF8000  }
0xdc: {  	s29 =	sadd.s32 $0x1, s29;
	s0 =	rddreg [dreg:$0x13]  }
0xdd: {  	p0 =	sne.s32 s29, s0  }
.Ltmp1:
0xde: {  	_ = 	snop;
	(pc) =	sbr.rel @p0 .LBB2_1-.Ltmp1, $1  }
0xdf: {  	_ =	sdelay $0x3  }
0xe0: {  	_ =	sfence.sel $0x180000  }
0xe1: {  	[bflag:$0x0] =	sbarrier.arrive $0xFFFF  }
0xe2: {  	_ =	strace $0x9000004D  }
0xe3: {  	s0 =	stileid.u32;
	[bflag:$0x2] =	sbarrier.arrive $0xFFFF  }
0xe4: {  	p0 =	sne.s32 s0, $0x0;
	s0 =	rddreg [dreg:$0x1]  }
0xe5: {  	s0 =	sadd.s32 @!p0 $0x100000, s0  }
0xe6: {  	[sflag:s0] =	ssyncadd.tile.s32 @!p0 $0x1;
	_ =	shalt  }
.Lfunc_end2:
_tile_overlayer_lowered:
.L_overlay_start_2:
0xe7: {  	(tag) =	ssettag $0x2  }
0xe8: {  	s0 =	rddreg [dreg:$0x0];
	s2 =	stileid.u32  }
0xe9: {  	s1 =	rddreg [dreg:$0x1];
	p0 =	sne.s32 s2, $0x0  }
0xea: {  	s3 =	rddreg [dreg:$0x2];
	[bflag:$0x3] =	sbarrier.arrive $0xFFFF;
	s2 =	simm.s32 @!p0 $0x1C03  }
0xeb: {  	[timem:s3], [sflag:s2] =	dma.local @!p0 [hbm:s0], s1  }
0xec: {  	s0 =	simm.s32 @!p0 $0x3  }
0xed: {  	_ =	swait.ge @!p0 [sflag:s0], s1  }
0xee: {  	s1 =	ssub.s32 @!p0 $0x0, s1;
	[sflag:s0] =	ssyncset.done @!p0 $0x0  }
0xef: {  	[sflag:s0] =	ssyncadd.s32 @!p0 s1  }
0xf0: {  	[bflag:$0x3] =	sbarrier.arrive $0xFFFF  }
0xf1: {  	_ =	shalt  }

</sc_bundles>
